<compile_context>
chip_gen: v7x
topology: tpu7x:2x2x1
jax: 0.10.2.dev20260603
libtpu: 0.0.44.dev20260713+nightly
codegen_flags: <defaults>
</compile_context>

<pallas_src>
import functools

import jax
import jax.numpy as jnp
from jax import lax
from jax.experimental import pallas as pl
from jax.experimental.pallas import tpu as pltpu
from jax.experimental.pallas import tpu_sc as plsc

NUM_USERS = 100000
EMBED_DIM = 64
BATCH = 16384

_NC = 2
_NS = 16
_NW = _NC * _NS
_D_PER_W = EMBED_DIM // _NW
_CHUNK = 4096
_N_CHUNKS = BATCH // _CHUNK
_GRP = 16

_mesh = plsc.VectorSubcoreMesh(core_axis_name="c", subcore_axis_name="s")


@functools.partial(
    pl.kernel,
    mesh=_mesh,
    out_type=jax.ShapeDtypeStruct((EMBED_DIM, BATCH), jnp.float32),
    scratch_types=[
        pltpu.VMEM((NUM_USERS,), jnp.float32),
        pltpu.VMEM((BATCH,), jnp.int32),
        pltpu.VMEM((2, _CHUNK), jnp.float32),
        pltpu.VMEM_SHARED((BATCH,), jnp.int32),
        pltpu.SemaphoreType.DMA,
        pltpu.SemaphoreType.DMA,
    ],
    compiler_params=pltpu.CompilerParams(needs_layout_passes=False),
)
def _gather_kernel(idx_hbm, tab_t_hbm, out_t_hbm, row_v, idx_v, out_v,
                   idx_sh, sem_idx, sem_out):
    wid = lax.axis_index("s") * _NC + lax.axis_index("c")
    sid = lax.axis_index("s")

    @pl.when(sid == 0)
    def _():
        pltpu.sync_copy(idx_hbm, idx_sh)

    out_cps = [None, None]
    for r in range(_D_PER_W):
        d = wid * _D_PER_W + r
        pltpu.sync_copy(tab_t_hbm.at[d], row_v)
        if r == 0:
            plsc.subcore_barrier()
            pltpu.async_copy(idx_sh, idx_v, sem_idx).wait()
        for h in range(_N_CHUNKS):
            buf = h % 2
            if out_cps[buf] is not None:
                out_cps[buf].wait()
                out_cps[buf] = None

            def gather_block(k, carry, h=h, buf=buf):
                base = h * _CHUNK + k * (16 * _GRP)
                vecs = [idx_v[pl.ds(base + 16 * j, 16)] for j in range(_GRP)]
                gs = [plsc.load_gather(row_v, [v]) for v in vecs]
                off = k * (16 * _GRP)
                for j in range(_GRP):
                    out_v[buf, pl.ds(off + 16 * j, 16)] = gs[j]
                return carry

            lax.fori_loop(0, _CHUNK // (16 * _GRP), gather_block, 0)
            out_cps[buf] = pltpu.async_copy(
                out_v.at[buf],
                out_t_hbm.at[d, pl.ds(h * _CHUNK, _CHUNK)],
                sem_out,
            )
    for cp in out_cps:
        if cp is not None:
            cp.wait()


def kernel(idx, embedding_table):
    out_t = _gather_kernel(idx.astype(jnp.int32), embedding_table.T)
    return out_t.T

# --- scband reference (transcript-rebuilt; emitter-appended) ---
"""Pipeline reference for scband-user-lastfm-51161650430610 (READ-ONLY COPY).

The authoritative reference and input builder live on the scoring server;
editing this copy changes nothing except your own understanding.
"""

import jax, jax.numpy as jnp
import numpy as np

NUM_USERS = 100000
EMBED_DIM = 64
BATCH = 16384

def setup_inputs(seed: int = 0) -> dict:
    key = jax.random.key(seed)
    k1, k2 = jax.random.split(key)
    idx = jax.random.randint(k1, (BATCH,), 0, NUM_USERS, dtype=jnp.int64 if jax.config.jax_enable_x64 else jnp.int32)
    embedding_table = jax.random.normal(k2, (NUM_USERS, EMBED_DIM), dtype=jnp.float32)
    return {"idx": idx, "embedding_table": embedding_table}

def reference(idx, embedding_table):
    # nn.Embedding lookup -> row gather
    location_emb = jnp.take(embedding_table, idx, axis=0)
    return location_emb

if __name__ == "__main__":
    import jax
    _d = setup_inputs()
    print(jax.jit(kernel)(*tuple(_d.values())))

</pallas_src>

<mosaic_0001>
#map = affine_map<(d0, d1) -> (0)>
#map1 = affine_map<(d0, d1) -> (0, 0)>
module attributes {stable_mosaic.version = 14 : i64} {
  func.func @_gather_kernel(%arg0: i32, %arg1: i32, %arg2: memref<16384xi32, #tpu.memory_space<hbm>>, %arg3: memref<64x100000xf32, #tpu.memory_space<hbm>>, %arg4: memref<64x16384xf32, #tpu.memory_space<hbm>>, %arg5: memref<100000xf32, #tpu.memory_space<vmem>>, %arg6: memref<16384xi32, #tpu.memory_space<vmem>>, %arg7: memref<2x4096xf32, #tpu.memory_space<vmem>>, %arg8: memref<16384xi32, #tpu.memory_space<vmem_shared>>, %arg9: memref<!tpu.dma_semaphore, #tpu.memory_space<semaphore_mem>>, %arg10: memref<!tpu.dma_semaphore, #tpu.memory_space<semaphore_mem>>) attributes {dimension_semantics = [#tpu.dimension_semantics<core_parallel>, #tpu.dimension_semantics<subcore_parallel>], iteration_bounds = array<i64: 2, 16>, scalar_prefetch = 0 : i64, scratch_operands = 6 : i64, tpu.core_type = #tpu.core_type<sc_vector_subcore>, window_params = [{transform_indices = #map}, {transform_indices = #map1}, {transform_indices = #map1}]} {
    %mul3A = arith.constant 2 : i32
    %mul3A_0 = arith.muli %arg1, %mul3A : i32
    %add3A = arith.addi %mul3A_0, %arg0 : i32
    %eq3A = arith.constant 0 : i32
    %eq3A_1 = arith.cmpi eq, %arg1, %eq3A : i32
    %convert_element_type3A = arith.extui %eq3A_1 : i1 to i32
    %cond3A = arith.constant 0 : i32
    %cond3A_2 = arith.cmpi ne, %convert_element_type3A, %cond3A : i32
    scf.if %cond3A_2 {
      "tpu.region"() ({
        %run_scoped3A = tpu.sem_alloc : memref<!tpu.dma_semaphore, #tpu.memory_space<semaphore_mem>>
        tpu.enqueue_dma source(%arg2 : memref<16384xi32, #tpu.memory_space<hbm>>) target(%arg8 : memref<16384xi32, #tpu.memory_space<vmem_shared>>) target_semaphore(%run_scoped3A : memref<!tpu.dma_semaphore, #tpu.memory_space<semaphore_mem>>)
        tpu.wait_dma2 semaphore(%run_scoped3A : memref<!tpu.dma_semaphore, #tpu.memory_space<semaphore_mem>>) src(%arg2 : memref<16384xi32, #tpu.memory_space<hbm>>) dst(%arg8 : memref<16384xi32, #tpu.memory_space<vmem_shared>>)
        tpu.yield
      }) : () -> ()
    } else {
    }
    %mul3A_3 = arith.constant 2 : i32
    %mul3A_4 = arith.muli %add3A, %mul3A_3 : i32
    %add3A_5 = arith.constant 0 : i32
    %add3A_6 = arith.addi %mul3A_4, %add3A_5 : i32
    "tpu.region"() ({
      %run_scoped3A = tpu.sem_alloc : memref<!tpu.dma_semaphore, #tpu.memory_space<semaphore_mem>>
      %dma_start3A_264 = arith.constant 0 : i32
      %dma_start3A_265 = tpu.memref_slice %arg3[%add3A_6, %dma_start3A_264] : memref<64x100000xf32, #tpu.memory_space<hbm>> -> memref<1x100000xf32, #tpu.memory_space<hbm>>
      %dma_start3A_266 = tpu.memref_squeeze %dma_start3A_265 : memref<1x100000xf32, #tpu.memory_space<hbm>> -> memref<100000xf32, #tpu.memory_space<hbm>>
      %dma_start3A_267 = arith.constant 0 : i32
      %dma_start3A_268 = tpu.memref_slice %arg3[%add3A_6, %dma_start3A_267] : memref<64x100000xf32, #tpu.memory_space<hbm>> -> memref<1x100000xf32, #tpu.memory_space<hbm>>
      %dma_start3A_269 = tpu.memref_squeeze %dma_start3A_268 : memref<1x100000xf32, #tpu.memory_space<hbm>> -> memref<100000xf32, #tpu.memory_space<hbm>>
      tpu.enqueue_dma source(%dma_start3A_269 : memref<100000xf32, #tpu.memory_space<hbm>>) target(%arg5 : memref<100000xf32, #tpu.memory_space<vmem>>) target_semaphore(%run_scoped3A : memref<!tpu.dma_semaphore, #tpu.memory_space<semaphore_mem>>)
      %dma_wait3A_270 = arith.constant 0 : i32
      %dma_wait3A_271 = tpu.memref_slice %arg3[%add3A_6, %dma_wait3A_270] : memref<64x100000xf32, #tpu.memory_space<hbm>> -> memref<1x100000xf32, #tpu.memory_space<hbm>>
      %dma_wait3A_272 = tpu.memref_squeeze %dma_wait3A_271 : memref<1x100000xf32, #tpu.memory_space<hbm>> -> memref<100000xf32, #tpu.memory_space<hbm>>
      %dma_wait3A_273 = arith.constant 0 : i32
      %dma_wait3A_274 = tpu.memref_slice %arg3[%add3A_6, %dma_wait3A_273] : memref<64x100000xf32, #tpu.memory_space<hbm>> -> memref<1x100000xf32, #tpu.memory_space<hbm>>
      %dma_wait3A_275 = tpu.memref_squeeze %dma_wait3A_274 : memref<1x100000xf32, #tpu.memory_space<hbm>> -> memref<100000xf32, #tpu.memory_space<hbm>>
      tpu.wait_dma2 semaphore(%run_scoped3A : memref<!tpu.dma_semaphore, #tpu.memory_space<semaphore_mem>>) src(%dma_wait3A_275 : memref<100000xf32, #tpu.memory_space<hbm>>) dst(%arg5 : memref<100000xf32, #tpu.memory_space<vmem>>)
      tpu.yield
    }) : () -> ()
    %barrier3A = arith.constant 0 : index
    tpu.barrier barrier_id(%barrier3A)
    tpu.enqueue_dma source(%arg8 : memref<16384xi32, #tpu.memory_space<vmem_shared>>) target(%arg6 : memref<16384xi32, #tpu.memory_space<vmem>>) target_semaphore(%arg9 : memref<!tpu.dma_semaphore, #tpu.memory_space<semaphore_mem>>)
    tpu.wait_dma2 semaphore(%arg9 : memref<!tpu.dma_semaphore, #tpu.memory_space<semaphore_mem>>) src(%arg8 : memref<16384xi32, #tpu.memory_space<vmem_shared>>) dst(%arg6 : memref<16384xi32, #tpu.memory_space<vmem>>)
    %scan3A = arith.constant 0 : i32
    %scan3A_7 = arith.constant 0 : i32
    %scan3A_8 = arith.constant 16 : i32
    %scan3A_9 = arith.addi %scan3A_7, %scan3A_8 : i32
    %scan3A_10 = arith.constant 1 : i32
    scf.for %scan3A_264 = %scan3A_7 to %scan3A_9 step %scan3A_10  : i32 {
      %mul3A_265 = arith.constant 256 : i32
      %mul3A_266 = arith.muli %scan3A_264, %mul3A_265 : i32
      %add3A_267 = arith.constant 0 : i32
      %add3A_268 = arith.addi %add3A_267, %mul3A_266 : i32
      %add3A_269 = arith.constant 0 : i32
      %add3A_270 = arith.addi %add3A_268, %add3A_269 : i32
      %get3A = arith.index_cast %add3A_270 : i32 to index
      %get3A_271 = tpu.vector_load %arg6[%get3A] {strides = array<i32>} : memref<16384xi32, #tpu.memory_space<vmem>>, vector<16xi32>,
      %add3A_272 = arith.constant 16 : i32
      %add3A_273 = arith.addi %add3A_268, %add3A_272 : i32
      %get3A_274 = arith.index_cast %add3A_273 : i32 to index
      %get3A_275 = tpu.vector_load %arg6[%get3A_274] {strides = array<i32>} : memref<16384xi32, #tpu.memory_space<vmem>>, vector<16xi32>,
      %add3A_276 = arith.constant 32 : i32
      %add3A_277 = arith.addi %add3A_268, %add3A_276 : i32
      %get3A_278 = arith.index_cast %add3A_277 : i32 to index
      %get3A_279 = tpu.vector_load %arg6[%get3A_278] {strides = array<i32>} : memref<16384xi32, #tpu.memory_space<vmem>>, vector<16xi32>,
      %add3A_280 = arith.constant 48 : i32
      %add3A_281 = arith.addi %add3A_268, %add3A_280 : i32
      %get3A_282 = arith.index_cast %add3A_281 : i32 to index
      %get3A_283 = tpu.vector_load %arg6[%get3A_282] {strides = array<i32>} : memref<16384xi32, #tpu.memory_space<vmem>>, vector<16xi32>,
      %add3A_284 = arith.constant 64 : i32
      %add3A_285 = arith.addi %add3A_268, %add3A_284 : i32
      %get3A_286 = arith.index_cast %add3A_285 : i32 to index
      %get3A_287 = tpu.vector_load %arg6[%get3A_286] {strides = array<i32>} : memref<16384xi32, #tpu.memory_space<vmem>>, vector<16xi32>,
      %add3A_288 = arith.constant 80 : i32
      %add3A_289 = arith.addi %add3A_268, %add3A_288 : i32
      %get3A_290 = arith.index_cast %add3A_289 : i32 to index
      %get3A_291 = tpu.vector_load %arg6[%get3A_290] {strides = array<i32>} : memref<16384xi32, #tpu.memory_space<vmem>>, vector<16xi32>,
      %add3A_292 = arith.constant 96 : i32
      %add3A_293 = arith.addi %add3A_268, %add3A_292 : i32
      %get3A_294 = arith.index_cast %add3A_293 : i32 to index
      %get3A_295 = tpu.vector_load %arg6[%get3A_294] {strides = array<i32>} : memref<16384xi32, #tpu.memory_space<vmem>>, vector<16xi32>,
      %add3A_296 = arith.constant 112 : i32
      %add3A_297 = arith.addi %add3A_268, %add3A_296 : i32
      %get3A_298 = arith.index_cast %add3A_297 : i32 to index
      %get3A_299 = tpu.vector_load %arg6[%get3A_298] {strides = array<i32>} : memref<16384xi32, #tpu.memory_space<vmem>>, vector<16xi32>,
      %add3A_300 = arith.constant 128 : i32
      %add3A_301 = arith.addi %add3A_268, %add3A_300 : i32
      %get3A_302 = arith.index_cast %add3A_301 : i32 to index
      %get3A_303 = tpu.vector_load %arg6[%get3A_302] {strides = array<i32>} : memref<16384xi32, #tpu.memory_space<vmem>>, vector<16xi32>,
      %add3A_304 = arith.constant 144 : i32
      %add3A_305 = arith.addi %add3A_268, %add3A_304 : i32
      %get3A_306 = arith.index_cast %add3A_305 : i32 to index
      %get3A_307 = tpu.vector_load %arg6[%get3A_306] {strides = array<i32>} : memref<16384xi32, #tpu.memory_space<vmem>>, vector<16xi32>,
      %add3A_308 = arith.constant 160 : i32
      %add3A_309 = arith.addi %add3A_268, %add3A_308 : i32
      %get3A_310 = arith.index_cast %add3A_309 : i32 to index
      %get3A_311 = tpu.vector_load %arg6[%get3A_310] {strides = array<i32>} : memref<16384xi32, #tpu.memory_space<vmem>>, vector<16xi32>,
      %add3A_312 = arith.constant 176 : i32
      %add3A_313 = arith.addi %add3A_268, %add3A_312 : i32
      %get3A_314 = arith.index_cast %add3A_313 : i32 to index
      %get3A_315 = tpu.vector_load %arg6[%get3A_314] {strides = array<i32>} : memref<16384xi32, #tpu.memory_space<vmem>>, vector<16xi32>,
      %add3A_316 = arith.constant 192 : i32
      %add3A_317 = arith.addi %add3A_268, %add3A_316 : i32
      %get3A_318 = arith.index_cast %add3A_317 : i32 to index
      %get3A_319 = tpu.vector_load %arg6[%get3A_318] {strides = array<i32>} : memref<16384xi32, #tpu.memory_space<vmem>>, vector<16xi32>,
      %add3A_320 = arith.constant 208 : i32
      %add3A_321 = arith.addi %add3A_268, %add3A_320 : i32
      %get3A_322 = arith.index_cast %add3A_321 : i32 to index
      %get3A_323 = tpu.vector_load %arg6[%get3A_322] {strides = array<i32>} : memref<16384xi32, #tpu.memory_space<vmem>>, vector<16xi32>,
      %add3A_324 = arith.constant 224 : i32
      %add3A_325 = arith.addi %add3A_268, %add3A_324 : i32
      %get3A_326 = arith.index_cast %add3A_325 : i32 to index
      %get3A_327 = tpu.vector_load %arg6[%get3A_326] {strides = array<i32>} : memref<16384xi32, #tpu.memory_space<vmem>>, vector<16xi32>,
      %add3A_328 = arith.constant 240 : i32
      %add3A_329 = arith.addi %add3A_268, %add3A_328 : i32
      %get3A_330 = arith.index_cast %add3A_329 : i32 to index
      %get3A_331 = tpu.vector_load %arg6[%get3A_330] {strides = array<i32>} : memref<16384xi32, #tpu.memory_space<vmem>>, vector<16xi32>,
      %gather3A = tpu.vector_load_idx %arg5[%get3A_271] : memref<100000xf32, #tpu.memory_space<vmem>>[vector<16xi32>], vector<16xf32>,
      %gather3A_332 = tpu.vector_load_idx %arg5[%get3A_275] : memref<100000xf32, #tpu.memory_space<vmem>>[vector<16xi32>], vector<16xf32>,
      %gather3A_333 = tpu.vector_load_idx %arg5[%get3A_279] : memref<100000xf32, #tpu.memory_space<vmem>>[vector<16xi32>], vector<16xf32>,
      %gather3A_334 = tpu.vector_load_idx %arg5[%get3A_283] : memref<100000xf32, #tpu.memory_space<vmem>>[vector<16xi32>], vector<16xf32>,
      %gather3A_335 = tpu.vector_load_idx %arg5[%get3A_287] : memref<100000xf32, #tpu.memory_space<vmem>>[vector<16xi32>], vector<16xf32>,
      %gather3A_336 = tpu.vector_load_idx %arg5[%get3A_291] : memref<100000xf32, #tpu.memory_space<vmem>>[vector<16xi32>], vector<16xf32>,
      %gather3A_337 = tpu.vector_load_idx %arg5[%get3A_295] : memref<100000xf32, #tpu.memory_space<vmem>>[vector<16xi32>], vector<16xf32>,
      %gather3A_338 = tpu.vector_load_idx %arg5[%get3A_299] : memref<100000xf32, #tpu.memory_space<vmem>>[vector<16xi32>], vector<16xf32>,
      %gather3A_339 = tpu.vector_load_idx %arg5[%get3A_303] : memref<100000xf32, #tpu.memory_space<vmem>>[vector<16xi32>], vector<16xf32>,
      %gather3A_340 = tpu.vector_load_idx %arg5[%get3A_307] : memref<100000xf32, #tpu.memory_space<vmem>>[vector<16xi32>], vector<16xf32>,
      %gather3A_341 = tpu.vector_load_idx %arg5[%get3A_311] : memref<100000xf32, #tpu.memory_space<vmem>>[vector<16xi32>], vector<16xf32>,
      %gather3A_342 = tpu.vector_load_idx %arg5[%get3A_315] : memref<100000xf32, #tpu.memory_space<vmem>>[vector<16xi32>], vector<16xf32>,
      %gather3A_343 = tpu.vector_load_idx %arg5[%get3A_319] : memref<100000xf32, #tpu.memory_space<vmem>>[vector<16xi32>], vector<16xf32>,
      %gather3A_344 = tpu.vector_load_idx %arg5[%get3A_323] : memref<100000xf32, #tpu.memory_space<vmem>>[vector<16xi32>], vector<16xf32>,
      %gather3A_345 = tpu.vector_load_idx %arg5[%get3A_327] : memref<100000xf32, #tpu.memory_space<vmem>>[vector<16xi32>], vector<16xf32>,
      %gather3A_346 = tpu.vector_load_idx %arg5[%get3A_331] : memref<100000xf32, #tpu.memory_space<vmem>>[vector<16xi32>], vector<16xf32>,
      %mul3A_347 = arith.constant 256 : i32
      %mul3A_348 = arith.muli %scan3A_264, %mul3A_347 : i32
      %add3A_349 = arith.constant 0 : i32
      %add3A_350 = arith.addi %mul3A_348, %add3A_349 : i32
      %swap3A = arith.constant 0 : i32
      %swap3A_351 = arith.index_cast %swap3A : i32 to index
      %swap3A_352 = arith.index_cast %add3A_350 : i32 to index
      %swap3A_353 = tpu.vector_load %arg7[%swap3A_351, %swap3A_352] {strides = array<i32>} : memref<2x4096xf32, #tpu.memory_space<vmem>>, vector<16xf32>,
      tpu.vector_store %arg7[%swap3A_351, %swap3A_352], %gather3A {strides = array<i32>} : memref<2x4096xf32, #tpu.memory_space<vmem>>, vector<16xf32>,
      %add3A_354 = arith.constant 16 : i32
      %add3A_355 = arith.addi %mul3A_348, %add3A_354 : i32
      %swap3A_356 = arith.constant 0 : i32
      %swap3A_357 = arith.index_cast %swap3A_356 : i32 to index
      %swap3A_358 = arith.index_cast %add3A_355 : i32 to index
      %swap3A_359 = tpu.vector_load %arg7[%swap3A_357, %swap3A_358] {strides = array<i32>} : memref<2x4096xf32, #tpu.memory_space<vmem>>, vector<16xf32>,
      tpu.vector_store %arg7[%swap3A_357, %swap3A_358], %gather3A_332 {strides = array<i32>} : memref<2x4096xf32, #tpu.memory_space<vmem>>, vector<16xf32>,
      %add3A_360 = arith.constant 32 : i32
      %add3A_361 = arith.addi %mul3A_348, %add3A_360 : i32
      %swap3A_362 = arith.constant 0 : i32
      %swap3A_363 = arith.index_cast %swap3A_362 : i32 to index
      %swap3A_364 = arith.index_cast %add3A_361 : i32 to index
      %swap3A_365 = tpu.vector_load %arg7[%swap3A_363, %swap3A_364] {strides = array<i32>} : memref<2x4096xf32, #tpu.memory_space<vmem>>, vector<16xf32>,
      tpu.vector_store %arg7[%swap3A_363, %swap3A_364], %gather3A_333 {strides = array<i32>} : memref<2x4096xf32, #tpu.memory_space<vmem>>, vector<16xf32>,
      %add3A_366 = arith.constant 48 : i32
      %add3A_367 = arith.addi %mul3A_348, %add3A_366 : i32
      %swap3A_368 = arith.constant 0 : i32
      %swap3A_369 = arith.index_cast %swap3A_368 : i32 to index
      %swap3A_370 = arith.index_cast %add3A_367 : i32 to index
      %swap3A_371 = tpu.vector_load %arg7[%swap3A_369, %swap3A_370] {strides = array<i32>} : memref<2x4096xf32, #tpu.memory_space<vmem>>, vector<16xf32>,
      tpu.vector_store %arg7[%swap3A_369, %swap3A_370], %gather3A_334 {strides = array<i32>} : memref<2x4096xf32, #tpu.memory_space<vmem>>, vector<16xf32>,
      %add3A_372 = arith.constant 64 : i32
      %add3A_373 = arith.addi %mul3A_348, %add3A_372 : i32
      %swap3A_374 = arith.constant 0 : i32
      %swap3A_375 = arith.index_cast %swap3A_374 : i32 to index
      %swap3A_376 = arith.index_cast %add3A_373 : i32 to index
      %swap3A_377 = tpu.vector_load %arg7[%swap3A_375, %swap3A_376] {strides = array<i32>} : memref<2x4096xf32, #tpu.memory_space<vmem>>, vector<16xf32>,
      tpu.vector_store %arg7[%swap3A_375, %swap3A_376], %gather3A_335 {strides = array<i32>} : memref<2x4096xf32, #tpu.memory_space<vmem>>, vector<16xf32>,
      %add3A_378 = arith.constant 80 : i32
      %add3A_379 = arith.addi %mul3A_348, %add3A_378 : i32
      %swap3A_380 = arith.constant 0 : i32
      %swap3A_381 = arith.index_cast %swap3A_380 : i32 to index
      %swap3A_382 = arith.index_cast %add3A_379 : i32 to index
      %swap3A_383 = tpu.vector_load %arg7[%swap3A_381, %swap3A_382] {strides = array<i32>} : memref<2x4096xf32, #tpu.memory_space<vmem>>, vector<16xf32>,
      tpu.vector_store %arg7[%swap3A_381, %swap3A_382], %gather3A_336 {strides = array<i32>} : memref<2x4096xf32, #tpu.memory_space<vmem>>, vector<16xf32>,
      %add3A_384 = arith.constant 96 : i32
      %add3A_385 = arith.addi %mul3A_348, %add3A_384 : i32
      %swap3A_386 = arith.constant 0 : i32
      %swap3A_387 = arith.index_cast %swap3A_386 : i32 to index
      %swap3A_388 = arith.index_cast %add3A_385 : i32 to index
      %swap3A_389 = tpu.vector_load %arg7[%swap3A_387, %swap3A_388] {strides = array<i32>} : memref<2x4096xf32, #tpu.memory_space<vmem>>, vector<16xf32>,
      tpu.vector_store %arg7[%swap3A_387, %swap3A_388], %gather3A_337 {strides = array<i32>} : memref<2x4096xf32, #tpu.memory_space<vmem>>, vector<16xf32>,
      %add3A_390 = arith.constant 112 : i32
      %add3A_391 = arith.addi %mul3A_348, %add3A_390 : i32
      %swap3A_392 = arith.constant 0 : i32
      %swap3A_393 = arith.index_cast %swap3A_392 : i32 to index
      %swap3A_394 = arith.index_cast %add3A_391 : i32 to index
      %swap3A_395 = tpu.vector_load %arg7[%swap3A_393, %swap3A_394] {strides = array<i32>} : memref<2x4096xf32, #tpu.memory_space<vmem>>, vector<16xf32>,
      tpu.vector_store %arg7[%swap3A_393, %swap3A_394], %gather3A_338 {strides = array<i32>} : memref<2x4096xf32, #tpu.memory_space<vmem>>, vector<16xf32>,
      %add3A_396 = arith.constant 128 : i32
      %add3A_397 = arith.addi %mul3A_348, %add3A_396 : i32
      %swap3A_398 = arith.constant 0 : i32
      %swap3A_399 = arith.index_cast %swap3A_398 : i32 to index
      %swap3A_400 = arith.index_cast %add3A_397 : i32 to index
      %swap3A_401 = tpu.vector_load %arg7[%swap3A_399, %swap3A_400] {strides = array<i32>} : memref<2x4096xf32, #tpu.memory_space<vmem>>, vector<16xf32>,
      tpu.vector_store %arg7[%swap3A_399, %swap3A_400], %gather3A_339 {strides = array<i32>} : memref<2x4096xf32, #tpu.memory_space<vmem>>, vector<16xf32>,
      %add3A_402 = arith.constant 144 : i32
      %add3A_403 = arith.addi %mul3A_348, %add3A_402 : i32
      %swap3A_404 = arith.constant 0 : i32
      %swap3A_405 = arith.index_cast %swap3A_404 : i32 to index
      %swap3A_406 = arith.index_cast %add3A_403 : i32 to index
      %swap3A_407 = tpu.vector_load %arg7[%swap3A_405, %swap3A_406] {strides = array<i32>} : memref<2x4096xf32, #tpu.memory_space<vmem>>, vector<16xf32>,
      tpu.vector_store %arg7[%swap3A_405, %swap3A_406], %gather3A_340 {strides = array<i32>} : memref<2x4096xf32, #tpu.memory_space<vmem>>, vector<16xf32>,
      %add3A_408 = arith.constant 160 : i32
      %add3A_409 = arith.addi %mul3A_348, %add3A_408 : i32
      %swap3A_410 = arith.constant 0 : i32
      %swap3A_411 = arith.index_cast %swap3A_410 : i32 to index
      %swap3A_412 = arith.index_cast %add3A_409 : i32 to index
      %swap3A_413 = tpu.vector_load %arg7[%swap3A_411, %swap3A_412] {strides = array<i32>} : memref<2x4096xf32, #tpu.memory_space<vmem>>, vector<16xf32>,
      tpu.vector_store %arg7[%swap3A_411, %swap3A_412], %gather3A_341 {strides = array<i32>} : memref<2x4096xf32, #tpu.memory_space<vmem>>, vector<16xf32>,
      %add3A_414 = arith.constant 176 : i32
      %add3A_415 = arith.addi %mul3A_348, %add3A_414 : i32
      %swap3A_416 = arith.constant 0 : i32
      %swap3A_417 = arith.index_cast %swap3A_416 : i32 to index
      %swap3A_418 = arith.index_cast %add3A_415 : i32 to index
      %swap3A_419 = tpu.vector_load %arg7[%swap3A_417, %swap3A_418] {strides = array<i32>} : memref<2x4096xf32, #tpu.memory_space<vmem>>, vector<16xf32>,
      tpu.vector_store %arg7[%swap3A_417, %swap3A_418], %gather3A_342 {strides = array<i32>} : memref<2x4096xf32, #tpu.memory_space<vmem>>, vector<16xf32>,
      %add3A_420 = arith.constant 192 : i32
      %add3A_421 = arith.addi %mul3A_348, %add3A_420 : i32
      %swap3A_422 = arith.constant 0 : i32
      %swap3A_423 = arith.index_cast %swap3A_422 : i32 to index
      %swap3A_424 = arith.index_cast %add3A_421 : i32 to index
      %swap3A_425 = tpu.vector_load %arg7[%swap3A_423, %swap3A_424] {strides = array<i32>} : memref<2x4096xf32, #tpu.memory_space<vmem>>, vector<16xf32>,
      tpu.vector_store %arg7[%swap3A_423, %swap3A_424], %gather3A_343 {strides = array<i32>} : memref<2x4096xf32, #tpu.memory_space<vmem>>, vector<16xf32>,
      %add3A_426 = arith.constant 208 : i32
      %add3A_427 = arith.addi %mul3A_348, %add3A_426 : i32
      %swap3A_428 = arith.constant 0 : i32
      %swap3A_429 = arith.index_cast %swap3A_428 : i32 to index
      %swap3A_430 = arith.index_cast %add3A_427 : i32 to index
      %swap3A_431 = tpu.vector_load %arg7[%swap3A_429, %swap3A_430] {strides = array<i32>} : memref<2x4096xf32, #tpu.memory_space<vmem>>, vector<16xf32>,
      tpu.vector_store %arg7[%swap3A_429, %swap3A_430], %gather3A_344 {strides = array<i32>} : memref<2x4096xf32, #tpu.memory_space<vmem>>, vector<16xf32>,
      %add3A_432 = arith.constant 224 : i32
      %add3A_433 = arith.addi %mul3A_348, %add3A_432 : i32
      %swap3A_434 = arith.constant 0 : i32
      %swap3A_435 = arith.index_cast %swap3A_434 : i32 to index
      %swap3A_436 = arith.index_cast %add3A_433 : i32 to index
      %swap3A_437 = tpu.vector_load %arg7[%swap3A_435, %swap3A_436] {strides = array<i32>} : memref<2x4096xf32, #tpu.memory_space<vmem>>, vector<16xf32>,
      tpu.vector_store %arg7[%swap3A_435, %swap3A_436], %gather3A_345 {strides = array<i32>} : memref<2x4096xf32, #tpu.memory_space<vmem>>, vector<16xf32>,
      %add3A_438 = arith.constant 240 : i32
      %add3A_439 = arith.addi %mul3A_348, %add3A_438 : i32
      %swap3A_440 = arith.constant 0 : i32
      %swap3A_441 = arith.index_cast %swap3A_440 : i32 to index
      %swap3A_442 = arith.index_cast %add3A_439 : i32 to index
      %swap3A_443 = tpu.vector_load %arg7[%swap3A_441, %swap3A_442] {strides = array<i32>} : memref<2x4096xf32, #tpu.memory_space<vmem>>, vector<16xf32>,
      tpu.vector_store %arg7[%swap3A_441, %swap3A_442], %gather3A_346 {strides = array<i32>} : memref<2x4096xf32, #tpu.memory_space<vmem>>, vector<16xf32>,
    }
    %scan3A_11 = arith.constant 16 : i32
    %dma_start3A = arith.constant 0 : i32
    %dma_start3A_12 = arith.constant 0 : i32
    %dma_start3A_13 = tpu.memref_slice %arg7[%dma_start3A, %dma_start3A_12] : memref<2x4096xf32, #tpu.memory_space<vmem>> -> memref<1x4096xf32, #tpu.memory_space<vmem>>
    %dma_start3A_14 = tpu.memref_squeeze %dma_start3A_13 : memref<1x4096xf32, #tpu.memory_space<vmem>> -> memref<4096xf32, #tpu.memory_space<vmem>>
    %dma_start3A_15 = arith.constant 0 : i32
    %dma_start3A_16 = tpu.memref_slice %arg4[%add3A_6, %dma_start3A_15] : memref<64x16384xf32, #tpu.memory_space<hbm>> -> memref<1x4096xf32, #tpu.memory_space<hbm>>
    %dma_start3A_17 = tpu.memref_squeeze %dma_start3A_16 : memref<1x4096xf32, #tpu.memory_space<hbm>> -> memref<4096xf32, #tpu.memory_space<hbm>>
    %dma_start3A_18 = arith.constant 0 : i32
    %dma_start3A_19 = tpu.memref_slice %arg4[%add3A_6, %dma_start3A_18] : memref<64x16384xf32, #tpu.memory_space<hbm>> -> memref<1x4096xf32, #tpu.memory_space<hbm>>
    %dma_start3A_20 = tpu.memref_squeeze %dma_start3A_19 : memref<1x4096xf32, #tpu.memory_space<hbm>> -> memref<4096xf32, #tpu.memory_space<hbm>>
    %dma_start3A_21 = arith.constant 0 : i32
    %dma_start3A_22 = tpu.memref_slice %arg7[%dma_start3A, %dma_start3A_21] : memref<2x4096xf32, #tpu.memory_space<vmem>> -> memref<1x4096xf32, #tpu.memory_space<vmem>>
    %dma_start3A_23 = tpu.memref_squeeze %dma_start3A_22 : memref<1x4096xf32, #tpu.memory_space<vmem>> -> memref<4096xf32, #tpu.memory_space<vmem>>
    tpu.enqueue_dma source(%dma_start3A_23 : memref<4096xf32, #tpu.memory_space<vmem>>) target(%dma_start3A_20 : memref<4096xf32, #tpu.memory_space<hbm>>) target_semaphore(%arg10 : memref<!tpu.dma_semaphore, #tpu.memory_space<semaphore_mem>>)
    %scan3A_24 = arith.constant 0 : i32
    %scan3A_25 = arith.constant 0 : i32
    %scan3A_26 = arith.constant 16 : i32
    %scan3A_27 = arith.addi %scan3A_25, %scan3A_26 : i32
    %scan3A_28 = arith.constant 1 : i32
    scf.for %scan3A_264 = %scan3A_25 to %scan3A_27 step %scan3A_28  : i32 {
      %mul3A_265 = arith.constant 256 : i32
      %mul3A_266 = arith.muli %scan3A_264, %mul3A_265 : i32
      %add3A_267 = arith.constant 4096 : i32
      %add3A_268 = arith.addi %add3A_267, %mul3A_266 : i32
      %add3A_269 = arith.constant 0 : i32
      %add3A_270 = arith.addi %add3A_268, %add3A_269 : i32
      %get3A = arith.index_cast %add3A_270 : i32 to index
      %get3A_271 = tpu.vector_load %arg6[%get3A] {strides = array<i32>} : memref<16384xi32, #tpu.memory_space<vmem>>, vector<16xi32>,
      %add3A_272 = arith.constant 16 : i32
      %add3A_273 = arith.addi %add3A_268, %add3A_272 : i32
      %get3A_274 = arith.index_cast %add3A_273 : i32 to index
      %get3A_275 = tpu.vector_load %arg6[%get3A_274] {strides = array<i32>} : memref<16384xi32, #tpu.memory_space<vmem>>, vector<16xi32>,
      %add3A_276 = arith.constant 32 : i32
      %add3A_277 = arith.addi %add3A_268, %add3A_276 : i32
      %get3A_278 = arith.index_cast %add3A_277 : i32 to index
      %get3A_279 = tpu.vector_load %arg6[%get3A_278] {strides = array<i32>} : memref<16384xi32, #tpu.memory_space<vmem>>, vector<16xi32>,
      %add3A_280 = arith.constant 48 : i32
      %add3A_281 = arith.addi %add3A_268, %add3A_280 : i32
      %get3A_282 = arith.index_cast %add3A_281 : i32 to index
      %get3A_283 = tpu.vector_load %arg6[%get3A_282] {strides = array<i32>} : memref<16384xi32, #tpu.memory_space<vmem>>, vector<16xi32>,
      %add3A_284 = arith.constant 64 : i32
      %add3A_285 = arith.addi %add3A_268, %add3A_284 : i32
      %get3A_286 = arith.index_cast %add3A_285 : i32 to index
      %get3A_287 = tpu.vector_load %arg6[%get3A_286] {strides = array<i32>} : memref<16384xi32, #tpu.memory_space<vmem>>, vector<16xi32>,
      %add3A_288 = arith.constant 80 : i32
      %add3A_289 = arith.addi %add3A_268, %add3A_288 : i32
      %get3A_290 = arith.index_cast %add3A_289 : i32 to index
      %get3A_291 = tpu.vector_load %arg6[%get3A_290] {strides = array<i32>} : memref<16384xi32, #tpu.memory_space<vmem>>, vector<16xi32>,
      %add3A_292 = arith.constant 96 : i32
      %add3A_293 = arith.addi %add3A_268, %add3A_292 : i32
      %get3A_294 = arith.index_cast %add3A_293 : i32 to index
      %get3A_295 = tpu.vector_load %arg6[%get3A_294] {strides = array<i32>} : memref<16384xi32, #tpu.memory_space<vmem>>, vector<16xi32>,
      %add3A_296 = arith.constant 112 : i32
      %add3A_297 = arith.addi %add3A_268, %add3A_296 : i32
      %get3A_298 = arith.index_cast %add3A_297 : i32 to index
      %get3A_299 = tpu.vector_load %arg6[%get3A_298] {strides = array<i32>} : memref<16384xi32, #tpu.memory_space<vmem>>, vector<16xi32>,
      %add3A_300 = arith.constant 128 : i32
      %add3A_301 = arith.addi %add3A_268, %add3A_300 : i32
      %get3A_302 = arith.index_cast %add3A_301 : i32 to index
      %get3A_303 = tpu.vector_load %arg6[%get3A_302] {strides = array<i32>} : memref<16384xi32, #tpu.memory_space<vmem>>, vector<16xi32>,
      %add3A_304 = arith.constant 144 : i32
      %add3A_305 = arith.addi %add3A_268, %add3A_304 : i32
      %get3A_306 = arith.index_cast %add3A_305 : i32 to index
      %get3A_307 = tpu.vector_load %arg6[%get3A_306] {strides = array<i32>} : memref<16384xi32, #tpu.memory_space<vmem>>, vector<16xi32>,
      %add3A_308 = arith.constant 160 : i32
      %add3A_309 = arith.addi %add3A_268, %add3A_308 : i32
      %get3A_310 = arith.index_cast %add3A_309 : i32 to index
      %get3A_311 = tpu.vector_load %arg6[%get3A_310] {strides = array<i32>} : memref<16384xi32, #tpu.memory_space<vmem>>, vector<16xi32>,
      %add3A_312 = arith.constant 176 : i32
      %add3A_313 = arith.addi %add3A_268, %add3A_312 : i32
      %get3A_314 = arith.index_cast %add3A_313 : i32 to index
      %get3A_315 = tpu.vector_load %arg6[%get3A_314] {strides = array<i32>} : memref<16384xi32, #tpu.memory_space<vmem>>, vector<16xi32>,
      %add3A_316 = arith.constant 192 : i32
      %add3A_317 = arith.addi %add3A_268, %add3A_316 : i32
      %get3A_318 = arith.index_cast %add3A_317 : i32 to index
      %get3A_319 = tpu.vector_load %arg6[%get3A_318] {strides = array<i32>} : memref<16384xi32, #tpu.memory_space<vmem>>, vector<16xi32>,
      %add3A_320 = arith.constant 208 : i32
      %add3A_321 = arith.addi %add3A_268, %add3A_320 : i32
      %get3A_322 = arith.index_cast %add3A_321 : i32 to index
      %get3A_323 = tpu.vector_load %arg6[%get3A_322] {strides = array<i32>} : memref<16384xi32, #tpu.memory_space<vmem>>, vector<16xi32>,
      %add3A_324 = arith.constant 224 : i32
      %add3A_325 = arith.addi %add3A_268, %add3A_324 : i32
      %get3A_326 = arith.index_cast %add3A_325 : i32 to index
      %get3A_327 = tpu.vector_load %arg6[%get3A_326] {strides = array<i32>} : memref<16384xi32, #tpu.memory_space<vmem>>, vector<16xi32>,
      %add3A_328 = arith.constant 240 : i32
      %add3A_329 = arith.addi %add3A_268, %add3A_328 : i32
      %get3A_330 = arith.index_cast %add3A_329 : i32 to index
      %get3A_331 = tpu.vector_load %arg6[%get3A_330] {strides = array<i32>} : memref<16384xi32, #tpu.memory_space<vmem>>, vector<16xi32>,
      %gather3A = tpu.vector_load_idx %arg5[%get3A_271] : memref<100000xf32, #tpu.memory_space<vmem>>[vector<16xi32>], vector<16xf32>,
      %gather3A_332 = tpu.vector_load_idx %arg5[%get3A_275] : memref<100000xf32, #tpu.memory_space<vmem>>[vector<16xi32>], vector<16xf32>,
      %gather3A_333 = tpu.vector_load_idx %arg5[%get3A_279] : memref<100000xf32, #tpu.memory_space<vmem>>[vector<16xi32>], vector<16xf32>,
      %gather3A_334 = tpu.vector_load_idx %arg5[%get3A_283] : memref<100000xf32, #tpu.memory_space<vmem>>[vector<16xi32>], vector<16xf32>,
      %gather3A_335 = tpu.vector_load_idx %arg5[%get3A_287] : memref<100000xf32, #tpu.memory_space<vmem>>[vector<16xi32>], vector<16xf32>,
      %gather3A_336 = tpu.vector_load_idx %arg5[%get3A_291] : memref<100000xf32, #tpu.memory_space<vmem>>[vector<16xi32>], vector<16xf32>,
      %gather3A_337 = tpu.vector_load_idx %arg5[%get3A_295] : memref<100000xf32, #tpu.memory_space<vmem>>[vector<16xi32>], vector<16xf32>,
      %gather3A_338 = tpu.vector_load_idx %arg5[%get3A_299] : memref<100000xf32, #tpu.memory_space<vmem>>[vector<16xi32>], vector<16xf32>,
      %gather3A_339 = tpu.vector_load_idx %arg5[%get3A_303] : memref<100000xf32, #tpu.memory_space<vmem>>[vector<16xi32>], vector<16xf32>,
      %gather3A_340 = tpu.vector_load_idx %arg5[%get3A_307] : memref<100000xf32, #tpu.memory_space<vmem>>[vector<16xi32>], vector<16xf32>,
      %gather3A_341 = tpu.vector_load_idx %arg5[%get3A_311] : memref<100000xf32, #tpu.memory_space<vmem>>[vector<16xi32>], vector<16xf32>,
      %gather3A_342 = tpu.vector_load_idx %arg5[%get3A_315] : memref<100000xf32, #tpu.memory_space<vmem>>[vector<16xi32>], vector<16xf32>,
      %gather3A_343 = tpu.vector_load_idx %arg5[%get3A_319] : memref<100000xf32, #tpu.memory_space<vmem>>[vector<16xi32>], vector<16xf32>,
      %gather3A_344 = tpu.vector_load_idx %arg5[%get3A_323] : memref<100000xf32, #tpu.memory_space<vmem>>[vector<16xi32>], vector<16xf32>,
      %gather3A_345 = tpu.vector_load_idx %arg5[%get3A_327] : memref<100000xf32, #tpu.memory_space<vmem>>[vector<16xi32>], vector<16xf32>,
      %gather3A_346 = tpu.vector_load_idx %arg5[%get3A_331] : memref<100000xf32, #tpu.memory_space<vmem>>[vector<16xi32>], vector<16xf32>,
      %mul3A_347 = arith.constant 256 : i32
      %mul3A_348 = arith.muli %scan3A_264, %mul3A_347 : i32
      %add3A_349 = arith.constant 0 : i32
      %add3A_350 = arith.addi %mul3A_348, %add3A_349 : i32
      %swap3A = arith.constant 1 : i32
      %swap3A_351 = arith.index_cast %swap3A : i32 to index
      %swap3A_352 = arith.index_cast %add3A_350 : i32 to index
      %swap3A_353 = tpu.vector_load %arg7[%swap3A_351, %swap3A_352] {strides = array<i32>} : memref<2x4096xf32, #tpu.memory_space<vmem>>, vector<16xf32>,
      tpu.vector_store %arg7[%swap3A_351, %swap3A_352], %gather3A {strides = array<i32>} : memref<2x4096xf32, #tpu.memory_space<vmem>>, vector<16xf32>,
      %add3A_354 = arith.constant 16 : i32
      %add3A_355 = arith.addi %mul3A_348, %add3A_354 : i32
      %swap3A_356 = arith.constant 1 : i32
      %swap3A_357 = arith.index_cast %swap3A_356 : i32 to index
      %swap3A_358 = arith.index_cast %add3A_355 : i32 to index
      %swap3A_359 = tpu.vector_load %arg7[%swap3A_357, %swap3A_358] {strides = array<i32>} : memref<2x4096xf32, #tpu.memory_space<vmem>>, vector<16xf32>,
      tpu.vector_store %arg7[%swap3A_357, %swap3A_358], %gather3A_332 {strides = array<i32>} : memref<2x4096xf32, #tpu.memory_space<vmem>>, vector<16xf32>,
      %add3A_360 = arith.constant 32 : i32
      %add3A_361 = arith.addi %mul3A_348, %add3A_360 : i32
      %swap3A_362 = arith.constant 1 : i32
      %swap3A_363 = arith.index_cast %swap3A_362 : i32 to index
      %swap3A_364 = arith.index_cast %add3A_361 : i32 to index
      %swap3A_365 = tpu.vector_load %arg7[%swap3A_363, %swap3A_364] {strides = array<i32>} : memref<2x4096xf32, #tpu.memory_space<vmem>>, vector<16xf32>,
      tpu.vector_store %arg7[%swap3A_363, %swap3A_364], %gather3A_333 {strides = array<i32>} : memref<2x4096xf32, #tpu.memory_space<vmem>>, vector<16xf32>,
      %add3A_366 = arith.constant 48 : i32
      %add3A_367 = arith.addi %mul3A_348, %add3A_366 : i32
      %swap3A_368 = arith.constant 1 : i32
      %swap3A_369 = arith.index_cast %swap3A_368 : i32 to index
      %swap3A_370 = arith.index_cast %add3A_367 : i32 to index
      %swap3A_371 = tpu.vector_load %arg7[%swap3A_369, %swap3A_370] {strides = array<i32>} : memref<2x4096xf32, #tpu.memory_space<vmem>>, vector<16xf32>,
      tpu.vector_store %arg7[%swap3A_369, %swap3A_370], %gather3A_334 {strides = array<i32>} : memref<2x4096xf32, #tpu.memory_space<vmem>>, vector<16xf32>,
      %add3A_372 = arith.constant 64 : i32
      %add3A_373 = arith.addi %mul3A_348, %add3A_372 : i32
      %swap3A_374 = arith.constant 1 : i32
      %swap3A_375 = arith.index_cast %swap3A_374 : i32 to index
      %swap3A_376 = arith.index_cast %add3A_373 : i32 to index
      %swap3A_377 = tpu.vector_load %arg7[%swap3A_375, %swap3A_376] {strides = array<i32>} : memref<2x4096xf32, #tpu.memory_space<vmem>>, vector<16xf32>,
      tpu.vector_store %arg7[%swap3A_375, %swap3A_376], %gather3A_335 {strides = array<i32>} : memref<2x4096xf32, #tpu.memory_space<vmem>>, vector<16xf32>,
      %add3A_378 = arith.constant 80 : i32
      %add3A_379 = arith.addi %mul3A_348, %add3A_378 : i32
      %swap3A_380 = arith.constant 1 : i32
      %swap3A_381 = arith.index_cast %swap3A_380 : i32 to index
      %swap3A_382 = arith.index_cast %add3A_379 : i32 to index
      %swap3A_383 = tpu.vector_load %arg7[%swap3A_381, %swap3A_382] {strides = array<i32>} : memref<2x4096xf32, #tpu.memory_space<vmem>>, vector<16xf32>,
      tpu.vector_store %arg7[%swap3A_381, %swap3A_382], %gather3A_336 {strides = array<i32>} : memref<2x4096xf32, #tpu.memory_space<vmem>>, vector<16xf32>,
      %add3A_384 = arith.constant 96 : i32
      %add3A_385 = arith.addi %mul3A_348, %add3A_384 : i32
      %swap3A_386 = arith.constant 1 : i32
      %swap3A_387 = arith.index_cast %swap3A_386 : i32 to index
      %swap3A_388 = arith.index_cast %add3A_385 : i32 to index
      %swap3A_389 = tpu.vector_load %arg7[%swap3A_387, %swap3A_388] {strides = array<i32>} : memref<2x4096xf32, #tpu.memory_space<vmem>>, vector<16xf32>,
      tpu.vector_store %arg7[%swap3A_387, %swap3A_388], %gather3A_337 {strides = array<i32>} : memref<2x4096xf32, #tpu.memory_space<vmem>>, vector<16xf32>,
      %add3A_390 = arith.constant 112 : i32
      %add3A_391 = arith.addi %mul3A_348, %add3A_390 : i32
      %swap3A_392 = arith.constant 1 : i32
      %swap3A_393 = arith.index_cast %swap3A_392 : i32 to index
      %swap3A_394 = arith.index_cast %add3A_391 : i32 to index
      %swap3A_395 = tpu.vector_load %arg7[%swap3A_393, %swap3A_394] {strides = array<i32>} : memref<2x4096xf32, #tpu.memory_space<vmem>>, vector<16xf32>,
      tpu.vector_store %arg7[%swap3A_393, %swap3A_394], %gather3A_338 {strides = array<i32>} : memref<2x4096xf32, #tpu.memory_space<vmem>>, vector<16xf32>,
      %add3A_396 = arith.constant 128 : i32
      %add3A_397 = arith.addi %mul3A_348, %add3A_396 : i32
      %swap3A_398 = arith.constant 1 : i32
      %swap3A_399 = arith.index_cast %swap3A_398 : i32 to index
      %swap3A_400 = arith.index_cast %add3A_397 : i32 to index
      %swap3A_401 = tpu.vector_load %arg7[%swap3A_399, %swap3A_400] {strides = array<i32>} : memref<2x4096xf32, #tpu.memory_space<vmem>>, vector<16xf32>,
      tpu.vector_store %arg7[%swap3A_399, %swap3A_400], %gather3A_339 {strides = array<i32>} : memref<2x4096xf32, #tpu.memory_space<vmem>>, vector<16xf32>,
      %add3A_402 = arith.constant 144 : i32
      %add3A_403 = arith.addi %mul3A_348, %add3A_402 : i32
      %swap3A_404 = arith.constant 1 : i32
      %swap3A_405 = arith.index_cast %swap3A_404 : i32 to index
      %swap3A_406 = arith.index_cast %add3A_403 : i32 to index
      %swap3A_407 = tpu.vector_load %arg7[%swap3A_405, %swap3A_406] {strides = array<i32>} : memref<2x4096xf32, #tpu.memory_space<vmem>>, vector<16xf32>,
      tpu.vector_store %arg7[%swap3A_405, %swap3A_406], %gather3A_340 {strides = array<i32>} : memref<2x4096xf32, #tpu.memory_space<vmem>>, vector<16xf32>,
      %add3A_408 = arith.constant 160 : i32
      %add3A_409 = arith.addi %mul3A_348, %add3A_408 : i32
      %swap3A_410 = arith.constant 1 : i32
      %swap3A_411 = arith.index_cast %swap3A_410 : i32 to index
      %swap3A_412 = arith.index_cast %add3A_409 : i32 to index
      %swap3A_413 = tpu.vector_load %arg7[%swap3A_411, %swap3A_412] {strides = array<i32>} : memref<2x4096xf32, #tpu.memory_space<vmem>>, vector<16xf32>,
      tpu.vector_store %arg7[%swap3A_411, %swap3A_412], %gather3A_341 {strides = array<i32>} : memref<2x4096xf32, #tpu.memory_space<vmem>>, vector<16xf32>,
      %add3A_414 = arith.constant 176 : i32
      %add3A_415 = arith.addi %mul3A_348, %add3A_414 : i32
      %swap3A_416 = arith.constant 1 : i32
      %swap3A_417 = arith.index_cast %swap3A_416 : i32 to index
      %swap3A_418 = arith.index_cast %add3A_415 : i32 to index
      %swap3A_419 = tpu.vector_load %arg7[%swap3A_417, %swap3A_418] {strides = array<i32>} : memref<2x4096xf32, #tpu.memory_space<vmem>>, vector<16xf32>,
      tpu.vector_store %arg7[%swap3A_417, %swap3A_418], %gather3A_342 {strides = array<i32>} : memref<2x4096xf32, #tpu.memory_space<vmem>>, vector<16xf32>,
      %add3A_420 = arith.constant 192 : i32
      %add3A_421 = arith.addi %mul3A_348, %add3A_420 : i32
      %swap3A_422 = arith.constant 1 : i32
      %swap3A_423 = arith.index_cast %swap3A_422 : i32 to index
      %swap3A_424 = arith.index_cast %add3A_421 : i32 to index
      %swap3A_425 = tpu.vector_load %arg7[%swap3A_423, %swap3A_424] {strides = array<i32>} : memref<2x4096xf32, #tpu.memory_space<vmem>>, vector<16xf32>,
      tpu.vector_store %arg7[%swap3A_423, %swap3A_424], %gather3A_343 {strides = array<i32>} : memref<2x4096xf32, #tpu.memory_space<vmem>>, vector<16xf32>,
      %add3A_426 = arith.constant 208 : i32
      %add3A_427 = arith.addi %mul3A_348, %add3A_426 : i32
      %swap3A_428 = arith.constant 1 : i32
      %swap3A_429 = arith.index_cast %swap3A_428 : i32 to index
      %swap3A_430 = arith.index_cast %add3A_427 : i32 to index
      %swap3A_431 = tpu.vector_load %arg7[%swap3A_429, %swap3A_430] {strides = array<i32>} : memref<2x4096xf32, #tpu.memory_space<vmem>>, vector<16xf32>,
      tpu.vector_store %arg7[%swap3A_429, %swap3A_430], %gather3A_344 {strides = array<i32>} : memref<2x4096xf32, #tpu.memory_space<vmem>>, vector<16xf32>,
      %add3A_432 = arith.constant 224 : i32
      %add3A_433 = arith.addi %mul3A_348, %add3A_432 : i32
      %swap3A_434 = arith.constant 1 : i32
      %swap3A_435 = arith.index_cast %swap3A_434 : i32 to index
      %swap3A_436 = arith.index_cast %add3A_433 : i32 to index
      %swap3A_437 = tpu.vector_load %arg7[%swap3A_435, %swap3A_436] {strides = array<i32>} : memref<2x4096xf32, #tpu.memory_space<vmem>>, vector<16xf32>,
      tpu.vector_store %arg7[%swap3A_435, %swap3A_436], %gather3A_345 {strides = array<i32>} : memref<2x4096xf32, #tpu.memory_space<vmem>>, vector<16xf32>,
      %add3A_438 = arith.constant 240 : i32
      %add3A_439 = arith.addi %mul3A_348, %add3A_438 : i32
      %swap3A_440 = arith.constant 1 : i32
      %swap3A_441 = arith.index_cast %swap3A_440 : i32 to index
      %swap3A_442 = arith.index_cast %add3A_439 : i32 to index
      %swap3A_443 = tpu.vector_load %arg7[%swap3A_441, %swap3A_442] {strides = array<i32>} : memref<2x4096xf32, #tpu.memory_space<vmem>>, vector<16xf32>,
      tpu.vector_store %arg7[%swap3A_441, %swap3A_442], %gather3A_346 {strides = array<i32>} : memref<2x4096xf32, #tpu.memory_space<vmem>>, vector<16xf32>,
    }
    %scan3A_29 = arith.constant 16 : i32
    %dma_start3A_30 = arith.constant 1 : i32
    %dma_start3A_31 = arith.constant 0 : i32
    %dma_start3A_32 = tpu.memref_slice %arg7[%dma_start3A_30, %dma_start3A_31] : memref<2x4096xf32, #tpu.memory_space<vmem>> -> memref<1x4096xf32, #tpu.memory_space<vmem>>
    %dma_start3A_33 = tpu.memref_squeeze %dma_start3A_32 : memref<1x4096xf32, #tpu.memory_space<vmem>> -> memref<4096xf32, #tpu.memory_space<vmem>>
    %dma_start3A_34 = arith.constant 4096 : i32
    %dma_start3A_35 = tpu.memref_slice %arg4[%add3A_6, %dma_start3A_34] : memref<64x16384xf32, #tpu.memory_space<hbm>> -> memref<1x4096xf32, #tpu.memory_space<hbm>>
    %dma_start3A_36 = tpu.memref_squeeze %dma_start3A_35 : memref<1x4096xf32, #tpu.memory_space<hbm>> -> memref<4096xf32, #tpu.memory_space<hbm>>
    %dma_start3A_37 = arith.constant 4096 : i32
    %dma_start3A_38 = tpu.memref_slice %arg4[%add3A_6, %dma_start3A_37] : memref<64x16384xf32, #tpu.memory_space<hbm>> -> memref<1x4096xf32, #tpu.memory_space<hbm>>
    %dma_start3A_39 = tpu.memref_squeeze %dma_start3A_38 : memref<1x4096xf32, #tpu.memory_space<hbm>> -> memref<4096xf32, #tpu.memory_space<hbm>>
    %dma_start3A_40 = arith.constant 0 : i32
    %dma_start3A_41 = tpu.memref_slice %arg7[%dma_start3A_30, %dma_start3A_40] : memref<2x4096xf32, #tpu.memory_space<vmem>> -> memref<1x4096xf32, #tpu.memory_space<vmem>>
    %dma_start3A_42 = tpu.memref_squeeze %dma_start3A_41 : memref<1x4096xf32, #tpu.memory_space<vmem>> -> memref<4096xf32, #tpu.memory_space<vmem>>
    tpu.enqueue_dma source(%dma_start3A_42 : memref<4096xf32, #tpu.memory_space<vmem>>) target(%dma_start3A_39 : memref<4096xf32, #tpu.memory_space<hbm>>) target_semaphore(%arg10 : memref<!tpu.dma_semaphore, #tpu.memory_space<semaphore_mem>>)
    %dma_wait3A = arith.constant 0 : i32
    %dma_wait3A_43 = arith.constant 0 : i32
    %dma_wait3A_44 = tpu.memref_slice %arg7[%dma_wait3A, %dma_wait3A_43] : memref<2x4096xf32, #tpu.memory_space<vmem>> -> memref<1x4096xf32, #tpu.memory_space<vmem>>
    %dma_wait3A_45 = tpu.memref_squeeze %dma_wait3A_44 : memref<1x4096xf32, #tpu.memory_space<vmem>> -> memref<4096xf32, #tpu.memory_space<vmem>>
    %dma_wait3A_46 = arith.constant 0 : i32
    %dma_wait3A_47 = tpu.memref_slice %arg4[%add3A_6, %dma_wait3A_46] : memref<64x16384xf32, #tpu.memory_space<hbm>> -> memref<1x4096xf32, #tpu.memory_space<hbm>>
    %dma_wait3A_48 = tpu.memref_squeeze %dma_wait3A_47 : memref<1x4096xf32, #tpu.memory_space<hbm>> -> memref<4096xf32, #tpu.memory_space<hbm>>
    %dma_wait3A_49 = arith.constant 0 : i32
    %dma_wait3A_50 = tpu.memref_slice %arg4[%add3A_6, %dma_wait3A_49] : memref<64x16384xf32, #tpu.memory_space<hbm>> -> memref<1x4096xf32, #tpu.memory_space<hbm>>
    %dma_wait3A_51 = tpu.memref_squeeze %dma_wait3A_50 : memref<1x4096xf32, #tpu.memory_space<hbm>> -> memref<4096xf32, #tpu.memory_space<hbm>>
    %dma_wait3A_52 = arith.constant 0 : i32
    %dma_wait3A_53 = tpu.memref_slice %arg7[%dma_wait3A, %dma_wait3A_52] : memref<2x4096xf32, #tpu.memory_space<vmem>> -> memref<1x4096xf32, #tpu.memory_space<vmem>>
    %dma_wait3A_54 = tpu.memref_squeeze %dma_wait3A_53 : memref<1x4096xf32, #tpu.memory_space<vmem>> -> memref<4096xf32, #tpu.memory_space<vmem>>
    tpu.wait_dma2 semaphore(%arg10 : memref<!tpu.dma_semaphore, #tpu.memory_space<semaphore_mem>>) src(%dma_wait3A_54 : memref<4096xf32, #tpu.memory_space<vmem>>) dst(%dma_wait3A_51 : memref<4096xf32, #tpu.memory_space<hbm>>)
    %scan3A_55 = arith.constant 0 : i32
    %scan3A_56 = arith.constant 0 : i32
    %scan3A_57 = arith.constant 16 : i32
    %scan3A_58 = arith.addi %scan3A_56, %scan3A_57 : i32
    %scan3A_59 = arith.constant 1 : i32
    scf.for %scan3A_264 = %scan3A_56 to %scan3A_58 step %scan3A_59  : i32 {
      %mul3A_265 = arith.constant 256 : i32
      %mul3A_266 = arith.muli %scan3A_264, %mul3A_265 : i32
      %add3A_267 = arith.constant 8192 : i32
      %add3A_268 = arith.addi %add3A_267, %mul3A_266 : i32
      %add3A_269 = arith.constant 0 : i32
      %add3A_270 = arith.addi %add3A_268, %add3A_269 : i32
      %get3A = arith.index_cast %add3A_270 : i32 to index
      %get3A_271 = tpu.vector_load %arg6[%get3A] {strides = array<i32>} : memref<16384xi32, #tpu.memory_space<vmem>>, vector<16xi32>,
      %add3A_272 = arith.constant 16 : i32
      %add3A_273 = arith.addi %add3A_268, %add3A_272 : i32
      %get3A_274 = arith.index_cast %add3A_273 : i32 to index
      %get3A_275 = tpu.vector_load %arg6[%get3A_274] {strides = array<i32>} : memref<16384xi32, #tpu.memory_space<vmem>>, vector<16xi32>,
      %add3A_276 = arith.constant 32 : i32
      %add3A_277 = arith.addi %add3A_268, %add3A_276 : i32
      %get3A_278 = arith.index_cast %add3A_277 : i32 to index
      %get3A_279 = tpu.vector_load %arg6[%get3A_278] {strides = array<i32>} : memref<16384xi32, #tpu.memory_space<vmem>>, vector<16xi32>,
      %add3A_280 = arith.constant 48 : i32
      %add3A_281 = arith.addi %add3A_268, %add3A_280 : i32
      %get3A_282 = arith.index_cast %add3A_281 : i32 to index
      %get3A_283 = tpu.vector_load %arg6[%get3A_282] {strides = array<i32>} : memref<16384xi32, #tpu.memory_space<vmem>>, vector<16xi32>,
      %add3A_284 = arith.constant 64 : i32
      %add3A_285 = arith.addi %add3A_268, %add3A_284 : i32
      %get3A_286 = arith.index_cast %add3A_285 : i32 to index
      %get3A_287 = tpu.vector_load %arg6[%get3A_286] {strides = array<i32>} : memref<16384xi32, #tpu.memory_space<vmem>>, vector<16xi32>,
      %add3A_288 = arith.constant 80 : i32
      %add3A_289 = arith.addi %add3A_268, %add3A_288 : i32
      %get3A_290 = arith.index_cast %add3A_289 : i32 to index
      %get3A_291 = tpu.vector_load %arg6[%get3A_290] {strides = array<i32>} : memref<16384xi32, #tpu.memory_space<vmem>>, vector<16xi32>,
      %add3A_292 = arith.constant 96 : i32
      %add3A_293 = arith.addi %add3A_268, %add3A_292 : i32
      %get3A_294 = arith.index_cast %add3A_293 : i32 to index
      %get3A_295 = tpu.vector_load %arg6[%get3A_294] {strides = array<i32>} : memref<16384xi32, #tpu.memory_space<vmem>>, vector<16xi32>,
      %add3A_296 = arith.constant 112 : i32
      %add3A_297 = arith.addi %add3A_268, %add3A_296 : i32
      %get3A_298 = arith.index_cast %add3A_297 : i32 to index
      %get3A_299 = tpu.vector_load %arg6[%get3A_298] {strides = array<i32>} : memref<16384xi32, #tpu.memory_space<vmem>>, vector<16xi32>,
      %add3A_300 = arith.constant 128 : i32
      %add3A_301 = arith.addi %add3A_268, %add3A_300 : i32
      %get3A_302 = arith.index_cast %add3A_301 : i32 to index
      %get3A_303 = tpu.vector_load %arg6[%get3A_302] {strides = array<i32>} : memref<16384xi32, #tpu.memory_space<vmem>>, vector<16xi32>,
      %add3A_304 = arith.constant 144 : i32
      %add3A_305 = arith.addi %add3A_268, %add3A_304 : i32
      %get3A_306 = arith.index_cast %add3A_305 : i32 to index
      %get3A_307 = tpu.vector_load %arg6[%get3A_306] {strides = array<i32>} : memref<16384xi32, #tpu.memory_space<vmem>>, vector<16xi32>,
      %add3A_308 = arith.constant 160 : i32
      %add3A_309 = arith.addi %add3A_268, %add3A_308 : i32
      %get3A_310 = arith.index_cast %add3A_309 : i32 to index
      %get3A_311 = tpu.vector_load %arg6[%get3A_310] {strides = array<i32>} : memref<16384xi32, #tpu.memory_space<vmem>>, vector<16xi32>,
      %add3A_312 = arith.constant 176 : i32
      %add3A_313 = arith.addi %add3A_268, %add3A_312 : i32
      %get3A_314 = arith.index_cast %add3A_313 : i32 to index
      %get3A_315 = tpu.vector_load %arg6[%get3A_314] {strides = array<i32>} : memref<16384xi32, #tpu.memory_space<vmem>>, vector<16xi32>,
      %add3A_316 = arith.constant 192 : i32
      %add3A_317 = arith.addi %add3A_268, %add3A_316 : i32
      %get3A_318 = arith.index_cast %add3A_317 : i32 to index
      %get3A_319 = tpu.vector_load %arg6[%get3A_318] {strides = array<i32>} : memref<16384xi32, #tpu.memory_space<vmem>>, vector<16xi32>,
      %add3A_320 = arith.constant 208 : i32
      %add3A_321 = arith.addi %add3A_268, %add3A_320 : i32
      %get3A_322 = arith.index_cast %add3A_321 : i32 to index
      %get3A_323 = tpu.vector_load %arg6[%get3A_322] {strides = array<i32>} : memref<16384xi32, #tpu.memory_space<vmem>>, vector<16xi32>,
      %add3A_324 = arith.constant 224 : i32
      %add3A_325 = arith.addi %add3A_268, %add3A_324 : i32
      %get3A_326 = arith.index_cast %add3A_325 : i32 to index
      %get3A_327 = tpu.vector_load %arg6[%get3A_326] {strides = array<i32>} : memref<16384xi32, #tpu.memory_space<vmem>>, vector<16xi32>,
      %add3A_328 = arith.constant 240 : i32
      %add3A_329 = arith.addi %add3A_268, %add3A_328 : i32
      %get3A_330 = arith.index_cast %add3A_329 : i32 to index
      %get3A_331 = tpu.vector_load %arg6[%get3A_330] {strides = array<i32>} : memref<16384xi32, #tpu.memory_space<vmem>>, vector<16xi32>,
      %gather3A = tpu.vector_load_idx %arg5[%get3A_271] : memref<100000xf32, #tpu.memory_space<vmem>>[vector<16xi32>], vector<16xf32>,
      %gather3A_332 = tpu.vector_load_idx %arg5[%get3A_275] : memref<100000xf32, #tpu.memory_space<vmem>>[vector<16xi32>], vector<16xf32>,
      %gather3A_333 = tpu.vector_load_idx %arg5[%get3A_279] : memref<100000xf32, #tpu.memory_space<vmem>>[vector<16xi32>], vector<16xf32>,
      %gather3A_334 = tpu.vector_load_idx %arg5[%get3A_283] : memref<100000xf32, #tpu.memory_space<vmem>>[vector<16xi32>], vector<16xf32>,
      %gather3A_335 = tpu.vector_load_idx %arg5[%get3A_287] : memref<100000xf32, #tpu.memory_space<vmem>>[vector<16xi32>], vector<16xf32>,
      %gather3A_336 = tpu.vector_load_idx %arg5[%get3A_291] : memref<100000xf32, #tpu.memory_space<vmem>>[vector<16xi32>], vector<16xf32>,
      %gather3A_337 = tpu.vector_load_idx %arg5[%get3A_295] : memref<100000xf32, #tpu.memory_space<vmem>>[vector<16xi32>], vector<16xf32>,
      %gather3A_338 = tpu.vector_load_idx %arg5[%get3A_299] : memref<100000xf32, #tpu.memory_space<vmem>>[vector<16xi32>], vector<16xf32>,
      %gather3A_339 = tpu.vector_load_idx %arg5[%get3A_303] : memref<100000xf32, #tpu.memory_space<vmem>>[vector<16xi32>], vector<16xf32>,
      %gather3A_340 = tpu.vector_load_idx %arg5[%get3A_307] : memref<100000xf32, #tpu.memory_space<vmem>>[vector<16xi32>], vector<16xf32>,
      %gather3A_341 = tpu.vector_load_idx %arg5[%get3A_311] : memref<100000xf32, #tpu.memory_space<vmem>>[vector<16xi32>], vector<16xf32>,
      %gather3A_342 = tpu.vector_load_idx %arg5[%get3A_315] : memref<100000xf32, #tpu.memory_space<vmem>>[vector<16xi32>], vector<16xf32>,
      %gather3A_343 = tpu.vector_load_idx %arg5[%get3A_319] : memref<100000xf32, #tpu.memory_space<vmem>>[vector<16xi32>], vector<16xf32>,
      %gather3A_344 = tpu.vector_load_idx %arg5[%get3A_323] : memref<100000xf32, #tpu.memory_space<vmem>>[vector<16xi32>], vector<16xf32>,
      %gather3A_345 = tpu.vector_load_idx %arg5[%get3A_327] : memref<100000xf32, #tpu.memory_space<vmem>>[vector<16xi32>], vector<16xf32>,
      %gather3A_346 = tpu.vector_load_idx %arg5[%get3A_331] : memref<100000xf32, #tpu.memory_space<vmem>>[vector<16xi32>], vector<16xf32>,
      %mul3A_347 = arith.constant 256 : i32
      %mul3A_348 = arith.muli %scan3A_264, %mul3A_347 : i32
      %add3A_349 = arith.constant 0 : i32
      %add3A_350 = arith.addi %mul3A_348, %add3A_349 : i32
      %swap3A = arith.constant 0 : i32
      %swap3A_351 = arith.index_cast %swap3A : i32 to index
      %swap3A_352 = arith.index_cast %add3A_350 : i32 to index
      %swap3A_353 = tpu.vector_load %arg7[%swap3A_351, %swap3A_352] {strides = array<i32>} : memref<2x4096xf32, #tpu.memory_space<vmem>>, vector<16xf32>,
      tpu.vector_store %arg7[%swap3A_351, %swap3A_352], %gather3A {strides = array<i32>} : memref<2x4096xf32, #tpu.memory_space<vmem>>, vector<16xf32>,
      %add3A_354 = arith.constant 16 : i32
      %add3A_355 = arith.addi %mul3A_348, %add3A_354 : i32
      %swap3A_356 = arith.constant 0 : i32
      %swap3A_357 = arith.index_cast %swap3A_356 : i32 to index
      %swap3A_358 = arith.index_cast %add3A_355 : i32 to index
      %swap3A_359 = tpu.vector_load %arg7[%swap3A_357, %swap3A_358] {strides = array<i32>} : memref<2x4096xf32, #tpu.memory_space<vmem>>, vector<16xf32>,
      tpu.vector_store %arg7[%swap3A_357, %swap3A_358], %gather3A_332 {strides = array<i32>} : memref<2x4096xf32, #tpu.memory_space<vmem>>, vector<16xf32>,
      %add3A_360 = arith.constant 32 : i32
      %add3A_361 = arith.addi %mul3A_348, %add3A_360 : i32
      %swap3A_362 = arith.constant 0 : i32
      %swap3A_363 = arith.index_cast %swap3A_362 : i32 to index
      %swap3A_364 = arith.index_cast %add3A_361 : i32 to index
      %swap3A_365 = tpu.vector_load %arg7[%swap3A_363, %swap3A_364] {strides = array<i32>} : memref<2x4096xf32, #tpu.memory_space<vmem>>, vector<16xf32>,
      tpu.vector_store %arg7[%swap3A_363, %swap3A_364], %gather3A_333 {strides = array<i32>} : memref<2x4096xf32, #tpu.memory_space<vmem>>, vector<16xf32>,
      %add3A_366 = arith.constant 48 : i32
      %add3A_367 = arith.addi %mul3A_348, %add3A_366 : i32
      %swap3A_368 = arith.constant 0 : i32
      %swap3A_369 = arith.index_cast %swap3A_368 : i32 to index
      %swap3A_370 = arith.index_cast %add3A_367 : i32 to index
      %swap3A_371 = tpu.vector_load %arg7[%swap3A_369, %swap3A_370] {strides = array<i32>} : memref<2x4096xf32, #tpu.memory_space<vmem>>, vector<16xf32>,
      tpu.vector_store %arg7[%swap3A_369, %swap3A_370], %gather3A_334 {strides = array<i32>} : memref<2x4096xf32, #tpu.memory_space<vmem>>, vector<16xf32>,
      %add3A_372 = arith.constant 64 : i32
      %add3A_373 = arith.addi %mul3A_348, %add3A_372 : i32
      %swap3A_374 = arith.constant 0 : i32
      %swap3A_375 = arith.index_cast %swap3A_374 : i32 to index
      %swap3A_376 = arith.index_cast %add3A_373 : i32 to index
      %swap3A_377 = tpu.vector_load %arg7[%swap3A_375, %swap3A_376] {strides = array<i32>} : memref<2x4096xf32, #tpu.memory_space<vmem>>, vector<16xf32>,
      tpu.vector_store %arg7[%swap3A_375, %swap3A_376], %gather3A_335 {strides = array<i32>} : memref<2x4096xf32, #tpu.memory_space<vmem>>, vector<16xf32>,
      %add3A_378 = arith.constant 80 : i32
      %add3A_379 = arith.addi %mul3A_348, %add3A_378 : i32
      %swap3A_380 = arith.constant 0 : i32
      %swap3A_381 = arith.index_cast %swap3A_380 : i32 to index
      %swap3A_382 = arith.index_cast %add3A_379 : i32 to index
      %swap3A_383 = tpu.vector_load %arg7[%swap3A_381, %swap3A_382] {strides = array<i32>} : memref<2x4096xf32, #tpu.memory_space<vmem>>, vector<16xf32>,
      tpu.vector_store %arg7[%swap3A_381, %swap3A_382], %gather3A_336 {strides = array<i32>} : memref<2x4096xf32, #tpu.memory_space<vmem>>, vector<16xf32>,
      %add3A_384 = arith.constant 96 : i32
      %add3A_385 = arith.addi %mul3A_348, %add3A_384 : i32
      %swap3A_386 = arith.constant 0 : i32
      %swap3A_387 = arith.index_cast %swap3A_386 : i32 to index
      %swap3A_388 = arith.index_cast %add3A_385 : i32 to index
      %swap3A_389 = tpu.vector_load %arg7[%swap3A_387, %swap3A_388] {strides = array<i32>} : memref<2x4096xf32, #tpu.memory_space<vmem>>, vector<16xf32>,
      tpu.vector_store %arg7[%swap3A_387, %swap3A_388], %gather3A_337 {strides = array<i32>} : memref<2x4096xf32, #tpu.memory_space<vmem>>, vector<16xf32>,
      %add3A_390 = arith.constant 112 : i32
      %add3A_391 = arith.addi %mul3A_348, %add3A_390 : i32
      %swap3A_392 = arith.constant 0 : i32
      %swap3A_393 = arith.index_cast %swap3A_392 : i32 to index
      %swap3A_394 = arith.index_cast %add3A_391 : i32 to index
      %swap3A_395 = tpu.vector_load %arg7[%swap3A_393, %swap3A_394] {strides = array<i32>} : memref<2x4096xf32, #tpu.memory_space<vmem>>, vector<16xf32>,
      tpu.vector_store %arg7[%swap3A_393, %swap3A_394], %gather3A_338 {strides = array<i32>} : memref<2x4096xf32, #tpu.memory_space<vmem>>, vector<16xf32>,
      %add3A_396 = arith.constant 128 : i32
      %add3A_397 = arith.addi %mul3A_348, %add3A_396 : i32
      %swap3A_398 = arith.constant 0 : i32
      %swap3A_399 = arith.index_cast %swap3A_398 : i32 to index
      %swap3A_400 = arith.index_cast %add3A_397 : i32 to index
      %swap3A_401 = tpu.vector_load %arg7[%swap3A_399, %swap3A_400] {strides = array<i32>} : memref<2x4096xf32, #tpu.memory_space<vmem>>, vector<16xf32>,
      tpu.vector_store %arg7[%swap3A_399, %swap3A_400], %gather3A_339 {strides = array<i32>} : memref<2x4096xf32, #tpu.memory_space<vmem>>, vector<16xf32>,
      %add3A_402 = arith.constant 144 : i32
      %add3A_403 = arith.addi %mul3A_348, %add3A_402 : i32
      %swap3A_404 = arith.constant 0 : i32
      %swap3A_405 = arith.index_cast %swap3A_404 : i32 to index
      %swap3A_406 = arith.index_cast %add3A_403 : i32 to index
      %swap3A_407 = tpu.vector_load %arg7[%swap3A_405, %swap3A_406] {strides = array<i32>} : memref<2x4096xf32, #tpu.memory_space<vmem>>, vector<16xf32>,
      tpu.vector_store %arg7[%swap3A_405, %swap3A_406], %gather3A_340 {strides = array<i32>} : memref<2x4096xf32, #tpu.memory_space<vmem>>, vector<16xf32>,
      %add3A_408 = arith.constant 160 : i32
      %add3A_409 = arith.addi %mul3A_348, %add3A_408 : i32
      %swap3A_410 = arith.constant 0 : i32
      %swap3A_411 = arith.index_cast %swap3A_410 : i32 to index
      %swap3A_412 = arith.index_cast %add3A_409 : i32 to index
      %swap3A_413 = tpu.vector_load %arg7[%swap3A_411, %swap3A_412] {strides = array<i32>} : memref<2x4096xf32, #tpu.memory_space<vmem>>, vector<16xf32>,
      tpu.vector_store %arg7[%swap3A_411, %swap3A_412], %gather3A_341 {strides = array<i32>} : memref<2x4096xf32, #tpu.memory_space<vmem>>, vector<16xf32>,
      %add3A_414 = arith.constant 176 : i32
      %add3A_415 = arith.addi %mul3A_348, %add3A_414 : i32
      %swap3A_416 = arith.constant 0 : i32
      %swap3A_417 = arith.index_cast %swap3A_416 : i32 to index
      %swap3A_418 = arith.index_cast %add3A_415 : i32 to index
      %swap3A_419 = tpu.vector_load %arg7[%swap3A_417, %swap3A_418] {strides = array<i32>} : memref<2x4096xf32, #tpu.memory_space<vmem>>, vector<16xf32>,
      tpu.vector_store %arg7[%swap3A_417, %swap3A_418], %gather3A_342 {strides = array<i32>} : memref<2x4096xf32, #tpu.memory_space<vmem>>, vector<16xf32>,
      %add3A_420 = arith.constant 192 : i32
      %add3A_421 = arith.addi %mul3A_348, %add3A_420 : i32
      %swap3A_422 = arith.constant 0 : i32
      %swap3A_423 = arith.index_cast %swap3A_422 : i32 to index
      %swap3A_424 = arith.index_cast %add3A_421 : i32 to index
      %swap3A_425 = tpu.vector_load %arg7[%swap3A_423, %swap3A_424] {strides = array<i32>} : memref<2x4096xf32, #tpu.memory_space<vmem>>, vector<16xf32>,
      tpu.vector_store %arg7[%swap3A_423, %swap3A_424], %gather3A_343 {strides = array<i32>} : memref<2x4096xf32, #tpu.memory_space<vmem>>, vector<16xf32>,
      %add3A_426 = arith.constant 208 : i32
      %add3A_427 = arith.addi %mul3A_348, %add3A_426 : i32
      %swap3A_428 = arith.constant 0 : i32
      %swap3A_429 = arith.index_cast %swap3A_428 : i32 to index
      %swap3A_430 = arith.index_cast %add3A_427 : i32 to index
      %swap3A_431 = tpu.vector_load %arg7[%swap3A_429, %swap3A_430] {strides = array<i32>} : memref<2x4096xf32, #tpu.memory_space<vmem>>, vector<16xf32>,
      tpu.vector_store %arg7[%swap3A_429, %swap3A_430], %gather3A_344 {strides = array<i32>} : memref<2x4096xf32, #tpu.memory_space<vmem>>, vector<16xf32>,
      %add3A_432 = arith.constant 224 : i32
      %add3A_433 = arith.addi %mul3A_348, %add3A_432 : i32
      %swap3A_434 = arith.constant 0 : i32
      %swap3A_435 = arith.index_cast %swap3A_434 : i32 to index
      %swap3A_436 = arith.index_cast %add3A_433 : i32 to index
      %swap3A_437 = tpu.vector_load %arg7[%swap3A_435, %swap3A_436] {strides = array<i32>} : memref<2x4096xf32, #tpu.memory_space<vmem>>, vector<16xf32>,
      tpu.vector_store %arg7[%swap3A_435, %swap3A_436], %gather3A_345 {strides = array<i32>} : memref<2x4096xf32, #tpu.memory_space<vmem>>, vector<16xf32>,
      %add3A_438 = arith.constant 240 : i32
      %add3A_439 = arith.addi %mul3A_348, %add3A_438 : i32
      %swap3A_440 = arith.constant 0 : i32
      %swap3A_441 = arith.index_cast %swap3A_440 : i32 to index
      %swap3A_442 = arith.index_cast %add3A_439 : i32 to index
      %swap3A_443 = tpu.vector_load %arg7[%swap3A_441, %swap3A_442] {strides = array<i32>} : memref<2x4096xf32, #tpu.memory_space<vmem>>, vector<16xf32>,
      tpu.vector_store %arg7[%swap3A_441, %swap3A_442], %gather3A_346 {strides = array<i32>} : memref<2x4096xf32, #tpu.memory_space<vmem>>, vector<16xf32>,
    }
    %scan3A_60 = arith.constant 16 : i32
    %dma_start3A_61 = arith.constant 0 : i32
    %dma_start3A_62 = arith.constant 0 : i32
    %dma_start3A_63 = tpu.memref_slice %arg7[%dma_start3A_61, %dma_start3A_62] : memref<2x4096xf32, #tpu.memory_space<vmem>> -> memref<1x4096xf32, #tpu.memory_space<vmem>>
    %dma_start3A_64 = tpu.memref_squeeze %dma_start3A_63 : memref<1x4096xf32, #tpu.memory_space<vmem>> -> memref<4096xf32, #tpu.memory_space<vmem>>
    %dma_start3A_65 = arith.constant 8192 : i32
    %dma_start3A_66 = tpu.memref_slice %arg4[%add3A_6, %dma_start3A_65] : memref<64x16384xf32, #tpu.memory_space<hbm>> -> memref<1x4096xf32, #tpu.memory_space<hbm>>
    %dma_start3A_67 = tpu.memref_squeeze %dma_start3A_66 : memref<1x4096xf32, #tpu.memory_space<hbm>> -> memref<4096xf32, #tpu.memory_space<hbm>>
    %dma_start3A_68 = arith.constant 8192 : i32
    %dma_start3A_69 = tpu.memref_slice %arg4[%add3A_6, %dma_start3A_68] : memref<64x16384xf32, #tpu.memory_space<hbm>> -> memref<1x4096xf32, #tpu.memory_space<hbm>>
    %dma_start3A_70 = tpu.memref_squeeze %dma_start3A_69 : memref<1x4096xf32, #tpu.memory_space<hbm>> -> memref<4096xf32, #tpu.memory_space<hbm>>
    %dma_start3A_71 = arith.constant 0 : i32
    %dma_start3A_72 = tpu.memref_slice %arg7[%dma_start3A_61, %dma_start3A_71] : memref<2x4096xf32, #tpu.memory_space<vmem>> -> memref<1x4096xf32, #tpu.memory_space<vmem>>
    %dma_start3A_73 = tpu.memref_squeeze %dma_start3A_72 : memref<1x4096xf32, #tpu.memory_space<vmem>> -> memref<4096xf32, #tpu.memory_space<vmem>>
    tpu.enqueue_dma source(%dma_start3A_73 : memref<4096xf32, #tpu.memory_space<vmem>>) target(%dma_start3A_70 : memref<4096xf32, #tpu.memory_space<hbm>>) target_semaphore(%arg10 : memref<!tpu.dma_semaphore, #tpu.memory_space<semaphore_mem>>)
    %dma_wait3A_74 = arith.constant 1 : i32
    %dma_wait3A_75 = arith.constant 0 : i32
    %dma_wait3A_76 = tpu.memref_slice %arg7[%dma_wait3A_74, %dma_wait3A_75] : memref<2x4096xf32, #tpu.memory_space<vmem>> -> memref<1x4096xf32, #tpu.memory_space<vmem>>
    %dma_wait3A_77 = tpu.memref_squeeze %dma_wait3A_76 : memref<1x4096xf32, #tpu.memory_space<vmem>> -> memref<4096xf32, #tpu.memory_space<vmem>>
    %dma_wait3A_78 = arith.constant 4096 : i32
    %dma_wait3A_79 = tpu.memref_slice %arg4[%add3A_6, %dma_wait3A_78] : memref<64x16384xf32, #tpu.memory_space<hbm>> -> memref<1x4096xf32, #tpu.memory_space<hbm>>
    %dma_wait3A_80 = tpu.memref_squeeze %dma_wait3A_79 : memref<1x4096xf32, #tpu.memory_space<hbm>> -> memref<4096xf32, #tpu.memory_space<hbm>>
    %dma_wait3A_81 = arith.constant 4096 : i32
    %dma_wait3A_82 = tpu.memref_slice %arg4[%add3A_6, %dma_wait3A_81] : memref<64x16384xf32, #tpu.memory_space<hbm>> -> memref<1x4096xf32, #tpu.memory_space<hbm>>
    %dma_wait3A_83 = tpu.memref_squeeze %dma_wait3A_82 : memref<1x4096xf32, #tpu.memory_space<hbm>> -> memref<4096xf32, #tpu.memory_space<hbm>>
    %dma_wait3A_84 = arith.constant 0 : i32
    %dma_wait3A_85 = tpu.memref_slice %arg7[%dma_wait3A_74, %dma_wait3A_84] : memref<2x4096xf32, #tpu.memory_space<vmem>> -> memref<1x4096xf32, #tpu.memory_space<vmem>>
    %dma_wait3A_86 = tpu.memref_squeeze %dma_wait3A_85 : memref<1x4096xf32, #tpu.memory_space<vmem>> -> memref<4096xf32, #tpu.memory_space<vmem>>
    tpu.wait_dma2 semaphore(%arg10 : memref<!tpu.dma_semaphore, #tpu.memory_space<semaphore_mem>>) src(%dma_wait3A_86 : memref<4096xf32, #tpu.memory_space<vmem>>) dst(%dma_wait3A_83 : memref<4096xf32, #tpu.memory_space<hbm>>)
    %scan3A_87 = arith.constant 0 : i32
    %scan3A_88 = arith.constant 0 : i32
    %scan3A_89 = arith.constant 16 : i32
    %scan3A_90 = arith.addi %scan3A_88, %scan3A_89 : i32
    %scan3A_91 = arith.constant 1 : i32
    scf.for %scan3A_264 = %scan3A_88 to %scan3A_90 step %scan3A_91  : i32 {
      %mul3A_265 = arith.constant 256 : i32
      %mul3A_266 = arith.muli %scan3A_264, %mul3A_265 : i32
      %add3A_267 = arith.constant 12288 : i32
      %add3A_268 = arith.addi %add3A_267, %mul3A_266 : i32
      %add3A_269 = arith.constant 0 : i32
      %add3A_270 = arith.addi %add3A_268, %add3A_269 : i32
      %get3A = arith.index_cast %add3A_270 : i32 to index
      %get3A_271 = tpu.vector_load %arg6[%get3A] {strides = array<i32>} : memref<16384xi32, #tpu.memory_space<vmem>>, vector<16xi32>,
      %add3A_272 = arith.constant 16 : i32
      %add3A_273 = arith.addi %add3A_268, %add3A_272 : i32
      %get3A_274 = arith.index_cast %add3A_273 : i32 to index
      %get3A_275 = tpu.vector_load %arg6[%get3A_274] {strides = array<i32>} : memref<16384xi32, #tpu.memory_space<vmem>>, vector<16xi32>,
      %add3A_276 = arith.constant 32 : i32
      %add3A_277 = arith.addi %add3A_268, %add3A_276 : i32
      %get3A_278 = arith.index_cast %add3A_277 : i32 to index
      %get3A_279 = tpu.vector_load %arg6[%get3A_278] {strides = array<i32>} : memref<16384xi32, #tpu.memory_space<vmem>>, vector<16xi32>,
      %add3A_280 = arith.constant 48 : i32
      %add3A_281 = arith.addi %add3A_268, %add3A_280 : i32
      %get3A_282 = arith.index_cast %add3A_281 : i32 to index
      %get3A_283 = tpu.vector_load %arg6[%get3A_282] {strides = array<i32>} : memref<16384xi32, #tpu.memory_space<vmem>>, vector<16xi32>,
      %add3A_284 = arith.constant 64 : i32
      %add3A_285 = arith.addi %add3A_268, %add3A_284 : i32
      %get3A_286 = arith.index_cast %add3A_285 : i32 to index
      %get3A_287 = tpu.vector_load %arg6[%get3A_286] {strides = array<i32>} : memref<16384xi32, #tpu.memory_space<vmem>>, vector<16xi32>,
      %add3A_288 = arith.constant 80 : i32
      %add3A_289 = arith.addi %add3A_268, %add3A_288 : i32
      %get3A_290 = arith.index_cast %add3A_289 : i32 to index
      %get3A_291 = tpu.vector_load %arg6[%get3A_290] {strides = array<i32>} : memref<16384xi32, #tpu.memory_space<vmem>>, vector<16xi32>,
      %add3A_292 = arith.constant 96 : i32
      %add3A_293 = arith.addi %add3A_268, %add3A_292 : i32
      %get3A_294 = arith.index_cast %add3A_293 : i32 to index
      %get3A_295 = tpu.vector_load %arg6[%get3A_294] {strides = array<i32>} : memref<16384xi32, #tpu.memory_space<vmem>>, vector<16xi32>,
      %add3A_296 = arith.constant 112 : i32
      %add3A_297 = arith.addi %add3A_268, %add3A_296 : i32
      %get3A_298 = arith.index_cast %add3A_297 : i32 to index
      %get3A_299 = tpu.vector_load %arg6[%get3A_298] {strides = array<i32>} : memref<16384xi32, #tpu.memory_space<vmem>>, vector<16xi32>,
      %add3A_300 = arith.constant 128 : i32
      %add3A_301 = arith.addi %add3A_268, %add3A_300 : i32
      %get3A_302 = arith.index_cast %add3A_301 : i32 to index
      %get3A_303 = tpu.vector_load %arg6[%get3A_302] {strides = array<i32>} : memref<16384xi32, #tpu.memory_space<vmem>>, vector<16xi32>,
      %add3A_304 = arith.constant 144 : i32
      %add3A_305 = arith.addi %add3A_268, %add3A_304 : i32
      %get3A_306 = arith.index_cast %add3A_305 : i32 to index
      %get3A_307 = tpu.vector_load %arg6[%get3A_306] {strides = array<i32>} : memref<16384xi32, #tpu.memory_space<vmem>>, vector<16xi32>,
      %add3A_308 = arith.constant 160 : i32
      %add3A_309 = arith.addi %add3A_268, %add3A_308 : i32
      %get3A_310 = arith.index_cast %add3A_309 : i32 to index
      %get3A_311 = tpu.vector_load %arg6[%get3A_310] {strides = array<i32>} : memref<16384xi32, #tpu.memory_space<vmem>>, vector<16xi32>,
      %add3A_312 = arith.constant 176 : i32
      %add3A_313 = arith.addi %add3A_268, %add3A_312 : i32
      %get3A_314 = arith.index_cast %add3A_313 : i32 to index
      %get3A_315 = tpu.vector_load %arg6[%get3A_314] {strides = array<i32>} : memref<16384xi32, #tpu.memory_space<vmem>>, vector<16xi32>,
      %add3A_316 = arith.constant 192 : i32
      %add3A_317 = arith.addi %add3A_268, %add3A_316 : i32
      %get3A_318 = arith.index_cast %add3A_317 : i32 to index
      %get3A_319 = tpu.vector_load %arg6[%get3A_318] {strides = array<i32>} : memref<16384xi32, #tpu.memory_space<vmem>>, vector<16xi32>,
      %add3A_320 = arith.constant 208 : i32
      %add3A_321 = arith.addi %add3A_268, %add3A_320 : i32
      %get3A_322 = arith.index_cast %add3A_321 : i32 to index
      %get3A_323 = tpu.vector_load %arg6[%get3A_322] {strides = array<i32>} : memref<16384xi32, #tpu.memory_space<vmem>>, vector<16xi32>,
      %add3A_324 = arith.constant 224 : i32
      %add3A_325 = arith.addi %add3A_268, %add3A_324 : i32
      %get3A_326 = arith.index_cast %add3A_325 : i32 to index
      %get3A_327 = tpu.vector_load %arg6[%get3A_326] {strides = array<i32>} : memref<16384xi32, #tpu.memory_space<vmem>>, vector<16xi32>,
      %add3A_328 = arith.constant 240 : i32
      %add3A_329 = arith.addi %add3A_268, %add3A_328 : i32
      %get3A_330 = arith.index_cast %add3A_329 : i32 to index
      %get3A_331 = tpu.vector_load %arg6[%get3A_330] {strides = array<i32>} : memref<16384xi32, #tpu.memory_space<vmem>>, vector<16xi32>,
      %gather3A = tpu.vector_load_idx %arg5[%get3A_271] : memref<100000xf32, #tpu.memory_space<vmem>>[vector<16xi32>], vector<16xf32>,
      %gather3A_332 = tpu.vector_load_idx %arg5[%get3A_275] : memref<100000xf32, #tpu.memory_space<vmem>>[vector<16xi32>], vector<16xf32>,
      %gather3A_333 = tpu.vector_load_idx %arg5[%get3A_279] : memref<100000xf32, #tpu.memory_space<vmem>>[vector<16xi32>], vector<16xf32>,
      %gather3A_334 = tpu.vector_load_idx %arg5[%get3A_283] : memref<100000xf32, #tpu.memory_space<vmem>>[vector<16xi32>], vector<16xf32>,
      %gather3A_335 = tpu.vector_load_idx %arg5[%get3A_287] : memref<100000xf32, #tpu.memory_space<vmem>>[vector<16xi32>], vector<16xf32>,
      %gather3A_336 = tpu.vector_load_idx %arg5[%get3A_291] : memref<100000xf32, #tpu.memory_space<vmem>>[vector<16xi32>], vector<16xf32>,
      %gather3A_337 = tpu.vector_load_idx %arg5[%get3A_295] : memref<100000xf32, #tpu.memory_space<vmem>>[vector<16xi32>], vector<16xf32>,
      %gather3A_338 = tpu.vector_load_idx %arg5[%get3A_299] : memref<100000xf32, #tpu.memory_space<vmem>>[vector<16xi32>], vector<16xf32>,
      %gather3A_339 = tpu.vector_load_idx %arg5[%get3A_303] : memref<100000xf32, #tpu.memory_space<vmem>>[vector<16xi32>], vector<16xf32>,
      %gather3A_340 = tpu.vector_load_idx %arg5[%get3A_307] : memref<100000xf32, #tpu.memory_space<vmem>>[vector<16xi32>], vector<16xf32>,
      %gather3A_341 = tpu.vector_load_idx %arg5[%get3A_311] : memref<100000xf32, #tpu.memory_space<vmem>>[vector<16xi32>], vector<16xf32>,
      %gather3A_342 = tpu.vector_load_idx %arg5[%get3A_315] : memref<100000xf32, #tpu.memory_space<vmem>>[vector<16xi32>], vector<16xf32>,
      %gather3A_343 = tpu.vector_load_idx %arg5[%get3A_319] : memref<100000xf32, #tpu.memory_space<vmem>>[vector<16xi32>], vector<16xf32>,
      %gather3A_344 = tpu.vector_load_idx %arg5[%get3A_323] : memref<100000xf32, #tpu.memory_space<vmem>>[vector<16xi32>], vector<16xf32>,
      %gather3A_345 = tpu.vector_load_idx %arg5[%get3A_327] : memref<100000xf32, #tpu.memory_space<vmem>>[vector<16xi32>], vector<16xf32>,
      %gather3A_346 = tpu.vector_load_idx %arg5[%get3A_331] : memref<100000xf32, #tpu.memory_space<vmem>>[vector<16xi32>], vector<16xf32>,
      %mul3A_347 = arith.constant 256 : i32
      %mul3A_348 = arith.muli %scan3A_264, %mul3A_347 : i32
      %add3A_349 = arith.constant 0 : i32
      %add3A_350 = arith.addi %mul3A_348, %add3A_349 : i32
      %swap3A = arith.constant 1 : i32
      %swap3A_351 = arith.index_cast %swap3A : i32 to index
      %swap3A_352 = arith.index_cast %add3A_350 : i32 to index
      %swap3A_353 = tpu.vector_load %arg7[%swap3A_351, %swap3A_352] {strides = array<i32>} : memref<2x4096xf32, #tpu.memory_space<vmem>>, vector<16xf32>,
      tpu.vector_store %arg7[%swap3A_351, %swap3A_352], %gather3A {strides = array<i32>} : memref<2x4096xf32, #tpu.memory_space<vmem>>, vector<16xf32>,
      %add3A_354 = arith.constant 16 : i32
      %add3A_355 = arith.addi %mul3A_348, %add3A_354 : i32
      %swap3A_356 = arith.constant 1 : i32
      %swap3A_357 = arith.index_cast %swap3A_356 : i32 to index
      %swap3A_358 = arith.index_cast %add3A_355 : i32 to index
      %swap3A_359 = tpu.vector_load %arg7[%swap3A_357, %swap3A_358] {strides = array<i32>} : memref<2x4096xf32, #tpu.memory_space<vmem>>, vector<16xf32>,
      tpu.vector_store %arg7[%swap3A_357, %swap3A_358], %gather3A_332 {strides = array<i32>} : memref<2x4096xf32, #tpu.memory_space<vmem>>, vector<16xf32>,
      %add3A_360 = arith.constant 32 : i32
      %add3A_361 = arith.addi %mul3A_348, %add3A_360 : i32
      %swap3A_362 = arith.constant 1 : i32
      %swap3A_363 = arith.index_cast %swap3A_362 : i32 to index
      %swap3A_364 = arith.index_cast %add3A_361 : i32 to index
      %swap3A_365 = tpu.vector_load %arg7[%swap3A_363, %swap3A_364] {strides = array<i32>} : memref<2x4096xf32, #tpu.memory_space<vmem>>, vector<16xf32>,
      tpu.vector_store %arg7[%swap3A_363, %swap3A_364], %gather3A_333 {strides = array<i32>} : memref<2x4096xf32, #tpu.memory_space<vmem>>, vector<16xf32>,
      %add3A_366 = arith.constant 48 : i32
      %add3A_367 = arith.addi %mul3A_348, %add3A_366 : i32
      %swap3A_368 = arith.constant 1 : i32
      %swap3A_369 = arith.index_cast %swap3A_368 : i32 to index
      %swap3A_370 = arith.index_cast %add3A_367 : i32 to index
      %swap3A_371 = tpu.vector_load %arg7[%swap3A_369, %swap3A_370] {strides = array<i32>} : memref<2x4096xf32, #tpu.memory_space<vmem>>, vector<16xf32>,
      tpu.vector_store %arg7[%swap3A_369, %swap3A_370], %gather3A_334 {strides = array<i32>} : memref<2x4096xf32, #tpu.memory_space<vmem>>, vector<16xf32>,
      %add3A_372 = arith.constant 64 : i32
      %add3A_373 = arith.addi %mul3A_348, %add3A_372 : i32
      %swap3A_374 = arith.constant 1 : i32
      %swap3A_375 = arith.index_cast %swap3A_374 : i32 to index
      %swap3A_376 = arith.index_cast %add3A_373 : i32 to index
      %swap3A_377 = tpu.vector_load %arg7[%swap3A_375, %swap3A_376] {strides = array<i32>} : memref<2x4096xf32, #tpu.memory_space<vmem>>, vector<16xf32>,
      tpu.vector_store %arg7[%swap3A_375, %swap3A_376], %gather3A_335 {strides = array<i32>} : memref<2x4096xf32, #tpu.memory_space<vmem>>, vector<16xf32>,
      %add3A_378 = arith.constant 80 : i32
      %add3A_379 = arith.addi %mul3A_348, %add3A_378 : i32
      %swap3A_380 = arith.constant 1 : i32
      %swap3A_381 = arith.index_cast %swap3A_380 : i32 to index
      %swap3A_382 = arith.index_cast %add3A_379 : i32 to index
      %swap3A_383 = tpu.vector_load %arg7[%swap3A_381, %swap3A_382] {strides = array<i32>} : memref<2x4096xf32, #tpu.memory_space<vmem>>, vector<16xf32>,
      tpu.vector_store %arg7[%swap3A_381, %swap3A_382], %gather3A_336 {strides = array<i32>} : memref<2x4096xf32, #tpu.memory_space<vmem>>, vector<16xf32>,
      %add3A_384 = arith.constant 96 : i32
      %add3A_385 = arith.addi %mul3A_348, %add3A_384 : i32
      %swap3A_386 = arith.constant 1 : i32
      %swap3A_387 = arith.index_cast %swap3A_386 : i32 to index
      %swap3A_388 = arith.index_cast %add3A_385 : i32 to index
      %swap3A_389 = tpu.vector_load %arg7[%swap3A_387, %swap3A_388] {strides = array<i32>} : memref<2x4096xf32, #tpu.memory_space<vmem>>, vector<16xf32>,
      tpu.vector_store %arg7[%swap3A_387, %swap3A_388], %gather3A_337 {strides = array<i32>} : memref<2x4096xf32, #tpu.memory_space<vmem>>, vector<16xf32>,
      %add3A_390 = arith.constant 112 : i32
      %add3A_391 = arith.addi %mul3A_348, %add3A_390 : i32
      %swap3A_392 = arith.constant 1 : i32
      %swap3A_393 = arith.index_cast %swap3A_392 : i32 to index
      %swap3A_394 = arith.index_cast %add3A_391 : i32 to index
      %swap3A_395 = tpu.vector_load %arg7[%swap3A_393, %swap3A_394] {strides = array<i32>} : memref<2x4096xf32, #tpu.memory_space<vmem>>, vector<16xf32>,
      tpu.vector_store %arg7[%swap3A_393, %swap3A_394], %gather3A_338 {strides = array<i32>} : memref<2x4096xf32, #tpu.memory_space<vmem>>, vector<16xf32>,
      %add3A_396 = arith.constant 128 : i32
      %add3A_397 = arith.addi %mul3A_348, %add3A_396 : i32
      %swap3A_398 = arith.constant 1 : i32
      %swap3A_399 = arith.index_cast %swap3A_398 : i32 to index
      %swap3A_400 = arith.index_cast %add3A_397 : i32 to index
      %swap3A_401 = tpu.vector_load %arg7[%swap3A_399, %swap3A_400] {strides = array<i32>} : memref<2x4096xf32, #tpu.memory_space<vmem>>, vector<16xf32>,
      tpu.vector_store %arg7[%swap3A_399, %swap3A_400], %gather3A_339 {strides = array<i32>} : memref<2x4096xf32, #tpu.memory_space<vmem>>, vector<16xf32>,
      %add3A_402 = arith.constant 144 : i32
      %add3A_403 = arith.addi %mul3A_348, %add3A_402 : i32
      %swap3A_404 = arith.constant 1 : i32
      %swap3A_405 = arith.index_cast %swap3A_404 : i32 to index
      %swap3A_406 = arith.index_cast %add3A_403 : i32 to index
      %swap3A_407 = tpu.vector_load %arg7[%swap3A_405, %swap3A_406] {strides = array<i32>} : memref<2x4096xf32, #tpu.memory_space<vmem>>, vector<16xf32>,
      tpu.vector_store %arg7[%swap3A_405, %swap3A_406], %gather3A_340 {strides = array<i32>} : memref<2x4096xf32, #tpu.memory_space<vmem>>, vector<16xf32>,
      %add3A_408 = arith.constant 160 : i32
      %add3A_409 = arith.addi %mul3A_348, %add3A_408 : i32
      %swap3A_410 = arith.constant 1 : i32
      %swap3A_411 = arith.index_cast %swap3A_410 : i32 to index
      %swap3A_412 = arith.index_cast %add3A_409 : i32 to index
      %swap3A_413 = tpu.vector_load %arg7[%swap3A_411, %swap3A_412] {strides = array<i32>} : memref<2x4096xf32, #tpu.memory_space<vmem>>, vector<16xf32>,
      tpu.vector_store %arg7[%swap3A_411, %swap3A_412], %gather3A_341 {strides = array<i32>} : memref<2x4096xf32, #tpu.memory_space<vmem>>, vector<16xf32>,
      %add3A_414 = arith.constant 176 : i32
      %add3A_415 = arith.addi %mul3A_348, %add3A_414 : i32
      %swap3A_416 = arith.constant 1 : i32
      %swap3A_417 = arith.index_cast %swap3A_416 : i32 to index
      %swap3A_418 = arith.index_cast %add3A_415 : i32 to index
      %swap3A_419 = tpu.vector_load %arg7[%swap3A_417, %swap3A_418] {strides = array<i32>} : memref<2x4096xf32, #tpu.memory_space<vmem>>, vector<16xf32>,
      tpu.vector_store %arg7[%swap3A_417, %swap3A_418], %gather3A_342 {strides = array<i32>} : memref<2x4096xf32, #tpu.memory_space<vmem>>, vector<16xf32>,
      %add3A_420 = arith.constant 192 : i32
      %add3A_421 = arith.addi %mul3A_348, %add3A_420 : i32
      %swap3A_422 = arith.constant 1 : i32
      %swap3A_423 = arith.index_cast %swap3A_422 : i32 to index
      %swap3A_424 = arith.index_cast %add3A_421 : i32 to index
      %swap3A_425 = tpu.vector_load %arg7[%swap3A_423, %swap3A_424] {strides = array<i32>} : memref<2x4096xf32, #tpu.memory_space<vmem>>, vector<16xf32>,
      tpu.vector_store %arg7[%swap3A_423, %swap3A_424], %gather3A_343 {strides = array<i32>} : memref<2x4096xf32, #tpu.memory_space<vmem>>, vector<16xf32>,
      %add3A_426 = arith.constant 208 : i32
      %add3A_427 = arith.addi %mul3A_348, %add3A_426 : i32
      %swap3A_428 = arith.constant 1 : i32
      %swap3A_429 = arith.index_cast %swap3A_428 : i32 to index
      %swap3A_430 = arith.index_cast %add3A_427 : i32 to index
      %swap3A_431 = tpu.vector_load %arg7[%swap3A_429, %swap3A_430] {strides = array<i32>} : memref<2x4096xf32, #tpu.memory_space<vmem>>, vector<16xf32>,
      tpu.vector_store %arg7[%swap3A_429, %swap3A_430], %gather3A_344 {strides = array<i32>} : memref<2x4096xf32, #tpu.memory_space<vmem>>, vector<16xf32>,
      %add3A_432 = arith.constant 224 : i32
      %add3A_433 = arith.addi %mul3A_348, %add3A_432 : i32
      %swap3A_434 = arith.constant 1 : i32
      %swap3A_435 = arith.index_cast %swap3A_434 : i32 to index
      %swap3A_436 = arith.index_cast %add3A_433 : i32 to index
      %swap3A_437 = tpu.vector_load %arg7[%swap3A_435, %swap3A_436] {strides = array<i32>} : memref<2x4096xf32, #tpu.memory_space<vmem>>, vector<16xf32>,
      tpu.vector_store %arg7[%swap3A_435, %swap3A_436], %gather3A_345 {strides = array<i32>} : memref<2x4096xf32, #tpu.memory_space<vmem>>, vector<16xf32>,
      %add3A_438 = arith.constant 240 : i32
      %add3A_439 = arith.addi %mul3A_348, %add3A_438 : i32
      %swap3A_440 = arith.constant 1 : i32
      %swap3A_441 = arith.index_cast %swap3A_440 : i32 to index
      %swap3A_442 = arith.index_cast %add3A_439 : i32 to index
      %swap3A_443 = tpu.vector_load %arg7[%swap3A_441, %swap3A_442] {strides = array<i32>} : memref<2x4096xf32, #tpu.memory_space<vmem>>, vector<16xf32>,
      tpu.vector_store %arg7[%swap3A_441, %swap3A_442], %gather3A_346 {strides = array<i32>} : memref<2x4096xf32, #tpu.memory_space<vmem>>, vector<16xf32>,
    }
    %scan3A_92 = arith.constant 16 : i32
    %dma_start3A_93 = arith.constant 1 : i32
    %dma_start3A_94 = arith.constant 0 : i32
    %dma_start3A_95 = tpu.memref_slice %arg7[%dma_start3A_93, %dma_start3A_94] : memref<2x4096xf32, #tpu.memory_space<vmem>> -> memref<1x4096xf32, #tpu.memory_space<vmem>>
    %dma_start3A_96 = tpu.memref_squeeze %dma_start3A_95 : memref<1x4096xf32, #tpu.memory_space<vmem>> -> memref<4096xf32, #tpu.memory_space<vmem>>
    %dma_start3A_97 = arith.constant 12288 : i32
    %dma_start3A_98 = tpu.memref_slice %arg4[%add3A_6, %dma_start3A_97] : memref<64x16384xf32, #tpu.memory_space<hbm>> -> memref<1x4096xf32, #tpu.memory_space<hbm>>
    %dma_start3A_99 = tpu.memref_squeeze %dma_start3A_98 : memref<1x4096xf32, #tpu.memory_space<hbm>> -> memref<4096xf32, #tpu.memory_space<hbm>>
    %dma_start3A_100 = arith.constant 12288 : i32
    %dma_start3A_101 = tpu.memref_slice %arg4[%add3A_6, %dma_start3A_100] : memref<64x16384xf32, #tpu.memory_space<hbm>> -> memref<1x4096xf32, #tpu.memory_space<hbm>>
    %dma_start3A_102 = tpu.memref_squeeze %dma_start3A_101 : memref<1x4096xf32, #tpu.memory_space<hbm>> -> memref<4096xf32, #tpu.memory_space<hbm>>
    %dma_start3A_103 = arith.constant 0 : i32
    %dma_start3A_104 = tpu.memref_slice %arg7[%dma_start3A_93, %dma_start3A_103] : memref<2x4096xf32, #tpu.memory_space<vmem>> -> memref<1x4096xf32, #tpu.memory_space<vmem>>
    %dma_start3A_105 = tpu.memref_squeeze %dma_start3A_104 : memref<1x4096xf32, #tpu.memory_space<vmem>> -> memref<4096xf32, #tpu.memory_space<vmem>>
    tpu.enqueue_dma source(%dma_start3A_105 : memref<4096xf32, #tpu.memory_space<vmem>>) target(%dma_start3A_102 : memref<4096xf32, #tpu.memory_space<hbm>>) target_semaphore(%arg10 : memref<!tpu.dma_semaphore, #tpu.memory_space<semaphore_mem>>)
    %mul3A_106 = arith.constant 2 : i32
    %mul3A_107 = arith.muli %add3A, %mul3A_106 : i32
    %add3A_108 = arith.constant 1 : i32
    %add3A_109 = arith.addi %mul3A_107, %add3A_108 : i32
    "tpu.region"() ({
      %run_scoped3A = tpu.sem_alloc : memref<!tpu.dma_semaphore, #tpu.memory_space<semaphore_mem>>
      %dma_start3A_264 = arith.constant 0 : i32
      %dma_start3A_265 = tpu.memref_slice %arg3[%add3A_109, %dma_start3A_264] : memref<64x100000xf32, #tpu.memory_space<hbm>> -> memref<1x100000xf32, #tpu.memory_space<hbm>>
      %dma_start3A_266 = tpu.memref_squeeze %dma_start3A_265 : memref<1x100000xf32, #tpu.memory_space<hbm>> -> memref<100000xf32, #tpu.memory_space<hbm>>
      %dma_start3A_267 = arith.constant 0 : i32
      %dma_start3A_268 = tpu.memref_slice %arg3[%add3A_109, %dma_start3A_267] : memref<64x100000xf32, #tpu.memory_space<hbm>> -> memref<1x100000xf32, #tpu.memory_space<hbm>>
      %dma_start3A_269 = tpu.memref_squeeze %dma_start3A_268 : memref<1x100000xf32, #tpu.memory_space<hbm>> -> memref<100000xf32, #tpu.memory_space<hbm>>
      tpu.enqueue_dma source(%dma_start3A_269 : memref<100000xf32, #tpu.memory_space<hbm>>) target(%arg5 : memref<100000xf32, #tpu.memory_space<vmem>>) target_semaphore(%run_scoped3A : memref<!tpu.dma_semaphore, #tpu.memory_space<semaphore_mem>>)
      %dma_wait3A_270 = arith.constant 0 : i32
      %dma_wait3A_271 = tpu.memref_slice %arg3[%add3A_109, %dma_wait3A_270] : memref<64x100000xf32, #tpu.memory_space<hbm>> -> memref<1x100000xf32, #tpu.memory_space<hbm>>
      %dma_wait3A_272 = tpu.memref_squeeze %dma_wait3A_271 : memref<1x100000xf32, #tpu.memory_space<hbm>> -> memref<100000xf32, #tpu.memory_space<hbm>>
      %dma_wait3A_273 = arith.constant 0 : i32
      %dma_wait3A_274 = tpu.memref_slice %arg3[%add3A_109, %dma_wait3A_273] : memref<64x100000xf32, #tpu.memory_space<hbm>> -> memref<1x100000xf32, #tpu.memory_space<hbm>>
      %dma_wait3A_275 = tpu.memref_squeeze %dma_wait3A_274 : memref<1x100000xf32, #tpu.memory_space<hbm>> -> memref<100000xf32, #tpu.memory_space<hbm>>
      tpu.wait_dma2 semaphore(%run_scoped3A : memref<!tpu.dma_semaphore, #tpu.memory_space<semaphore_mem>>) src(%dma_wait3A_275 : memref<100000xf32, #tpu.memory_space<hbm>>) dst(%arg5 : memref<100000xf32, #tpu.memory_space<vmem>>)
      tpu.yield
    }) : () -> ()
    %dma_wait3A_110 = arith.constant 0 : i32
    %dma_wait3A_111 = arith.constant 0 : i32
    %dma_wait3A_112 = tpu.memref_slice %arg7[%dma_wait3A_110, %dma_wait3A_111] : memref<2x4096xf32, #tpu.memory_space<vmem>> -> memref<1x4096xf32, #tpu.memory_space<vmem>>
    %dma_wait3A_113 = tpu.memref_squeeze %dma_wait3A_112 : memref<1x4096xf32, #tpu.memory_space<vmem>> -> memref<4096xf32, #tpu.memory_space<vmem>>
    %dma_wait3A_114 = arith.constant 8192 : i32
    %dma_wait3A_115 = tpu.memref_slice %arg4[%add3A_6, %dma_wait3A_114] : memref<64x16384xf32, #tpu.memory_space<hbm>> -> memref<1x4096xf32, #tpu.memory_space<hbm>>
    %dma_wait3A_116 = tpu.memref_squeeze %dma_wait3A_115 : memref<1x4096xf32, #tpu.memory_space<hbm>> -> memref<4096xf32, #tpu.memory_space<hbm>>
    %dma_wait3A_117 = arith.constant 8192 : i32
    %dma_wait3A_118 = tpu.memref_slice %arg4[%add3A_6, %dma_wait3A_117] : memref<64x16384xf32, #tpu.memory_space<hbm>> -> memref<1x4096xf32, #tpu.memory_space<hbm>>
    %dma_wait3A_119 = tpu.memref_squeeze %dma_wait3A_118 : memref<1x4096xf32, #tpu.memory_space<hbm>> -> memref<4096xf32, #tpu.memory_space<hbm>>
    %dma_wait3A_120 = arith.constant 0 : i32
    %dma_wait3A_121 = tpu.memref_slice %arg7[%dma_wait3A_110, %dma_wait3A_120] : memref<2x4096xf32, #tpu.memory_space<vmem>> -> memref<1x4096xf32, #tpu.memory_space<vmem>>
    %dma_wait3A_122 = tpu.memref_squeeze %dma_wait3A_121 : memref<1x4096xf32, #tpu.memory_space<vmem>> -> memref<4096xf32, #tpu.memory_space<vmem>>
    tpu.wait_dma2 semaphore(%arg10 : memref<!tpu.dma_semaphore, #tpu.memory_space<semaphore_mem>>) src(%dma_wait3A_122 : memref<4096xf32, #tpu.memory_space<vmem>>) dst(%dma_wait3A_119 : memref<4096xf32, #tpu.memory_space<hbm>>)
    %scan3A_123 = arith.constant 0 : i32
    %scan3A_124 = arith.constant 0 : i32
    %scan3A_125 = arith.constant 16 : i32
    %scan3A_126 = arith.addi %scan3A_124, %scan3A_125 : i32
    %scan3A_127 = arith.constant 1 : i32
    scf.for %scan3A_264 = %scan3A_124 to %scan3A_126 step %scan3A_127  : i32 {
      %mul3A_265 = arith.constant 256 : i32
      %mul3A_266 = arith.muli %scan3A_264, %mul3A_265 : i32
      %add3A_267 = arith.constant 0 : i32
      %add3A_268 = arith.addi %add3A_267, %mul3A_266 : i32
      %add3A_269 = arith.constant 0 : i32
      %add3A_270 = arith.addi %add3A_268, %add3A_269 : i32
      %get3A = arith.index_cast %add3A_270 : i32 to index
      %get3A_271 = tpu.vector_load %arg6[%get3A] {strides = array<i32>} : memref<16384xi32, #tpu.memory_space<vmem>>, vector<16xi32>,
      %add3A_272 = arith.constant 16 : i32
      %add3A_273 = arith.addi %add3A_268, %add3A_272 : i32
      %get3A_274 = arith.index_cast %add3A_273 : i32 to index
      %get3A_275 = tpu.vector_load %arg6[%get3A_274] {strides = array<i32>} : memref<16384xi32, #tpu.memory_space<vmem>>, vector<16xi32>,
      %add3A_276 = arith.constant 32 : i32
      %add3A_277 = arith.addi %add3A_268, %add3A_276 : i32
      %get3A_278 = arith.index_cast %add3A_277 : i32 to index
      %get3A_279 = tpu.vector_load %arg6[%get3A_278] {strides = array<i32>} : memref<16384xi32, #tpu.memory_space<vmem>>, vector<16xi32>,
      %add3A_280 = arith.constant 48 : i32
      %add3A_281 = arith.addi %add3A_268, %add3A_280 : i32
      %get3A_282 = arith.index_cast %add3A_281 : i32 to index
      %get3A_283 = tpu.vector_load %arg6[%get3A_282] {strides = array<i32>} : memref<16384xi32, #tpu.memory_space<vmem>>, vector<16xi32>,
      %add3A_284 = arith.constant 64 : i32
      %add3A_285 = arith.addi %add3A_268, %add3A_284 : i32
      %get3A_286 = arith.index_cast %add3A_285 : i32 to index
      %get3A_287 = tpu.vector_load %arg6[%get3A_286] {strides = array<i32>} : memref<16384xi32, #tpu.memory_space<vmem>>, vector<16xi32>,
      %add3A_288 = arith.constant 80 : i32
      %add3A_289 = arith.addi %add3A_268, %add3A_288 : i32
      %get3A_290 = arith.index_cast %add3A_289 : i32 to index
      %get3A_291 = tpu.vector_load %arg6[%get3A_290] {strides = array<i32>} : memref<16384xi32, #tpu.memory_space<vmem>>, vector<16xi32>,
      %add3A_292 = arith.constant 96 : i32
      %add3A_293 = arith.addi %add3A_268, %add3A_292 : i32
      %get3A_294 = arith.index_cast %add3A_293 : i32 to index
      %get3A_295 = tpu.vector_load %arg6[%get3A_294] {strides = array<i32>} : memref<16384xi32, #tpu.memory_space<vmem>>, vector<16xi32>,
      %add3A_296 = arith.constant 112 : i32
      %add3A_297 = arith.addi %add3A_268, %add3A_296 : i32
      %get3A_298 = arith.index_cast %add3A_297 : i32 to index
      %get3A_299 = tpu.vector_load %arg6[%get3A_298] {strides = array<i32>} : memref<16384xi32, #tpu.memory_space<vmem>>, vector<16xi32>,
      %add3A_300 = arith.constant 128 : i32
      %add3A_301 = arith.addi %add3A_268, %add3A_300 : i32
      %get3A_302 = arith.index_cast %add3A_301 : i32 to index
      %get3A_303 = tpu.vector_load %arg6[%get3A_302] {strides = array<i32>} : memref<16384xi32, #tpu.memory_space<vmem>>, vector<16xi32>,
      %add3A_304 = arith.constant 144 : i32
      %add3A_305 = arith.addi %add3A_268, %add3A_304 : i32
      %get3A_306 = arith.index_cast %add3A_305 : i32 to index
      %get3A_307 = tpu.vector_load %arg6[%get3A_306] {strides = array<i32>} : memref<16384xi32, #tpu.memory_space<vmem>>, vector<16xi32>,
      %add3A_308 = arith.constant 160 : i32
      %add3A_309 = arith.addi %add3A_268, %add3A_308 : i32
      %get3A_310 = arith.index_cast %add3A_309 : i32 to index
      %get3A_311 = tpu.vector_load %arg6[%get3A_310] {strides = array<i32>} : memref<16384xi32, #tpu.memory_space<vmem>>, vector<16xi32>,
      %add3A_312 = arith.constant 176 : i32
      %add3A_313 = arith.addi %add3A_268, %add3A_312 : i32
      %get3A_314 = arith.index_cast %add3A_313 : i32 to index
      %get3A_315 = tpu.vector_load %arg6[%get3A_314] {strides = array<i32>} : memref<16384xi32, #tpu.memory_space<vmem>>, vector<16xi32>,
      %add3A_316 = arith.constant 192 : i32
      %add3A_317 = arith.addi %add3A_268, %add3A_316 : i32
      %get3A_318 = arith.index_cast %add3A_317 : i32 to index
      %get3A_319 = tpu.vector_load %arg6[%get3A_318] {strides = array<i32>} : memref<16384xi32, #tpu.memory_space<vmem>>, vector<16xi32>,
      %add3A_320 = arith.constant 208 : i32
      %add3A_321 = arith.addi %add3A_268, %add3A_320 : i32
      %get3A_322 = arith.index_cast %add3A_321 : i32 to index
      %get3A_323 = tpu.vector_load %arg6[%get3A_322] {strides = array<i32>} : memref<16384xi32, #tpu.memory_space<vmem>>, vector<16xi32>,
      %add3A_324 = arith.constant 224 : i32
      %add3A_325 = arith.addi %add3A_268, %add3A_324 : i32
      %get3A_326 = arith.index_cast %add3A_325 : i32 to index
      %get3A_327 = tpu.vector_load %arg6[%get3A_326] {strides = array<i32>} : memref<16384xi32, #tpu.memory_space<vmem>>, vector<16xi32>,
      %add3A_328 = arith.constant 240 : i32
      %add3A_329 = arith.addi %add3A_268, %add3A_328 : i32
      %get3A_330 = arith.index_cast %add3A_329 : i32 to index
      %get3A_331 = tpu.vector_load %arg6[%get3A_330] {strides = array<i32>} : memref<16384xi32, #tpu.memory_space<vmem>>, vector<16xi32>,
      %gather3A = tpu.vector_load_idx %arg5[%get3A_271] : memref<100000xf32, #tpu.memory_space<vmem>>[vector<16xi32>], vector<16xf32>,
      %gather3A_332 = tpu.vector_load_idx %arg5[%get3A_275] : memref<100000xf32, #tpu.memory_space<vmem>>[vector<16xi32>], vector<16xf32>,
      %gather3A_333 = tpu.vector_load_idx %arg5[%get3A_279] : memref<100000xf32, #tpu.memory_space<vmem>>[vector<16xi32>], vector<16xf32>,
      %gather3A_334 = tpu.vector_load_idx %arg5[%get3A_283] : memref<100000xf32, #tpu.memory_space<vmem>>[vector<16xi32>], vector<16xf32>,
      %gather3A_335 = tpu.vector_load_idx %arg5[%get3A_287] : memref<100000xf32, #tpu.memory_space<vmem>>[vector<16xi32>], vector<16xf32>,
      %gather3A_336 = tpu.vector_load_idx %arg5[%get3A_291] : memref<100000xf32, #tpu.memory_space<vmem>>[vector<16xi32>], vector<16xf32>,
      %gather3A_337 = tpu.vector_load_idx %arg5[%get3A_295] : memref<100000xf32, #tpu.memory_space<vmem>>[vector<16xi32>], vector<16xf32>,
      %gather3A_338 = tpu.vector_load_idx %arg5[%get3A_299] : memref<100000xf32, #tpu.memory_space<vmem>>[vector<16xi32>], vector<16xf32>,
      %gather3A_339 = tpu.vector_load_idx %arg5[%get3A_303] : memref<100000xf32, #tpu.memory_space<vmem>>[vector<16xi32>], vector<16xf32>,
      %gather3A_340 = tpu.vector_load_idx %arg5[%get3A_307] : memref<100000xf32, #tpu.memory_space<vmem>>[vector<16xi32>], vector<16xf32>,
      %gather3A_341 = tpu.vector_load_idx %arg5[%get3A_311] : memref<100000xf32, #tpu.memory_space<vmem>>[vector<16xi32>], vector<16xf32>,
      %gather3A_342 = tpu.vector_load_idx %arg5[%get3A_315] : memref<100000xf32, #tpu.memory_space<vmem>>[vector<16xi32>], vector<16xf32>,
      %gather3A_343 = tpu.vector_load_idx %arg5[%get3A_319] : memref<100000xf32, #tpu.memory_space<vmem>>[vector<16xi32>], vector<16xf32>,
      %gather3A_344 = tpu.vector_load_idx %arg5[%get3A_323] : memref<100000xf32, #tpu.memory_space<vmem>>[vector<16xi32>], vector<16xf32>,
      %gather3A_345 = tpu.vector_load_idx %arg5[%get3A_327] : memref<100000xf32, #tpu.memory_space<vmem>>[vector<16xi32>], vector<16xf32>,
      %gather3A_346 = tpu.vector_load_idx %arg5[%get3A_331] : memref<100000xf32, #tpu.memory_space<vmem>>[vector<16xi32>], vector<16xf32>,
      %mul3A_347 = arith.constant 256 : i32
      %mul3A_348 = arith.muli %scan3A_264, %mul3A_347 : i32
      %add3A_349 = arith.constant 0 : i32
      %add3A_350 = arith.addi %mul3A_348, %add3A_349 : i32
      %swap3A = arith.constant 0 : i32
      %swap3A_351 = arith.index_cast %swap3A : i32 to index
      %swap3A_352 = arith.index_cast %add3A_350 : i32 to index
      %swap3A_353 = tpu.vector_load %arg7[%swap3A_351, %swap3A_352] {strides = array<i32>} : memref<2x4096xf32, #tpu.memory_space<vmem>>, vector<16xf32>,
      tpu.vector_store %arg7[%swap3A_351, %swap3A_352], %gather3A {strides = array<i32>} : memref<2x4096xf32, #tpu.memory_space<vmem>>, vector<16xf32>,
      %add3A_354 = arith.constant 16 : i32
      %add3A_355 = arith.addi %mul3A_348, %add3A_354 : i32
      %swap3A_356 = arith.constant 0 : i32
      %swap3A_357 = arith.index_cast %swap3A_356 : i32 to index
      %swap3A_358 = arith.index_cast %add3A_355 : i32 to index
      %swap3A_359 = tpu.vector_load %arg7[%swap3A_357, %swap3A_358] {strides = array<i32>} : memref<2x4096xf32, #tpu.memory_space<vmem>>, vector<16xf32>,
      tpu.vector_store %arg7[%swap3A_357, %swap3A_358], %gather3A_332 {strides = array<i32>} : memref<2x4096xf32, #tpu.memory_space<vmem>>, vector<16xf32>,
      %add3A_360 = arith.constant 32 : i32
      %add3A_361 = arith.addi %mul3A_348, %add3A_360 : i32
      %swap3A_362 = arith.constant 0 : i32
      %swap3A_363 = arith.index_cast %swap3A_362 : i32 to index
      %swap3A_364 = arith.index_cast %add3A_361 : i32 to index
      %swap3A_365 = tpu.vector_load %arg7[%swap3A_363, %swap3A_364] {strides = array<i32>} : memref<2x4096xf32, #tpu.memory_space<vmem>>, vector<16xf32>,
      tpu.vector_store %arg7[%swap3A_363, %swap3A_364], %gather3A_333 {strides = array<i32>} : memref<2x4096xf32, #tpu.memory_space<vmem>>, vector<16xf32>,
      %add3A_366 = arith.constant 48 : i32
      %add3A_367 = arith.addi %mul3A_348, %add3A_366 : i32
      %swap3A_368 = arith.constant 0 : i32
      %swap3A_369 = arith.index_cast %swap3A_368 : i32 to index
      %swap3A_370 = arith.index_cast %add3A_367 : i32 to index
      %swap3A_371 = tpu.vector_load %arg7[%swap3A_369, %swap3A_370] {strides = array<i32>} : memref<2x4096xf32, #tpu.memory_space<vmem>>, vector<16xf32>,
      tpu.vector_store %arg7[%swap3A_369, %swap3A_370], %gather3A_334 {strides = array<i32>} : memref<2x4096xf32, #tpu.memory_space<vmem>>, vector<16xf32>,
      %add3A_372 = arith.constant 64 : i32
      %add3A_373 = arith.addi %mul3A_348, %add3A_372 : i32
      %swap3A_374 = arith.constant 0 : i32
      %swap3A_375 = arith.index_cast %swap3A_374 : i32 to index
      %swap3A_376 = arith.index_cast %add3A_373 : i32 to index
      %swap3A_377 = tpu.vector_load %arg7[%swap3A_375, %swap3A_376] {strides = array<i32>} : memref<2x4096xf32, #tpu.memory_space<vmem>>, vector<16xf32>,
      tpu.vector_store %arg7[%swap3A_375, %swap3A_376], %gather3A_335 {strides = array<i32>} : memref<2x4096xf32, #tpu.memory_space<vmem>>, vector<16xf32>,
      %add3A_378 = arith.constant 80 : i32
      %add3A_379 = arith.addi %mul3A_348, %add3A_378 : i32
      %swap3A_380 = arith.constant 0 : i32
      %swap3A_381 = arith.index_cast %swap3A_380 : i32 to index
      %swap3A_382 = arith.index_cast %add3A_379 : i32 to index
      %swap3A_383 = tpu.vector_load %arg7[%swap3A_381, %swap3A_382] {strides = array<i32>} : memref<2x4096xf32, #tpu.memory_space<vmem>>, vector<16xf32>,
      tpu.vector_store %arg7[%swap3A_381, %swap3A_382], %gather3A_336 {strides = array<i32>} : memref<2x4096xf32, #tpu.memory_space<vmem>>, vector<16xf32>,
      %add3A_384 = arith.constant 96 : i32
      %add3A_385 = arith.addi %mul3A_348, %add3A_384 : i32
      %swap3A_386 = arith.constant 0 : i32
      %swap3A_387 = arith.index_cast %swap3A_386 : i32 to index
      %swap3A_388 = arith.index_cast %add3A_385 : i32 to index
      %swap3A_389 = tpu.vector_load %arg7[%swap3A_387, %swap3A_388] {strides = array<i32>} : memref<2x4096xf32, #tpu.memory_space<vmem>>, vector<16xf32>,
      tpu.vector_store %arg7[%swap3A_387, %swap3A_388], %gather3A_337 {strides = array<i32>} : memref<2x4096xf32, #tpu.memory_space<vmem>>, vector<16xf32>,
      %add3A_390 = arith.constant 112 : i32
      %add3A_391 = arith.addi %mul3A_348, %add3A_390 : i32
      %swap3A_392 = arith.constant 0 : i32
      %swap3A_393 = arith.index_cast %swap3A_392 : i32 to index
      %swap3A_394 = arith.index_cast %add3A_391 : i32 to index
      %swap3A_395 = tpu.vector_load %arg7[%swap3A_393, %swap3A_394] {strides = array<i32>} : memref<2x4096xf32, #tpu.memory_space<vmem>>, vector<16xf32>,
      tpu.vector_store %arg7[%swap3A_393, %swap3A_394], %gather3A_338 {strides = array<i32>} : memref<2x4096xf32, #tpu.memory_space<vmem>>, vector<16xf32>,
      %add3A_396 = arith.constant 128 : i32
      %add3A_397 = arith.addi %mul3A_348, %add3A_396 : i32
      %swap3A_398 = arith.constant 0 : i32
      %swap3A_399 = arith.index_cast %swap3A_398 : i32 to index
      %swap3A_400 = arith.index_cast %add3A_397 : i32 to index
      %swap3A_401 = tpu.vector_load %arg7[%swap3A_399, %swap3A_400] {strides = array<i32>} : memref<2x4096xf32, #tpu.memory_space<vmem>>, vector<16xf32>,
      tpu.vector_store %arg7[%swap3A_399, %swap3A_400], %gather3A_339 {strides = array<i32>} : memref<2x4096xf32, #tpu.memory_space<vmem>>, vector<16xf32>,
      %add3A_402 = arith.constant 144 : i32
      %add3A_403 = arith.addi %mul3A_348, %add3A_402 : i32
      %swap3A_404 = arith.constant 0 : i32
      %swap3A_405 = arith.index_cast %swap3A_404 : i32 to index
      %swap3A_406 = arith.index_cast %add3A_403 : i32 to index
      %swap3A_407 = tpu.vector_load %arg7[%swap3A_405, %swap3A_406] {strides = array<i32>} : memref<2x4096xf32, #tpu.memory_space<vmem>>, vector<16xf32>,
      tpu.vector_store %arg7[%swap3A_405, %swap3A_406], %gather3A_340 {strides = array<i32>} : memref<2x4096xf32, #tpu.memory_space<vmem>>, vector<16xf32>,
      %add3A_408 = arith.constant 160 : i32
      %add3A_409 = arith.addi %mul3A_348, %add3A_408 : i32
      %swap3A_410 = arith.constant 0 : i32
      %swap3A_411 = arith.index_cast %swap3A_410 : i32 to index
      %swap3A_412 = arith.index_cast %add3A_409 : i32 to index
      %swap3A_413 = tpu.vector_load %arg7[%swap3A_411, %swap3A_412] {strides = array<i32>} : memref<2x4096xf32, #tpu.memory_space<vmem>>, vector<16xf32>,
      tpu.vector_store %arg7[%swap3A_411, %swap3A_412], %gather3A_341 {strides = array<i32>} : memref<2x4096xf32, #tpu.memory_space<vmem>>, vector<16xf32>,
      %add3A_414 = arith.constant 176 : i32
      %add3A_415 = arith.addi %mul3A_348, %add3A_414 : i32
      %swap3A_416 = arith.constant 0 : i32
      %swap3A_417 = arith.index_cast %swap3A_416 : i32 to index
      %swap3A_418 = arith.index_cast %add3A_415 : i32 to index
      %swap3A_419 = tpu.vector_load %arg7[%swap3A_417, %swap3A_418] {strides = array<i32>} : memref<2x4096xf32, #tpu.memory_space<vmem>>, vector<16xf32>,
      tpu.vector_store %arg7[%swap3A_417, %swap3A_418], %gather3A_342 {strides = array<i32>} : memref<2x4096xf32, #tpu.memory_space<vmem>>, vector<16xf32>,
      %add3A_420 = arith.constant 192 : i32
      %add3A_421 = arith.addi %mul3A_348, %add3A_420 : i32
      %swap3A_422 = arith.constant 0 : i32
      %swap3A_423 = arith.index_cast %swap3A_422 : i32 to index
      %swap3A_424 = arith.index_cast %add3A_421 : i32 to index
      %swap3A_425 = tpu.vector_load %arg7[%swap3A_423, %swap3A_424] {strides = array<i32>} : memref<2x4096xf32, #tpu.memory_space<vmem>>, vector<16xf32>,
      tpu.vector_store %arg7[%swap3A_423, %swap3A_424], %gather3A_343 {strides = array<i32>} : memref<2x4096xf32, #tpu.memory_space<vmem>>, vector<16xf32>,
      %add3A_426 = arith.constant 208 : i32
      %add3A_427 = arith.addi %mul3A_348, %add3A_426 : i32
      %swap3A_428 = arith.constant 0 : i32
      %swap3A_429 = arith.index_cast %swap3A_428 : i32 to index
      %swap3A_430 = arith.index_cast %add3A_427 : i32 to index
      %swap3A_431 = tpu.vector_load %arg7[%swap3A_429, %swap3A_430] {strides = array<i32>} : memref<2x4096xf32, #tpu.memory_space<vmem>>, vector<16xf32>,
      tpu.vector_store %arg7[%swap3A_429, %swap3A_430], %gather3A_344 {strides = array<i32>} : memref<2x4096xf32, #tpu.memory_space<vmem>>, vector<16xf32>,
      %add3A_432 = arith.constant 224 : i32
      %add3A_433 = arith.addi %mul3A_348, %add3A_432 : i32
      %swap3A_434 = arith.constant 0 : i32
      %swap3A_435 = arith.index_cast %swap3A_434 : i32 to index
      %swap3A_436 = arith.index_cast %add3A_433 : i32 to index
      %swap3A_437 = tpu.vector_load %arg7[%swap3A_435, %swap3A_436] {strides = array<i32>} : memref<2x4096xf32, #tpu.memory_space<vmem>>, vector<16xf32>,
      tpu.vector_store %arg7[%swap3A_435, %swap3A_436], %gather3A_345 {strides = array<i32>} : memref<2x4096xf32, #tpu.memory_space<vmem>>, vector<16xf32>,
      %add3A_438 = arith.constant 240 : i32
      %add3A_439 = arith.addi %mul3A_348, %add3A_438 : i32
      %swap3A_440 = arith.constant 0 : i32
      %swap3A_441 = arith.index_cast %swap3A_440 : i32 to index
      %swap3A_442 = arith.index_cast %add3A_439 : i32 to index
      %swap3A_443 = tpu.vector_load %arg7[%swap3A_441, %swap3A_442] {strides = array<i32>} : memref<2x4096xf32, #tpu.memory_space<vmem>>, vector<16xf32>,
      tpu.vector_store %arg7[%swap3A_441, %swap3A_442], %gather3A_346 {strides = array<i32>} : memref<2x4096xf32, #tpu.memory_space<vmem>>, vector<16xf32>,
    }
    %scan3A_128 = arith.constant 16 : i32
    %dma_start3A_129 = arith.constant 0 : i32
    %dma_start3A_130 = arith.constant 0 : i32
    %dma_start3A_131 = tpu.memref_slice %arg7[%dma_start3A_129, %dma_start3A_130] : memref<2x4096xf32, #tpu.memory_space<vmem>> -> memref<1x4096xf32, #tpu.memory_space<vmem>>
    %dma_start3A_132 = tpu.memref_squeeze %dma_start3A_131 : memref<1x4096xf32, #tpu.memory_space<vmem>> -> memref<4096xf32, #tpu.memory_space<vmem>>
    %dma_start3A_133 = arith.constant 0 : i32
    %dma_start3A_134 = tpu.memref_slice %arg4[%add3A_109, %dma_start3A_133] : memref<64x16384xf32, #tpu.memory_space<hbm>> -> memref<1x4096xf32, #tpu.memory_space<hbm>>
    %dma_start3A_135 = tpu.memref_squeeze %dma_start3A_134 : memref<1x4096xf32, #tpu.memory_space<hbm>> -> memref<4096xf32, #tpu.memory_space<hbm>>
    %dma_start3A_136 = arith.constant 0 : i32
    %dma_start3A_137 = tpu.memref_slice %arg4[%add3A_109, %dma_start3A_136] : memref<64x16384xf32, #tpu.memory_space<hbm>> -> memref<1x4096xf32, #tpu.memory_space<hbm>>
    %dma_start3A_138 = tpu.memref_squeeze %dma_start3A_137 : memref<1x4096xf32, #tpu.memory_space<hbm>> -> memref<4096xf32, #tpu.memory_space<hbm>>
    %dma_start3A_139 = arith.constant 0 : i32
    %dma_start3A_140 = tpu.memref_slice %arg7[%dma_start3A_129, %dma_start3A_139] : memref<2x4096xf32, #tpu.memory_space<vmem>> -> memref<1x4096xf32, #tpu.memory_space<vmem>>
    %dma_start3A_141 = tpu.memref_squeeze %dma_start3A_140 : memref<1x4096xf32, #tpu.memory_space<vmem>> -> memref<4096xf32, #tpu.memory_space<vmem>>
    tpu.enqueue_dma source(%dma_start3A_141 : memref<4096xf32, #tpu.memory_space<vmem>>) target(%dma_start3A_138 : memref<4096xf32, #tpu.memory_space<hbm>>) target_semaphore(%arg10 : memref<!tpu.dma_semaphore, #tpu.memory_space<semaphore_mem>>)
    %dma_wait3A_142 = arith.constant 1 : i32
    %dma_wait3A_143 = arith.constant 0 : i32
    %dma_wait3A_144 = tpu.memref_slice %arg7[%dma_wait3A_142, %dma_wait3A_143] : memref<2x4096xf32, #tpu.memory_space<vmem>> -> memref<1x4096xf32, #tpu.memory_space<vmem>>
    %dma_wait3A_145 = tpu.memref_squeeze %dma_wait3A_144 : memref<1x4096xf32, #tpu.memory_space<vmem>> -> memref<4096xf32, #tpu.memory_space<vmem>>
    %dma_wait3A_146 = arith.constant 12288 : i32
    %dma_wait3A_147 = tpu.memref_slice %arg4[%add3A_6, %dma_wait3A_146] : memref<64x16384xf32, #tpu.memory_space<hbm>> -> memref<1x4096xf32, #tpu.memory_space<hbm>>
    %dma_wait3A_148 = tpu.memref_squeeze %dma_wait3A_147 : memref<1x4096xf32, #tpu.memory_space<hbm>> -> memref<4096xf32, #tpu.memory_space<hbm>>
    %dma_wait3A_149 = arith.constant 12288 : i32
    %dma_wait3A_150 = tpu.memref_slice %arg4[%add3A_6, %dma_wait3A_149] : memref<64x16384xf32, #tpu.memory_space<hbm>> -> memref<1x4096xf32, #tpu.memory_space<hbm>>
    %dma_wait3A_151 = tpu.memref_squeeze %dma_wait3A_150 : memref<1x4096xf32, #tpu.memory_space<hbm>> -> memref<4096xf32, #tpu.memory_space<hbm>>
    %dma_wait3A_152 = arith.constant 0 : i32
    %dma_wait3A_153 = tpu.memref_slice %arg7[%dma_wait3A_142, %dma_wait3A_152] : memref<2x4096xf32, #tpu.memory_space<vmem>> -> memref<1x4096xf32, #tpu.memory_space<vmem>>
    %dma_wait3A_154 = tpu.memref_squeeze %dma_wait3A_153 : memref<1x4096xf32, #tpu.memory_space<vmem>> -> memref<4096xf32, #tpu.memory_space<vmem>>
    tpu.wait_dma2 semaphore(%arg10 : memref<!tpu.dma_semaphore, #tpu.memory_space<semaphore_mem>>) src(%dma_wait3A_154 : memref<4096xf32, #tpu.memory_space<vmem>>) dst(%dma_wait3A_151 : memref<4096xf32, #tpu.memory_space<hbm>>)
    %scan3A_155 = arith.constant 0 : i32
    %scan3A_156 = arith.constant 0 : i32
    %scan3A_157 = arith.constant 16 : i32
    %scan3A_158 = arith.addi %scan3A_156, %scan3A_157 : i32
    %scan3A_159 = arith.constant 1 : i32
    scf.for %scan3A_264 = %scan3A_156 to %scan3A_158 step %scan3A_159  : i32 {
      %mul3A_265 = arith.constant 256 : i32
      %mul3A_266 = arith.muli %scan3A_264, %mul3A_265 : i32
      %add3A_267 = arith.constant 4096 : i32
      %add3A_268 = arith.addi %add3A_267, %mul3A_266 : i32
      %add3A_269 = arith.constant 0 : i32
      %add3A_270 = arith.addi %add3A_268, %add3A_269 : i32
      %get3A = arith.index_cast %add3A_270 : i32 to index
      %get3A_271 = tpu.vector_load %arg6[%get3A] {strides = array<i32>} : memref<16384xi32, #tpu.memory_space<vmem>>, vector<16xi32>,
      %add3A_272 = arith.constant 16 : i32
      %add3A_273 = arith.addi %add3A_268, %add3A_272 : i32
      %get3A_274 = arith.index_cast %add3A_273 : i32 to index
      %get3A_275 = tpu.vector_load %arg6[%get3A_274] {strides = array<i32>} : memref<16384xi32, #tpu.memory_space<vmem>>, vector<16xi32>,
      %add3A_276 = arith.constant 32 : i32
      %add3A_277 = arith.addi %add3A_268, %add3A_276 : i32
      %get3A_278 = arith.index_cast %add3A_277 : i32 to index
      %get3A_279 = tpu.vector_load %arg6[%get3A_278] {strides = array<i32>} : memref<16384xi32, #tpu.memory_space<vmem>>, vector<16xi32>,
      %add3A_280 = arith.constant 48 : i32
      %add3A_281 = arith.addi %add3A_268, %add3A_280 : i32
      %get3A_282 = arith.index_cast %add3A_281 : i32 to index
      %get3A_283 = tpu.vector_load %arg6[%get3A_282] {strides = array<i32>} : memref<16384xi32, #tpu.memory_space<vmem>>, vector<16xi32>,
      %add3A_284 = arith.constant 64 : i32
      %add3A_285 = arith.addi %add3A_268, %add3A_284 : i32
      %get3A_286 = arith.index_cast %add3A_285 : i32 to index
      %get3A_287 = tpu.vector_load %arg6[%get3A_286] {strides = array<i32>} : memref<16384xi32, #tpu.memory_space<vmem>>, vector<16xi32>,
      %add3A_288 = arith.constant 80 : i32
      %add3A_289 = arith.addi %add3A_268, %add3A_288 : i32
      %get3A_290 = arith.index_cast %add3A_289 : i32 to index
      %get3A_291 = tpu.vector_load %arg6[%get3A_290] {strides = array<i32>} : memref<16384xi32, #tpu.memory_space<vmem>>, vector<16xi32>,
      %add3A_292 = arith.constant 96 : i32
      %add3A_293 = arith.addi %add3A_268, %add3A_292 : i32
      %get3A_294 = arith.index_cast %add3A_293 : i32 to index
      %get3A_295 = tpu.vector_load %arg6[%get3A_294] {strides = array<i32>} : memref<16384xi32, #tpu.memory_space<vmem>>, vector<16xi32>,
      %add3A_296 = arith.constant 112 : i32
      %add3A_297 = arith.addi %add3A_268, %add3A_296 : i32
      %get3A_298 = arith.index_cast %add3A_297 : i32 to index
      %get3A_299 = tpu.vector_load %arg6[%get3A_298] {strides = array<i32>} : memref<16384xi32, #tpu.memory_space<vmem>>, vector<16xi32>,
      %add3A_300 = arith.constant 128 : i32
      %add3A_301 = arith.addi %add3A_268, %add3A_300 : i32
      %get3A_302 = arith.index_cast %add3A_301 : i32 to index
      %get3A_303 = tpu.vector_load %arg6[%get3A_302] {strides = array<i32>} : memref<16384xi32, #tpu.memory_space<vmem>>, vector<16xi32>,
      %add3A_304 = arith.constant 144 : i32
      %add3A_305 = arith.addi %add3A_268, %add3A_304 : i32
      %get3A_306 = arith.index_cast %add3A_305 : i32 to index
      %get3A_307 = tpu.vector_load %arg6[%get3A_306] {strides = array<i32>} : memref<16384xi32, #tpu.memory_space<vmem>>, vector<16xi32>,
      %add3A_308 = arith.constant 160 : i32
      %add3A_309 = arith.addi %add3A_268, %add3A_308 : i32
      %get3A_310 = arith.index_cast %add3A_309 : i32 to index
      %get3A_311 = tpu.vector_load %arg6[%get3A_310] {strides = array<i32>} : memref<16384xi32, #tpu.memory_space<vmem>>, vector<16xi32>,
      %add3A_312 = arith.constant 176 : i32
      %add3A_313 = arith.addi %add3A_268, %add3A_312 : i32
      %get3A_314 = arith.index_cast %add3A_313 : i32 to index
      %get3A_315 = tpu.vector_load %arg6[%get3A_314] {strides = array<i32>} : memref<16384xi32, #tpu.memory_space<vmem>>, vector<16xi32>,
      %add3A_316 = arith.constant 192 : i32
      %add3A_317 = arith.addi %add3A_268, %add3A_316 : i32
      %get3A_318 = arith.index_cast %add3A_317 : i32 to index
      %get3A_319 = tpu.vector_load %arg6[%get3A_318] {strides = array<i32>} : memref<16384xi32, #tpu.memory_space<vmem>>, vector<16xi32>,
      %add3A_320 = arith.constant 208 : i32
      %add3A_321 = arith.addi %add3A_268, %add3A_320 : i32
      %get3A_322 = arith.index_cast %add3A_321 : i32 to index
      %get3A_323 = tpu.vector_load %arg6[%get3A_322] {strides = array<i32>} : memref<16384xi32, #tpu.memory_space<vmem>>, vector<16xi32>,
      %add3A_324 = arith.constant 224 : i32
      %add3A_325 = arith.addi %add3A_268, %add3A_324 : i32
      %get3A_326 = arith.index_cast %add3A_325 : i32 to index
      %get3A_327 = tpu.vector_load %arg6[%get3A_326] {strides = array<i32>} : memref<16384xi32, #tpu.memory_space<vmem>>, vector<16xi32>,
      %add3A_328 = arith.constant 240 : i32
      %add3A_329 = arith.addi %add3A_268, %add3A_328 : i32
      %get3A_330 = arith.index_cast %add3A_329 : i32 to index
      %get3A_331 = tpu.vector_load %arg6[%get3A_330] {strides = array<i32>} : memref<16384xi32, #tpu.memory_space<vmem>>, vector<16xi32>,
      %gather3A = tpu.vector_load_idx %arg5[%get3A_271] : memref<100000xf32, #tpu.memory_space<vmem>>[vector<16xi32>], vector<16xf32>,
      %gather3A_332 = tpu.vector_load_idx %arg5[%get3A_275] : memref<100000xf32, #tpu.memory_space<vmem>>[vector<16xi32>], vector<16xf32>,
      %gather3A_333 = tpu.vector_load_idx %arg5[%get3A_279] : memref<100000xf32, #tpu.memory_space<vmem>>[vector<16xi32>], vector<16xf32>,
      %gather3A_334 = tpu.vector_load_idx %arg5[%get3A_283] : memref<100000xf32, #tpu.memory_space<vmem>>[vector<16xi32>], vector<16xf32>,
      %gather3A_335 = tpu.vector_load_idx %arg5[%get3A_287] : memref<100000xf32, #tpu.memory_space<vmem>>[vector<16xi32>], vector<16xf32>,
      %gather3A_336 = tpu.vector_load_idx %arg5[%get3A_291] : memref<100000xf32, #tpu.memory_space<vmem>>[vector<16xi32>], vector<16xf32>,
      %gather3A_337 = tpu.vector_load_idx %arg5[%get3A_295] : memref<100000xf32, #tpu.memory_space<vmem>>[vector<16xi32>], vector<16xf32>,
      %gather3A_338 = tpu.vector_load_idx %arg5[%get3A_299] : memref<100000xf32, #tpu.memory_space<vmem>>[vector<16xi32>], vector<16xf32>,
      %gather3A_339 = tpu.vector_load_idx %arg5[%get3A_303] : memref<100000xf32, #tpu.memory_space<vmem>>[vector<16xi32>], vector<16xf32>,
      %gather3A_340 = tpu.vector_load_idx %arg5[%get3A_307] : memref<100000xf32, #tpu.memory_space<vmem>>[vector<16xi32>], vector<16xf32>,
      %gather3A_341 = tpu.vector_load_idx %arg5[%get3A_311] : memref<100000xf32, #tpu.memory_space<vmem>>[vector<16xi32>], vector<16xf32>,
      %gather3A_342 = tpu.vector_load_idx %arg5[%get3A_315] : memref<100000xf32, #tpu.memory_space<vmem>>[vector<16xi32>], vector<16xf32>,
      %gather3A_343 = tpu.vector_load_idx %arg5[%get3A_319] : memref<100000xf32, #tpu.memory_space<vmem>>[vector<16xi32>], vector<16xf32>,
      %gather3A_344 = tpu.vector_load_idx %arg5[%get3A_323] : memref<100000xf32, #tpu.memory_space<vmem>>[vector<16xi32>], vector<16xf32>,
      %gather3A_345 = tpu.vector_load_idx %arg5[%get3A_327] : memref<100000xf32, #tpu.memory_space<vmem>>[vector<16xi32>], vector<16xf32>,
      %gather3A_346 = tpu.vector_load_idx %arg5[%get3A_331] : memref<100000xf32, #tpu.memory_space<vmem>>[vector<16xi32>], vector<16xf32>,
      %mul3A_347 = arith.constant 256 : i32
      %mul3A_348 = arith.muli %scan3A_264, %mul3A_347 : i32
      %add3A_349 = arith.constant 0 : i32
      %add3A_350 = arith.addi %mul3A_348, %add3A_349 : i32
      %swap3A = arith.constant 1 : i32
      %swap3A_351 = arith.index_cast %swap3A : i32 to index
      %swap3A_352 = arith.index_cast %add3A_350 : i32 to index
      %swap3A_353 = tpu.vector_load %arg7[%swap3A_351, %swap3A_352] {strides = array<i32>} : memref<2x4096xf32, #tpu.memory_space<vmem>>, vector<16xf32>,
      tpu.vector_store %arg7[%swap3A_351, %swap3A_352], %gather3A {strides = array<i32>} : memref<2x4096xf32, #tpu.memory_space<vmem>>, vector<16xf32>,
      %add3A_354 = arith.constant 16 : i32
      %add3A_355 = arith.addi %mul3A_348, %add3A_354 : i32
      %swap3A_356 = arith.constant 1 : i32
      %swap3A_357 = arith.index_cast %swap3A_356 : i32 to index
      %swap3A_358 = arith.index_cast %add3A_355 : i32 to index
      %swap3A_359 = tpu.vector_load %arg7[%swap3A_357, %swap3A_358] {strides = array<i32>} : memref<2x4096xf32, #tpu.memory_space<vmem>>, vector<16xf32>,
      tpu.vector_store %arg7[%swap3A_357, %swap3A_358], %gather3A_332 {strides = array<i32>} : memref<2x4096xf32, #tpu.memory_space<vmem>>, vector<16xf32>,
      %add3A_360 = arith.constant 32 : i32
      %add3A_361 = arith.addi %mul3A_348, %add3A_360 : i32
      %swap3A_362 = arith.constant 1 : i32
      %swap3A_363 = arith.index_cast %swap3A_362 : i32 to index
      %swap3A_364 = arith.index_cast %add3A_361 : i32 to index
      %swap3A_365 = tpu.vector_load %arg7[%swap3A_363, %swap3A_364] {strides = array<i32>} : memref<2x4096xf32, #tpu.memory_space<vmem>>, vector<16xf32>,
      tpu.vector_store %arg7[%swap3A_363, %swap3A_364], %gather3A_333 {strides = array<i32>} : memref<2x4096xf32, #tpu.memory_space<vmem>>, vector<16xf32>,
      %add3A_366 = arith.constant 48 : i32
      %add3A_367 = arith.addi %mul3A_348, %add3A_366 : i32
      %swap3A_368 = arith.constant 1 : i32
      %swap3A_369 = arith.index_cast %swap3A_368 : i32 to index
      %swap3A_370 = arith.index_cast %add3A_367 : i32 to index
      %swap3A_371 = tpu.vector_load %arg7[%swap3A_369, %swap3A_370] {strides = array<i32>} : memref<2x4096xf32, #tpu.memory_space<vmem>>, vector<16xf32>,
      tpu.vector_store %arg7[%swap3A_369, %swap3A_370], %gather3A_334 {strides = array<i32>} : memref<2x4096xf32, #tpu.memory_space<vmem>>, vector<16xf32>,
      %add3A_372 = arith.constant 64 : i32
      %add3A_373 = arith.addi %mul3A_348, %add3A_372 : i32
      %swap3A_374 = arith.constant 1 : i32
      %swap3A_375 = arith.index_cast %swap3A_374 : i32 to index
      %swap3A_376 = arith.index_cast %add3A_373 : i32 to index
      %swap3A_377 = tpu.vector_load %arg7[%swap3A_375, %swap3A_376] {strides = array<i32>} : memref<2x4096xf32, #tpu.memory_space<vmem>>, vector<16xf32>,
      tpu.vector_store %arg7[%swap3A_375, %swap3A_376], %gather3A_335 {strides = array<i32>} : memref<2x4096xf32, #tpu.memory_space<vmem>>, vector<16xf32>,
      %add3A_378 = arith.constant 80 : i32
      %add3A_379 = arith.addi %mul3A_348, %add3A_378 : i32
      %swap3A_380 = arith.constant 1 : i32
      %swap3A_381 = arith.index_cast %swap3A_380 : i32 to index
      %swap3A_382 = arith.index_cast %add3A_379 : i32 to index
      %swap3A_383 = tpu.vector_load %arg7[%swap3A_381, %swap3A_382] {strides = array<i32>} : memref<2x4096xf32, #tpu.memory_space<vmem>>, vector<16xf32>,
      tpu.vector_store %arg7[%swap3A_381, %swap3A_382], %gather3A_336 {strides = array<i32>} : memref<2x4096xf32, #tpu.memory_space<vmem>>, vector<16xf32>,
      %add3A_384 = arith.constant 96 : i32
      %add3A_385 = arith.addi %mul3A_348, %add3A_384 : i32
      %swap3A_386 = arith.constant 1 : i32
      %swap3A_387 = arith.index_cast %swap3A_386 : i32 to index
      %swap3A_388 = arith.index_cast %add3A_385 : i32 to index
      %swap3A_389 = tpu.vector_load %arg7[%swap3A_387, %swap3A_388] {strides = array<i32>} : memref<2x4096xf32, #tpu.memory_space<vmem>>, vector<16xf32>,
      tpu.vector_store %arg7[%swap3A_387, %swap3A_388], %gather3A_337 {strides = array<i32>} : memref<2x4096xf32, #tpu.memory_space<vmem>>, vector<16xf32>,
      %add3A_390 = arith.constant 112 : i32
      %add3A_391 = arith.addi %mul3A_348, %add3A_390 : i32
      %swap3A_392 = arith.constant 1 : i32
      %swap3A_393 = arith.index_cast %swap3A_392 : i32 to index
      %swap3A_394 = arith.index_cast %add3A_391 : i32 to index
      %swap3A_395 = tpu.vector_load %arg7[%swap3A_393, %swap3A_394] {strides = array<i32>} : memref<2x4096xf32, #tpu.memory_space<vmem>>, vector<16xf32>,
      tpu.vector_store %arg7[%swap3A_393, %swap3A_394], %gather3A_338 {strides = array<i32>} : memref<2x4096xf32, #tpu.memory_space<vmem>>, vector<16xf32>,
      %add3A_396 = arith.constant 128 : i32
      %add3A_397 = arith.addi %mul3A_348, %add3A_396 : i32
      %swap3A_398 = arith.constant 1 : i32
      %swap3A_399 = arith.index_cast %swap3A_398 : i32 to index
      %swap3A_400 = arith.index_cast %add3A_397 : i32 to index
      %swap3A_401 = tpu.vector_load %arg7[%swap3A_399, %swap3A_400] {strides = array<i32>} : memref<2x4096xf32, #tpu.memory_space<vmem>>, vector<16xf32>,
      tpu.vector_store %arg7[%swap3A_399, %swap3A_400], %gather3A_339 {strides = array<i32>} : memref<2x4096xf32, #tpu.memory_space<vmem>>, vector<16xf32>,
      %add3A_402 = arith.constant 144 : i32
      %add3A_403 = arith.addi %mul3A_348, %add3A_402 : i32
      %swap3A_404 = arith.constant 1 : i32
      %swap3A_405 = arith.index_cast %swap3A_404 : i32 to index
      %swap3A_406 = arith.index_cast %add3A_403 : i32 to index
      %swap3A_407 = tpu.vector_load %arg7[%swap3A_405, %swap3A_406] {strides = array<i32>} : memref<2x4096xf32, #tpu.memory_space<vmem>>, vector<16xf32>,
      tpu.vector_store %arg7[%swap3A_405, %swap3A_406], %gather3A_340 {strides = array<i32>} : memref<2x4096xf32, #tpu.memory_space<vmem>>, vector<16xf32>,
      %add3A_408 = arith.constant 160 : i32
      %add3A_409 = arith.addi %mul3A_348, %add3A_408 : i32
      %swap3A_410 = arith.constant 1 : i32
      %swap3A_411 = arith.index_cast %swap3A_410 : i32 to index
      %swap3A_412 = arith.index_cast %add3A_409 : i32 to index
      %swap3A_413 = tpu.vector_load %arg7[%swap3A_411, %swap3A_412] {strides = array<i32>} : memref<2x4096xf32, #tpu.memory_space<vmem>>, vector<16xf32>,
      tpu.vector_store %arg7[%swap3A_411, %swap3A_412], %gather3A_341 {strides = array<i32>} : memref<2x4096xf32, #tpu.memory_space<vmem>>, vector<16xf32>,
      %add3A_414 = arith.constant 176 : i32
      %add3A_415 = arith.addi %mul3A_348, %add3A_414 : i32
      %swap3A_416 = arith.constant 1 : i32
      %swap3A_417 = arith.index_cast %swap3A_416 : i32 to index
      %swap3A_418 = arith.index_cast %add3A_415 : i32 to index
      %swap3A_419 = tpu.vector_load %arg7[%swap3A_417, %swap3A_418] {strides = array<i32>} : memref<2x4096xf32, #tpu.memory_space<vmem>>, vector<16xf32>,
      tpu.vector_store %arg7[%swap3A_417, %swap3A_418], %gather3A_342 {strides = array<i32>} : memref<2x4096xf32, #tpu.memory_space<vmem>>, vector<16xf32>,
      %add3A_420 = arith.constant 192 : i32
      %add3A_421 = arith.addi %mul3A_348, %add3A_420 : i32
      %swap3A_422 = arith.constant 1 : i32
      %swap3A_423 = arith.index_cast %swap3A_422 : i32 to index
      %swap3A_424 = arith.index_cast %add3A_421 : i32 to index
      %swap3A_425 = tpu.vector_load %arg7[%swap3A_423, %swap3A_424] {strides = array<i32>} : memref<2x4096xf32, #tpu.memory_space<vmem>>, vector<16xf32>,
      tpu.vector_store %arg7[%swap3A_423, %swap3A_424], %gather3A_343 {strides = array<i32>} : memref<2x4096xf32, #tpu.memory_space<vmem>>, vector<16xf32>,
      %add3A_426 = arith.constant 208 : i32
      %add3A_427 = arith.addi %mul3A_348, %add3A_426 : i32
      %swap3A_428 = arith.constant 1 : i32
      %swap3A_429 = arith.index_cast %swap3A_428 : i32 to index
      %swap3A_430 = arith.index_cast %add3A_427 : i32 to index
      %swap3A_431 = tpu.vector_load %arg7[%swap3A_429, %swap3A_430] {strides = array<i32>} : memref<2x4096xf32, #tpu.memory_space<vmem>>, vector<16xf32>,
      tpu.vector_store %arg7[%swap3A_429, %swap3A_430], %gather3A_344 {strides = array<i32>} : memref<2x4096xf32, #tpu.memory_space<vmem>>, vector<16xf32>,
      %add3A_432 = arith.constant 224 : i32
      %add3A_433 = arith.addi %mul3A_348, %add3A_432 : i32
      %swap3A_434 = arith.constant 1 : i32
      %swap3A_435 = arith.index_cast %swap3A_434 : i32 to index
      %swap3A_436 = arith.index_cast %add3A_433 : i32 to index
      %swap3A_437 = tpu.vector_load %arg7[%swap3A_435, %swap3A_436] {strides = array<i32>} : memref<2x4096xf32, #tpu.memory_space<vmem>>, vector<16xf32>,
      tpu.vector_store %arg7[%swap3A_435, %swap3A_436], %gather3A_345 {strides = array<i32>} : memref<2x4096xf32, #tpu.memory_space<vmem>>, vector<16xf32>,
      %add3A_438 = arith.constant 240 : i32
      %add3A_439 = arith.addi %mul3A_348, %add3A_438 : i32
      %swap3A_440 = arith.constant 1 : i32
      %swap3A_441 = arith.index_cast %swap3A_440 : i32 to index
      %swap3A_442 = arith.index_cast %add3A_439 : i32 to index
      %swap3A_443 = tpu.vector_load %arg7[%swap3A_441, %swap3A_442] {strides = array<i32>} : memref<2x4096xf32, #tpu.memory_space<vmem>>, vector<16xf32>,
      tpu.vector_store %arg7[%swap3A_441, %swap3A_442], %gather3A_346 {strides = array<i32>} : memref<2x4096xf32, #tpu.memory_space<vmem>>, vector<16xf32>,
    }
    %scan3A_160 = arith.constant 16 : i32
    %dma_start3A_161 = arith.constant 1 : i32
    %dma_start3A_162 = arith.constant 0 : i32
    %dma_start3A_163 = tpu.memref_slice %arg7[%dma_start3A_161, %dma_start3A_162] : memref<2x4096xf32, #tpu.memory_space<vmem>> -> memref<1x4096xf32, #tpu.memory_space<vmem>>
    %dma_start3A_164 = tpu.memref_squeeze %dma_start3A_163 : memref<1x4096xf32, #tpu.memory_space<vmem>> -> memref<4096xf32, #tpu.memory_space<vmem>>
    %dma_start3A_165 = arith.constant 4096 : i32
    %dma_start3A_166 = tpu.memref_slice %arg4[%add3A_109, %dma_start3A_165] : memref<64x16384xf32, #tpu.memory_space<hbm>> -> memref<1x4096xf32, #tpu.memory_space<hbm>>
    %dma_start3A_167 = tpu.memref_squeeze %dma_start3A_166 : memref<1x4096xf32, #tpu.memory_space<hbm>> -> memref<4096xf32, #tpu.memory_space<hbm>>
    %dma_start3A_168 = arith.constant 4096 : i32
    %dma_start3A_169 = tpu.memref_slice %arg4[%add3A_109, %dma_start3A_168] : memref<64x16384xf32, #tpu.memory_space<hbm>> -> memref<1x4096xf32, #tpu.memory_space<hbm>>
    %dma_start3A_170 = tpu.memref_squeeze %dma_start3A_169 : memref<1x4096xf32, #tpu.memory_space<hbm>> -> memref<4096xf32, #tpu.memory_space<hbm>>
    %dma_start3A_171 = arith.constant 0 : i32
    %dma_start3A_172 = tpu.memref_slice %arg7[%dma_start3A_161, %dma_start3A_171] : memref<2x4096xf32, #tpu.memory_space<vmem>> -> memref<1x4096xf32, #tpu.memory_space<vmem>>
    %dma_start3A_173 = tpu.memref_squeeze %dma_start3A_172 : memref<1x4096xf32, #tpu.memory_space<vmem>> -> memref<4096xf32, #tpu.memory_space<vmem>>
    tpu.enqueue_dma source(%dma_start3A_173 : memref<4096xf32, #tpu.memory_space<vmem>>) target(%dma_start3A_170 : memref<4096xf32, #tpu.memory_space<hbm>>) target_semaphore(%arg10 : memref<!tpu.dma_semaphore, #tpu.memory_space<semaphore_mem>>)
    %dma_wait3A_174 = arith.constant 0 : i32
    %dma_wait3A_175 = arith.constant 0 : i32
    %dma_wait3A_176 = tpu.memref_slice %arg7[%dma_wait3A_174, %dma_wait3A_175] : memref<2x4096xf32, #tpu.memory_space<vmem>> -> memref<1x4096xf32, #tpu.memory_space<vmem>>
    %dma_wait3A_177 = tpu.memref_squeeze %dma_wait3A_176 : memref<1x4096xf32, #tpu.memory_space<vmem>> -> memref<4096xf32, #tpu.memory_space<vmem>>
    %dma_wait3A_178 = arith.constant 0 : i32
    %dma_wait3A_179 = tpu.memref_slice %arg4[%add3A_109, %dma_wait3A_178] : memref<64x16384xf32, #tpu.memory_space<hbm>> -> memref<1x4096xf32, #tpu.memory_space<hbm>>
    %dma_wait3A_180 = tpu.memref_squeeze %dma_wait3A_179 : memref<1x4096xf32, #tpu.memory_space<hbm>> -> memref<4096xf32, #tpu.memory_space<hbm>>
    %dma_wait3A_181 = arith.constant 0 : i32
    %dma_wait3A_182 = tpu.memref_slice %arg4[%add3A_109, %dma_wait3A_181] : memref<64x16384xf32, #tpu.memory_space<hbm>> -> memref<1x4096xf32, #tpu.memory_space<hbm>>
    %dma_wait3A_183 = tpu.memref_squeeze %dma_wait3A_182 : memref<1x4096xf32, #tpu.memory_space<hbm>> -> memref<4096xf32, #tpu.memory_space<hbm>>
    %dma_wait3A_184 = arith.constant 0 : i32
    %dma_wait3A_185 = tpu.memref_slice %arg7[%dma_wait3A_174, %dma_wait3A_184] : memref<2x4096xf32, #tpu.memory_space<vmem>> -> memref<1x4096xf32, #tpu.memory_space<vmem>>
    %dma_wait3A_186 = tpu.memref_squeeze %dma_wait3A_185 : memref<1x4096xf32, #tpu.memory_space<vmem>> -> memref<4096xf32, #tpu.memory_space<vmem>>
    tpu.wait_dma2 semaphore(%arg10 : memref<!tpu.dma_semaphore, #tpu.memory_space<semaphore_mem>>) src(%dma_wait3A_186 : memref<4096xf32, #tpu.memory_space<vmem>>) dst(%dma_wait3A_183 : memref<4096xf32, #tpu.memory_space<hbm>>)
    %scan3A_187 = arith.constant 0 : i32
    %scan3A_188 = arith.constant 0 : i32
    %scan3A_189 = arith.constant 16 : i32
    %scan3A_190 = arith.addi %scan3A_188, %scan3A_189 : i32
    %scan3A_191 = arith.constant 1 : i32
    scf.for %scan3A_264 = %scan3A_188 to %scan3A_190 step %scan3A_191  : i32 {
      %mul3A_265 = arith.constant 256 : i32
      %mul3A_266 = arith.muli %scan3A_264, %mul3A_265 : i32
      %add3A_267 = arith.constant 8192 : i32
      %add3A_268 = arith.addi %add3A_267, %mul3A_266 : i32
      %add3A_269 = arith.constant 0 : i32
      %add3A_270 = arith.addi %add3A_268, %add3A_269 : i32
      %get3A = arith.index_cast %add3A_270 : i32 to index
      %get3A_271 = tpu.vector_load %arg6[%get3A] {strides = array<i32>} : memref<16384xi32, #tpu.memory_space<vmem>>, vector<16xi32>,
      %add3A_272 = arith.constant 16 : i32
      %add3A_273 = arith.addi %add3A_268, %add3A_272 : i32
      %get3A_274 = arith.index_cast %add3A_273 : i32 to index
      %get3A_275 = tpu.vector_load %arg6[%get3A_274] {strides = array<i32>} : memref<16384xi32, #tpu.memory_space<vmem>>, vector<16xi32>,
      %add3A_276 = arith.constant 32 : i32
      %add3A_277 = arith.addi %add3A_268, %add3A_276 : i32
      %get3A_278 = arith.index_cast %add3A_277 : i32 to index
      %get3A_279 = tpu.vector_load %arg6[%get3A_278] {strides = array<i32>} : memref<16384xi32, #tpu.memory_space<vmem>>, vector<16xi32>,
      %add3A_280 = arith.constant 48 : i32
      %add3A_281 = arith.addi %add3A_268, %add3A_280 : i32
      %get3A_282 = arith.index_cast %add3A_281 : i32 to index
      %get3A_283 = tpu.vector_load %arg6[%get3A_282] {strides = array<i32>} : memref<16384xi32, #tpu.memory_space<vmem>>, vector<16xi32>,
      %add3A_284 = arith.constant 64 : i32
      %add3A_285 = arith.addi %add3A_268, %add3A_284 : i32
      %get3A_286 = arith.index_cast %add3A_285 : i32 to index
      %get3A_287 = tpu.vector_load %arg6[%get3A_286] {strides = array<i32>} : memref<16384xi32, #tpu.memory_space<vmem>>, vector<16xi32>,
      %add3A_288 = arith.constant 80 : i32
      %add3A_289 = arith.addi %add3A_268, %add3A_288 : i32
      %get3A_290 = arith.index_cast %add3A_289 : i32 to index
      %get3A_291 = tpu.vector_load %arg6[%get3A_290] {strides = array<i32>} : memref<16384xi32, #tpu.memory_space<vmem>>, vector<16xi32>,
      %add3A_292 = arith.constant 96 : i32
      %add3A_293 = arith.addi %add3A_268, %add3A_292 : i32
      %get3A_294 = arith.index_cast %add3A_293 : i32 to index
      %get3A_295 = tpu.vector_load %arg6[%get3A_294] {strides = array<i32>} : memref<16384xi32, #tpu.memory_space<vmem>>, vector<16xi32>,
      %add3A_296 = arith.constant 112 : i32
      %add3A_297 = arith.addi %add3A_268, %add3A_296 : i32
      %get3A_298 = arith.index_cast %add3A_297 : i32 to index
      %get3A_299 = tpu.vector_load %arg6[%get3A_298] {strides = array<i32>} : memref<16384xi32, #tpu.memory_space<vmem>>, vector<16xi32>,
      %add3A_300 = arith.constant 128 : i32
      %add3A_301 = arith.addi %add3A_268, %add3A_300 : i32
      %get3A_302 = arith.index_cast %add3A_301 : i32 to index
      %get3A_303 = tpu.vector_load %arg6[%get3A_302] {strides = array<i32>} : memref<16384xi32, #tpu.memory_space<vmem>>, vector<16xi32>,
      %add3A_304 = arith.constant 144 : i32
      %add3A_305 = arith.addi %add3A_268, %add3A_304 : i32
      %get3A_306 = arith.index_cast %add3A_305 : i32 to index
      %get3A_307 = tpu.vector_load %arg6[%get3A_306] {strides = array<i32>} : memref<16384xi32, #tpu.memory_space<vmem>>, vector<16xi32>,
      %add3A_308 = arith.constant 160 : i32
      %add3A_309 = arith.addi %add3A_268, %add3A_308 : i32
      %get3A_310 = arith.index_cast %add3A_309 : i32 to index
      %get3A_311 = tpu.vector_load %arg6[%get3A_310] {strides = array<i32>} : memref<16384xi32, #tpu.memory_space<vmem>>, vector<16xi32>,
      %add3A_312 = arith.constant 176 : i32
      %add3A_313 = arith.addi %add3A_268, %add3A_312 : i32
      %get3A_314 = arith.index_cast %add3A_313 : i32 to index
      %get3A_315 = tpu.vector_load %arg6[%get3A_314] {strides = array<i32>} : memref<16384xi32, #tpu.memory_space<vmem>>, vector<16xi32>,
      %add3A_316 = arith.constant 192 : i32
      %add3A_317 = arith.addi %add3A_268, %add3A_316 : i32
      %get3A_318 = arith.index_cast %add3A_317 : i32 to index
      %get3A_319 = tpu.vector_load %arg6[%get3A_318] {strides = array<i32>} : memref<16384xi32, #tpu.memory_space<vmem>>, vector<16xi32>,
      %add3A_320 = arith.constant 208 : i32
      %add3A_321 = arith.addi %add3A_268, %add3A_320 : i32
      %get3A_322 = arith.index_cast %add3A_321 : i32 to index
      %get3A_323 = tpu.vector_load %arg6[%get3A_322] {strides = array<i32>} : memref<16384xi32, #tpu.memory_space<vmem>>, vector<16xi32>,
      %add3A_324 = arith.constant 224 : i32
      %add3A_325 = arith.addi %add3A_268, %add3A_324 : i32
      %get3A_326 = arith.index_cast %add3A_325 : i32 to index
      %get3A_327 = tpu.vector_load %arg6[%get3A_326] {strides = array<i32>} : memref<16384xi32, #tpu.memory_space<vmem>>, vector<16xi32>,
      %add3A_328 = arith.constant 240 : i32
      %add3A_329 = arith.addi %add3A_268, %add3A_328 : i32
      %get3A_330 = arith.index_cast %add3A_329 : i32 to index
      %get3A_331 = tpu.vector_load %arg6[%get3A_330] {strides = array<i32>} : memref<16384xi32, #tpu.memory_space<vmem>>, vector<16xi32>,
      %gather3A = tpu.vector_load_idx %arg5[%get3A_271] : memref<100000xf32, #tpu.memory_space<vmem>>[vector<16xi32>], vector<16xf32>,
      %gather3A_332 = tpu.vector_load_idx %arg5[%get3A_275] : memref<100000xf32, #tpu.memory_space<vmem>>[vector<16xi32>], vector<16xf32>,
      %gather3A_333 = tpu.vector_load_idx %arg5[%get3A_279] : memref<100000xf32, #tpu.memory_space<vmem>>[vector<16xi32>], vector<16xf32>,
      %gather3A_334 = tpu.vector_load_idx %arg5[%get3A_283] : memref<100000xf32, #tpu.memory_space<vmem>>[vector<16xi32>], vector<16xf32>,
      %gather3A_335 = tpu.vector_load_idx %arg5[%get3A_287] : memref<100000xf32, #tpu.memory_space<vmem>>[vector<16xi32>], vector<16xf32>,
      %gather3A_336 = tpu.vector_load_idx %arg5[%get3A_291] : memref<100000xf32, #tpu.memory_space<vmem>>[vector<16xi32>], vector<16xf32>,
      %gather3A_337 = tpu.vector_load_idx %arg5[%get3A_295] : memref<100000xf32, #tpu.memory_space<vmem>>[vector<16xi32>], vector<16xf32>,
      %gather3A_338 = tpu.vector_load_idx %arg5[%get3A_299] : memref<100000xf32, #tpu.memory_space<vmem>>[vector<16xi32>], vector<16xf32>,
      %gather3A_339 = tpu.vector_load_idx %arg5[%get3A_303] : memref<100000xf32, #tpu.memory_space<vmem>>[vector<16xi32>], vector<16xf32>,
      %gather3A_340 = tpu.vector_load_idx %arg5[%get3A_307] : memref<100000xf32, #tpu.memory_space<vmem>>[vector<16xi32>], vector<16xf32>,
      %gather3A_341 = tpu.vector_load_idx %arg5[%get3A_311] : memref<100000xf32, #tpu.memory_space<vmem>>[vector<16xi32>], vector<16xf32>,
      %gather3A_342 = tpu.vector_load_idx %arg5[%get3A_315] : memref<100000xf32, #tpu.memory_space<vmem>>[vector<16xi32>], vector<16xf32>,
      %gather3A_343 = tpu.vector_load_idx %arg5[%get3A_319] : memref<100000xf32, #tpu.memory_space<vmem>>[vector<16xi32>], vector<16xf32>,
      %gather3A_344 = tpu.vector_load_idx %arg5[%get3A_323] : memref<100000xf32, #tpu.memory_space<vmem>>[vector<16xi32>], vector<16xf32>,
      %gather3A_345 = tpu.vector_load_idx %arg5[%get3A_327] : memref<100000xf32, #tpu.memory_space<vmem>>[vector<16xi32>], vector<16xf32>,
      %gather3A_346 = tpu.vector_load_idx %arg5[%get3A_331] : memref<100000xf32, #tpu.memory_space<vmem>>[vector<16xi32>], vector<16xf32>,
      %mul3A_347 = arith.constant 256 : i32
      %mul3A_348 = arith.muli %scan3A_264, %mul3A_347 : i32
      %add3A_349 = arith.constant 0 : i32
      %add3A_350 = arith.addi %mul3A_348, %add3A_349 : i32
      %swap3A = arith.constant 0 : i32
      %swap3A_351 = arith.index_cast %swap3A : i32 to index
      %swap3A_352 = arith.index_cast %add3A_350 : i32 to index
      %swap3A_353 = tpu.vector_load %arg7[%swap3A_351, %swap3A_352] {strides = array<i32>} : memref<2x4096xf32, #tpu.memory_space<vmem>>, vector<16xf32>,
      tpu.vector_store %arg7[%swap3A_351, %swap3A_352], %gather3A {strides = array<i32>} : memref<2x4096xf32, #tpu.memory_space<vmem>>, vector<16xf32>,
      %add3A_354 = arith.constant 16 : i32
      %add3A_355 = arith.addi %mul3A_348, %add3A_354 : i32
      %swap3A_356 = arith.constant 0 : i32
      %swap3A_357 = arith.index_cast %swap3A_356 : i32 to index
      %swap3A_358 = arith.index_cast %add3A_355 : i32 to index
      %swap3A_359 = tpu.vector_load %arg7[%swap3A_357, %swap3A_358] {strides = array<i32>} : memref<2x4096xf32, #tpu.memory_space<vmem>>, vector<16xf32>,
      tpu.vector_store %arg7[%swap3A_357, %swap3A_358], %gather3A_332 {strides = array<i32>} : memref<2x4096xf32, #tpu.memory_space<vmem>>, vector<16xf32>,
      %add3A_360 = arith.constant 32 : i32
      %add3A_361 = arith.addi %mul3A_348, %add3A_360 : i32
      %swap3A_362 = arith.constant 0 : i32
      %swap3A_363 = arith.index_cast %swap3A_362 : i32 to index
      %swap3A_364 = arith.index_cast %add3A_361 : i32 to index
      %swap3A_365 = tpu.vector_load %arg7[%swap3A_363, %swap3A_364] {strides = array<i32>} : memref<2x4096xf32, #tpu.memory_space<vmem>>, vector<16xf32>,
      tpu.vector_store %arg7[%swap3A_363, %swap3A_364], %gather3A_333 {strides = array<i32>} : memref<2x4096xf32, #tpu.memory_space<vmem>>, vector<16xf32>,
      %add3A_366 = arith.constant 48 : i32
      %add3A_367 = arith.addi %mul3A_348, %add3A_366 : i32
      %swap3A_368 = arith.constant 0 : i32
      %swap3A_369 = arith.index_cast %swap3A_368 : i32 to index
      %swap3A_370 = arith.index_cast %add3A_367 : i32 to index
      %swap3A_371 = tpu.vector_load %arg7[%swap3A_369, %swap3A_370] {strides = array<i32>} : memref<2x4096xf32, #tpu.memory_space<vmem>>, vector<16xf32>,
      tpu.vector_store %arg7[%swap3A_369, %swap3A_370], %gather3A_334 {strides = array<i32>} : memref<2x4096xf32, #tpu.memory_space<vmem>>, vector<16xf32>,
      %add3A_372 = arith.constant 64 : i32
      %add3A_373 = arith.addi %mul3A_348, %add3A_372 : i32
      %swap3A_374 = arith.constant 0 : i32
      %swap3A_375 = arith.index_cast %swap3A_374 : i32 to index
      %swap3A_376 = arith.index_cast %add3A_373 : i32 to index
      %swap3A_377 = tpu.vector_load %arg7[%swap3A_375, %swap3A_376] {strides = array<i32>} : memref<2x4096xf32, #tpu.memory_space<vmem>>, vector<16xf32>,
      tpu.vector_store %arg7[%swap3A_375, %swap3A_376], %gather3A_335 {strides = array<i32>} : memref<2x4096xf32, #tpu.memory_space<vmem>>, vector<16xf32>,
      %add3A_378 = arith.constant 80 : i32
      %add3A_379 = arith.addi %mul3A_348, %add3A_378 : i32
      %swap3A_380 = arith.constant 0 : i32
      %swap3A_381 = arith.index_cast %swap3A_380 : i32 to index
      %swap3A_382 = arith.index_cast %add3A_379 : i32 to index
      %swap3A_383 = tpu.vector_load %arg7[%swap3A_381, %swap3A_382] {strides = array<i32>} : memref<2x4096xf32, #tpu.memory_space<vmem>>, vector<16xf32>,
      tpu.vector_store %arg7[%swap3A_381, %swap3A_382], %gather3A_336 {strides = array<i32>} : memref<2x4096xf32, #tpu.memory_space<vmem>>, vector<16xf32>,
      %add3A_384 = arith.constant 96 : i32
      %add3A_385 = arith.addi %mul3A_348, %add3A_384 : i32
      %swap3A_386 = arith.constant 0 : i32
      %swap3A_387 = arith.index_cast %swap3A_386 : i32 to index
      %swap3A_388 = arith.index_cast %add3A_385 : i32 to index
      %swap3A_389 = tpu.vector_load %arg7[%swap3A_387, %swap3A_388] {strides = array<i32>} : memref<2x4096xf32, #tpu.memory_space<vmem>>, vector<16xf32>,
      tpu.vector_store %arg7[%swap3A_387, %swap3A_388], %gather3A_337 {strides = array<i32>} : memref<2x4096xf32, #tpu.memory_space<vmem>>, vector<16xf32>,
      %add3A_390 = arith.constant 112 : i32
      %add3A_391 = arith.addi %mul3A_348, %add3A_390 : i32
      %swap3A_392 = arith.constant 0 : i32
      %swap3A_393 = arith.index_cast %swap3A_392 : i32 to index
      %swap3A_394 = arith.index_cast %add3A_391 : i32 to index
      %swap3A_395 = tpu.vector_load %arg7[%swap3A_393, %swap3A_394] {strides = array<i32>} : memref<2x4096xf32, #tpu.memory_space<vmem>>, vector<16xf32>,
      tpu.vector_store %arg7[%swap3A_393, %swap3A_394], %gather3A_338 {strides = array<i32>} : memref<2x4096xf32, #tpu.memory_space<vmem>>, vector<16xf32>,
      %add3A_396 = arith.constant 128 : i32
      %add3A_397 = arith.addi %mul3A_348, %add3A_396 : i32
      %swap3A_398 = arith.constant 0 : i32
      %swap3A_399 = arith.index_cast %swap3A_398 : i32 to index
      %swap3A_400 = arith.index_cast %add3A_397 : i32 to index
      %swap3A_401 = tpu.vector_load %arg7[%swap3A_399, %swap3A_400] {strides = array<i32>} : memref<2x4096xf32, #tpu.memory_space<vmem>>, vector<16xf32>,
      tpu.vector_store %arg7[%swap3A_399, %swap3A_400], %gather3A_339 {strides = array<i32>} : memref<2x4096xf32, #tpu.memory_space<vmem>>, vector<16xf32>,
      %add3A_402 = arith.constant 144 : i32
      %add3A_403 = arith.addi %mul3A_348, %add3A_402 : i32
      %swap3A_404 = arith.constant 0 : i32
      %swap3A_405 = arith.index_cast %swap3A_404 : i32 to index
      %swap3A_406 = arith.index_cast %add3A_403 : i32 to index
      %swap3A_407 = tpu.vector_load %arg7[%swap3A_405, %swap3A_406] {strides = array<i32>} : memref<2x4096xf32, #tpu.memory_space<vmem>>, vector<16xf32>,
      tpu.vector_store %arg7[%swap3A_405, %swap3A_406], %gather3A_340 {strides = array<i32>} : memref<2x4096xf32, #tpu.memory_space<vmem>>, vector<16xf32>,
      %add3A_408 = arith.constant 160 : i32
      %add3A_409 = arith.addi %mul3A_348, %add3A_408 : i32
      %swap3A_410 = arith.constant 0 : i32
      %swap3A_411 = arith.index_cast %swap3A_410 : i32 to index
      %swap3A_412 = arith.index_cast %add3A_409 : i32 to index
      %swap3A_413 = tpu.vector_load %arg7[%swap3A_411, %swap3A_412] {strides = array<i32>} : memref<2x4096xf32, #tpu.memory_space<vmem>>, vector<16xf32>,
      tpu.vector_store %arg7[%swap3A_411, %swap3A_412], %gather3A_341 {strides = array<i32>} : memref<2x4096xf32, #tpu.memory_space<vmem>>, vector<16xf32>,
      %add3A_414 = arith.constant 176 : i32
      %add3A_415 = arith.addi %mul3A_348, %add3A_414 : i32
      %swap3A_416 = arith.constant 0 : i32
      %swap3A_417 = arith.index_cast %swap3A_416 : i32 to index
      %swap3A_418 = arith.index_cast %add3A_415 : i32 to index
      %swap3A_419 = tpu.vector_load %arg7[%swap3A_417, %swap3A_418] {strides = array<i32>} : memref<2x4096xf32, #tpu.memory_space<vmem>>, vector<16xf32>,
      tpu.vector_store %arg7[%swap3A_417, %swap3A_418], %gather3A_342 {strides = array<i32>} : memref<2x4096xf32, #tpu.memory_space<vmem>>, vector<16xf32>,
      %add3A_420 = arith.constant 192 : i32
      %add3A_421 = arith.addi %mul3A_348, %add3A_420 : i32
      %swap3A_422 = arith.constant 0 : i32
      %swap3A_423 = arith.index_cast %swap3A_422 : i32 to index
      %swap3A_424 = arith.index_cast %add3A_421 : i32 to index
      %swap3A_425 = tpu.vector_load %arg7[%swap3A_423, %swap3A_424] {strides = array<i32>} : memref<2x4096xf32, #tpu.memory_space<vmem>>, vector<16xf32>,
      tpu.vector_store %arg7[%swap3A_423, %swap3A_424], %gather3A_343 {strides = array<i32>} : memref<2x4096xf32, #tpu.memory_space<vmem>>, vector<16xf32>,
      %add3A_426 = arith.constant 208 : i32
      %add3A_427 = arith.addi %mul3A_348, %add3A_426 : i32
      %swap3A_428 = arith.constant 0 : i32
      %swap3A_429 = arith.index_cast %swap3A_428 : i32 to index
      %swap3A_430 = arith.index_cast %add3A_427 : i32 to index
      %swap3A_431 = tpu.vector_load %arg7[%swap3A_429, %swap3A_430] {strides = array<i32>} : memref<2x4096xf32, #tpu.memory_space<vmem>>, vector<16xf32>,
      tpu.vector_store %arg7[%swap3A_429, %swap3A_430], %gather3A_344 {strides = array<i32>} : memref<2x4096xf32, #tpu.memory_space<vmem>>, vector<16xf32>,
      %add3A_432 = arith.constant 224 : i32
      %add3A_433 = arith.addi %mul3A_348, %add3A_432 : i32
      %swap3A_434 = arith.constant 0 : i32
      %swap3A_435 = arith.index_cast %swap3A_434 : i32 to index
      %swap3A_436 = arith.index_cast %add3A_433 : i32 to index
      %swap3A_437 = tpu.vector_load %arg7[%swap3A_435, %swap3A_436] {strides = array<i32>} : memref<2x4096xf32, #tpu.memory_space<vmem>>, vector<16xf32>,
      tpu.vector_store %arg7[%swap3A_435, %swap3A_436], %gather3A_345 {strides = array<i32>} : memref<2x4096xf32, #tpu.memory_space<vmem>>, vector<16xf32>,
      %add3A_438 = arith.constant 240 : i32
      %add3A_439 = arith.addi %mul3A_348, %add3A_438 : i32
      %swap3A_440 = arith.constant 0 : i32
      %swap3A_441 = arith.index_cast %swap3A_440 : i32 to index
      %swap3A_442 = arith.index_cast %add3A_439 : i32 to index
      %swap3A_443 = tpu.vector_load %arg7[%swap3A_441, %swap3A_442] {strides = array<i32>} : memref<2x4096xf32, #tpu.memory_space<vmem>>, vector<16xf32>,
      tpu.vector_store %arg7[%swap3A_441, %swap3A_442], %gather3A_346 {strides = array<i32>} : memref<2x4096xf32, #tpu.memory_space<vmem>>, vector<16xf32>,
    }
    %scan3A_192 = arith.constant 16 : i32
    %dma_start3A_193 = arith.constant 0 : i32
    %dma_start3A_194 = arith.constant 0 : i32
    %dma_start3A_195 = tpu.memref_slice %arg7[%dma_start3A_193, %dma_start3A_194] : memref<2x4096xf32, #tpu.memory_space<vmem>> -> memref<1x4096xf32, #tpu.memory_space<vmem>>
    %dma_start3A_196 = tpu.memref_squeeze %dma_start3A_195 : memref<1x4096xf32, #tpu.memory_space<vmem>> -> memref<4096xf32, #tpu.memory_space<vmem>>
    %dma_start3A_197 = arith.constant 8192 : i32
    %dma_start3A_198 = tpu.memref_slice %arg4[%add3A_109, %dma_start3A_197] : memref<64x16384xf32, #tpu.memory_space<hbm>> -> memref<1x4096xf32, #tpu.memory_space<hbm>>
    %dma_start3A_199 = tpu.memref_squeeze %dma_start3A_198 : memref<1x4096xf32, #tpu.memory_space<hbm>> -> memref<4096xf32, #tpu.memory_space<hbm>>
    %dma_start3A_200 = arith.constant 8192 : i32
    %dma_start3A_201 = tpu.memref_slice %arg4[%add3A_109, %dma_start3A_200] : memref<64x16384xf32, #tpu.memory_space<hbm>> -> memref<1x4096xf32, #tpu.memory_space<hbm>>
    %dma_start3A_202 = tpu.memref_squeeze %dma_start3A_201 : memref<1x4096xf32, #tpu.memory_space<hbm>> -> memref<4096xf32, #tpu.memory_space<hbm>>
    %dma_start3A_203 = arith.constant 0 : i32
    %dma_start3A_204 = tpu.memref_slice %arg7[%dma_start3A_193, %dma_start3A_203] : memref<2x4096xf32, #tpu.memory_space<vmem>> -> memref<1x4096xf32, #tpu.memory_space<vmem>>
    %dma_start3A_205 = tpu.memref_squeeze %dma_start3A_204 : memref<1x4096xf32, #tpu.memory_space<vmem>> -> memref<4096xf32, #tpu.memory_space<vmem>>
    tpu.enqueue_dma source(%dma_start3A_205 : memref<4096xf32, #tpu.memory_space<vmem>>) target(%dma_start3A_202 : memref<4096xf32, #tpu.memory_space<hbm>>) target_semaphore(%arg10 : memref<!tpu.dma_semaphore, #tpu.memory_space<semaphore_mem>>)
    %dma_wait3A_206 = arith.constant 1 : i32
    %dma_wait3A_207 = arith.constant 0 : i32
    %dma_wait3A_208 = tpu.memref_slice %arg7[%dma_wait3A_206, %dma_wait3A_207] : memref<2x4096xf32, #tpu.memory_space<vmem>> -> memref<1x4096xf32, #tpu.memory_space<vmem>>
    %dma_wait3A_209 = tpu.memref_squeeze %dma_wait3A_208 : memref<1x4096xf32, #tpu.memory_space<vmem>> -> memref<4096xf32, #tpu.memory_space<vmem>>
    %dma_wait3A_210 = arith.constant 4096 : i32
    %dma_wait3A_211 = tpu.memref_slice %arg4[%add3A_109, %dma_wait3A_210] : memref<64x16384xf32, #tpu.memory_space<hbm>> -> memref<1x4096xf32, #tpu.memory_space<hbm>>
    %dma_wait3A_212 = tpu.memref_squeeze %dma_wait3A_211 : memref<1x4096xf32, #tpu.memory_space<hbm>> -> memref<4096xf32, #tpu.memory_space<hbm>>
    %dma_wait3A_213 = arith.constant 4096 : i32
    %dma_wait3A_214 = tpu.memref_slice %arg4[%add3A_109, %dma_wait3A_213] : memref<64x16384xf32, #tpu.memory_space<hbm>> -> memref<1x4096xf32, #tpu.memory_space<hbm>>
    %dma_wait3A_215 = tpu.memref_squeeze %dma_wait3A_214 : memref<1x4096xf32, #tpu.memory_space<hbm>> -> memref<4096xf32, #tpu.memory_space<hbm>>
    %dma_wait3A_216 = arith.constant 0 : i32
    %dma_wait3A_217 = tpu.memref_slice %arg7[%dma_wait3A_206, %dma_wait3A_216] : memref<2x4096xf32, #tpu.memory_space<vmem>> -> memref<1x4096xf32, #tpu.memory_space<vmem>>
    %dma_wait3A_218 = tpu.memref_squeeze %dma_wait3A_217 : memref<1x4096xf32, #tpu.memory_space<vmem>> -> memref<4096xf32, #tpu.memory_space<vmem>>
    tpu.wait_dma2 semaphore(%arg10 : memref<!tpu.dma_semaphore, #tpu.memory_space<semaphore_mem>>) src(%dma_wait3A_218 : memref<4096xf32, #tpu.memory_space<vmem>>) dst(%dma_wait3A_215 : memref<4096xf32, #tpu.memory_space<hbm>>)
    %scan3A_219 = arith.constant 0 : i32
    %scan3A_220 = arith.constant 0 : i32
    %scan3A_221 = arith.constant 16 : i32
    %scan3A_222 = arith.addi %scan3A_220, %scan3A_221 : i32
    %scan3A_223 = arith.constant 1 : i32
    scf.for %scan3A_264 = %scan3A_220 to %scan3A_222 step %scan3A_223  : i32 {
      %mul3A_265 = arith.constant 256 : i32
      %mul3A_266 = arith.muli %scan3A_264, %mul3A_265 : i32
      %add3A_267 = arith.constant 12288 : i32
      %add3A_268 = arith.addi %add3A_267, %mul3A_266 : i32
      %add3A_269 = arith.constant 0 : i32
      %add3A_270 = arith.addi %add3A_268, %add3A_269 : i32
      %get3A = arith.index_cast %add3A_270 : i32 to index
      %get3A_271 = tpu.vector_load %arg6[%get3A] {strides = array<i32>} : memref<16384xi32, #tpu.memory_space<vmem>>, vector<16xi32>,
      %add3A_272 = arith.constant 16 : i32
      %add3A_273 = arith.addi %add3A_268, %add3A_272 : i32
      %get3A_274 = arith.index_cast %add3A_273 : i32 to index
      %get3A_275 = tpu.vector_load %arg6[%get3A_274] {strides = array<i32>} : memref<16384xi32, #tpu.memory_space<vmem>>, vector<16xi32>,
      %add3A_276 = arith.constant 32 : i32
      %add3A_277 = arith.addi %add3A_268, %add3A_276 : i32
      %get3A_278 = arith.index_cast %add3A_277 : i32 to index
      %get3A_279 = tpu.vector_load %arg6[%get3A_278] {strides = array<i32>} : memref<16384xi32, #tpu.memory_space<vmem>>, vector<16xi32>,
      %add3A_280 = arith.constant 48 : i32
      %add3A_281 = arith.addi %add3A_268, %add3A_280 : i32
      %get3A_282 = arith.index_cast %add3A_281 : i32 to index
      %get3A_283 = tpu.vector_load %arg6[%get3A_282] {strides = array<i32>} : memref<16384xi32, #tpu.memory_space<vmem>>, vector<16xi32>,
      %add3A_284 = arith.constant 64 : i32
      %add3A_285 = arith.addi %add3A_268, %add3A_284 : i32
      %get3A_286 = arith.index_cast %add3A_285 : i32 to index
      %get3A_287 = tpu.vector_load %arg6[%get3A_286] {strides = array<i32>} : memref<16384xi32, #tpu.memory_space<vmem>>, vector<16xi32>,
      %add3A_288 = arith.constant 80 : i32
      %add3A_289 = arith.addi %add3A_268, %add3A_288 : i32
      %get3A_290 = arith.index_cast %add3A_289 : i32 to index
      %get3A_291 = tpu.vector_load %arg6[%get3A_290] {strides = array<i32>} : memref<16384xi32, #tpu.memory_space<vmem>>, vector<16xi32>,
      %add3A_292 = arith.constant 96 : i32
      %add3A_293 = arith.addi %add3A_268, %add3A_292 : i32
      %get3A_294 = arith.index_cast %add3A_293 : i32 to index
      %get3A_295 = tpu.vector_load %arg6[%get3A_294] {strides = array<i32>} : memref<16384xi32, #tpu.memory_space<vmem>>, vector<16xi32>,
      %add3A_296 = arith.constant 112 : i32
      %add3A_297 = arith.addi %add3A_268, %add3A_296 : i32
      %get3A_298 = arith.index_cast %add3A_297 : i32 to index
      %get3A_299 = tpu.vector_load %arg6[%get3A_298] {strides = array<i32>} : memref<16384xi32, #tpu.memory_space<vmem>>, vector<16xi32>,
      %add3A_300 = arith.constant 128 : i32
      %add3A_301 = arith.addi %add3A_268, %add3A_300 : i32
      %get3A_302 = arith.index_cast %add3A_301 : i32 to index
      %get3A_303 = tpu.vector_load %arg6[%get3A_302] {strides = array<i32>} : memref<16384xi32, #tpu.memory_space<vmem>>, vector<16xi32>,
      %add3A_304 = arith.constant 144 : i32
      %add3A_305 = arith.addi %add3A_268, %add3A_304 : i32
      %get3A_306 = arith.index_cast %add3A_305 : i32 to index
      %get3A_307 = tpu.vector_load %arg6[%get3A_306] {strides = array<i32>} : memref<16384xi32, #tpu.memory_space<vmem>>, vector<16xi32>,
      %add3A_308 = arith.constant 160 : i32
      %add3A_309 = arith.addi %add3A_268, %add3A_308 : i32
      %get3A_310 = arith.index_cast %add3A_309 : i32 to index
      %get3A_311 = tpu.vector_load %arg6[%get3A_310] {strides = array<i32>} : memref<16384xi32, #tpu.memory_space<vmem>>, vector<16xi32>,
      %add3A_312 = arith.constant 176 : i32
      %add3A_313 = arith.addi %add3A_268, %add3A_312 : i32
      %get3A_314 = arith.index_cast %add3A_313 : i32 to index
      %get3A_315 = tpu.vector_load %arg6[%get3A_314] {strides = array<i32>} : memref<16384xi32, #tpu.memory_space<vmem>>, vector<16xi32>,
      %add3A_316 = arith.constant 192 : i32
      %add3A_317 = arith.addi %add3A_268, %add3A_316 : i32
      %get3A_318 = arith.index_cast %add3A_317 : i32 to index
      %get3A_319 = tpu.vector_load %arg6[%get3A_318] {strides = array<i32>} : memref<16384xi32, #tpu.memory_space<vmem>>, vector<16xi32>,
      %add3A_320 = arith.constant 208 : i32
      %add3A_321 = arith.addi %add3A_268, %add3A_320 : i32
      %get3A_322 = arith.index_cast %add3A_321 : i32 to index
      %get3A_323 = tpu.vector_load %arg6[%get3A_322] {strides = array<i32>} : memref<16384xi32, #tpu.memory_space<vmem>>, vector<16xi32>,
      %add3A_324 = arith.constant 224 : i32
      %add3A_325 = arith.addi %add3A_268, %add3A_324 : i32
      %get3A_326 = arith.index_cast %add3A_325 : i32 to index
      %get3A_327 = tpu.vector_load %arg6[%get3A_326] {strides = array<i32>} : memref<16384xi32, #tpu.memory_space<vmem>>, vector<16xi32>,
      %add3A_328 = arith.constant 240 : i32
      %add3A_329 = arith.addi %add3A_268, %add3A_328 : i32
      %get3A_330 = arith.index_cast %add3A_329 : i32 to index
      %get3A_331 = tpu.vector_load %arg6[%get3A_330] {strides = array<i32>} : memref<16384xi32, #tpu.memory_space<vmem>>, vector<16xi32>,
      %gather3A = tpu.vector_load_idx %arg5[%get3A_271] : memref<100000xf32, #tpu.memory_space<vmem>>[vector<16xi32>], vector<16xf32>,
      %gather3A_332 = tpu.vector_load_idx %arg5[%get3A_275] : memref<100000xf32, #tpu.memory_space<vmem>>[vector<16xi32>], vector<16xf32>,
      %gather3A_333 = tpu.vector_load_idx %arg5[%get3A_279] : memref<100000xf32, #tpu.memory_space<vmem>>[vector<16xi32>], vector<16xf32>,
      %gather3A_334 = tpu.vector_load_idx %arg5[%get3A_283] : memref<100000xf32, #tpu.memory_space<vmem>>[vector<16xi32>], vector<16xf32>,
      %gather3A_335 = tpu.vector_load_idx %arg5[%get3A_287] : memref<100000xf32, #tpu.memory_space<vmem>>[vector<16xi32>], vector<16xf32>,
      %gather3A_336 = tpu.vector_load_idx %arg5[%get3A_291] : memref<100000xf32, #tpu.memory_space<vmem>>[vector<16xi32>], vector<16xf32>,
      %gather3A_337 = tpu.vector_load_idx %arg5[%get3A_295] : memref<100000xf32, #tpu.memory_space<vmem>>[vector<16xi32>], vector<16xf32>,
      %gather3A_338 = tpu.vector_load_idx %arg5[%get3A_299] : memref<100000xf32, #tpu.memory_space<vmem>>[vector<16xi32>], vector<16xf32>,
      %gather3A_339 = tpu.vector_load_idx %arg5[%get3A_303] : memref<100000xf32, #tpu.memory_space<vmem>>[vector<16xi32>], vector<16xf32>,
      %gather3A_340 = tpu.vector_load_idx %arg5[%get3A_307] : memref<100000xf32, #tpu.memory_space<vmem>>[vector<16xi32>], vector<16xf32>,
      %gather3A_341 = tpu.vector_load_idx %arg5[%get3A_311] : memref<100000xf32, #tpu.memory_space<vmem>>[vector<16xi32>], vector<16xf32>,
      %gather3A_342 = tpu.vector_load_idx %arg5[%get3A_315] : memref<100000xf32, #tpu.memory_space<vmem>>[vector<16xi32>], vector<16xf32>,
      %gather3A_343 = tpu.vector_load_idx %arg5[%get3A_319] : memref<100000xf32, #tpu.memory_space<vmem>>[vector<16xi32>], vector<16xf32>,
      %gather3A_344 = tpu.vector_load_idx %arg5[%get3A_323] : memref<100000xf32, #tpu.memory_space<vmem>>[vector<16xi32>], vector<16xf32>,
      %gather3A_345 = tpu.vector_load_idx %arg5[%get3A_327] : memref<100000xf32, #tpu.memory_space<vmem>>[vector<16xi32>], vector<16xf32>,
      %gather3A_346 = tpu.vector_load_idx %arg5[%get3A_331] : memref<100000xf32, #tpu.memory_space<vmem>>[vector<16xi32>], vector<16xf32>,
      %mul3A_347 = arith.constant 256 : i32
      %mul3A_348 = arith.muli %scan3A_264, %mul3A_347 : i32
      %add3A_349 = arith.constant 0 : i32
      %add3A_350 = arith.addi %mul3A_348, %add3A_349 : i32
      %swap3A = arith.constant 1 : i32
      %swap3A_351 = arith.index_cast %swap3A : i32 to index
      %swap3A_352 = arith.index_cast %add3A_350 : i32 to index
      %swap3A_353 = tpu.vector_load %arg7[%swap3A_351, %swap3A_352] {strides = array<i32>} : memref<2x4096xf32, #tpu.memory_space<vmem>>, vector<16xf32>,
      tpu.vector_store %arg7[%swap3A_351, %swap3A_352], %gather3A {strides = array<i32>} : memref<2x4096xf32, #tpu.memory_space<vmem>>, vector<16xf32>,
      %add3A_354 = arith.constant 16 : i32
      %add3A_355 = arith.addi %mul3A_348, %add3A_354 : i32
      %swap3A_356 = arith.constant 1 : i32
      %swap3A_357 = arith.index_cast %swap3A_356 : i32 to index
      %swap3A_358 = arith.index_cast %add3A_355 : i32 to index
      %swap3A_359 = tpu.vector_load %arg7[%swap3A_357, %swap3A_358] {strides = array<i32>} : memref<2x4096xf32, #tpu.memory_space<vmem>>, vector<16xf32>,
      tpu.vector_store %arg7[%swap3A_357, %swap3A_358], %gather3A_332 {strides = array<i32>} : memref<2x4096xf32, #tpu.memory_space<vmem>>, vector<16xf32>,
      %add3A_360 = arith.constant 32 : i32
      %add3A_361 = arith.addi %mul3A_348, %add3A_360 : i32
      %swap3A_362 = arith.constant 1 : i32
      %swap3A_363 = arith.index_cast %swap3A_362 : i32 to index
      %swap3A_364 = arith.index_cast %add3A_361 : i32 to index
      %swap3A_365 = tpu.vector_load %arg7[%swap3A_363, %swap3A_364] {strides = array<i32>} : memref<2x4096xf32, #tpu.memory_space<vmem>>, vector<16xf32>,
      tpu.vector_store %arg7[%swap3A_363, %swap3A_364], %gather3A_333 {strides = array<i32>} : memref<2x4096xf32, #tpu.memory_space<vmem>>, vector<16xf32>,
      %add3A_366 = arith.constant 48 : i32
      %add3A_367 = arith.addi %mul3A_348, %add3A_366 : i32
      %swap3A_368 = arith.constant 1 : i32
      %swap3A_369 = arith.index_cast %swap3A_368 : i32 to index
      %swap3A_370 = arith.index_cast %add3A_367 : i32 to index
      %swap3A_371 = tpu.vector_load %arg7[%swap3A_369, %swap3A_370] {strides = array<i32>} : memref<2x4096xf32, #tpu.memory_space<vmem>>, vector<16xf32>,
      tpu.vector_store %arg7[%swap3A_369, %swap3A_370], %gather3A_334 {strides = array<i32>} : memref<2x4096xf32, #tpu.memory_space<vmem>>, vector<16xf32>,
      %add3A_372 = arith.constant 64 : i32
      %add3A_373 = arith.addi %mul3A_348, %add3A_372 : i32
      %swap3A_374 = arith.constant 1 : i32
      %swap3A_375 = arith.index_cast %swap3A_374 : i32 to index
      %swap3A_376 = arith.index_cast %add3A_373 : i32 to index
      %swap3A_377 = tpu.vector_load %arg7[%swap3A_375, %swap3A_376] {strides = array<i32>} : memref<2x4096xf32, #tpu.memory_space<vmem>>, vector<16xf32>,
      tpu.vector_store %arg7[%swap3A_375, %swap3A_376], %gather3A_335 {strides = array<i32>} : memref<2x4096xf32, #tpu.memory_space<vmem>>, vector<16xf32>,
      %add3A_378 = arith.constant 80 : i32
      %add3A_379 = arith.addi %mul3A_348, %add3A_378 : i32
      %swap3A_380 = arith.constant 1 : i32
      %swap3A_381 = arith.index_cast %swap3A_380 : i32 to index
      %swap3A_382 = arith.index_cast %add3A_379 : i32 to index
      %swap3A_383 = tpu.vector_load %arg7[%swap3A_381, %swap3A_382] {strides = array<i32>} : memref<2x4096xf32, #tpu.memory_space<vmem>>, vector<16xf32>,
      tpu.vector_store %arg7[%swap3A_381, %swap3A_382], %gather3A_336 {strides = array<i32>} : memref<2x4096xf32, #tpu.memory_space<vmem>>, vector<16xf32>,
      %add3A_384 = arith.constant 96 : i32
      %add3A_385 = arith.addi %mul3A_348, %add3A_384 : i32
      %swap3A_386 = arith.constant 1 : i32
      %swap3A_387 = arith.index_cast %swap3A_386 : i32 to index
      %swap3A_388 = arith.index_cast %add3A_385 : i32 to index
      %swap3A_389 = tpu.vector_load %arg7[%swap3A_387, %swap3A_388] {strides = array<i32>} : memref<2x4096xf32, #tpu.memory_space<vmem>>, vector<16xf32>,
      tpu.vector_store %arg7[%swap3A_387, %swap3A_388], %gather3A_337 {strides = array<i32>} : memref<2x4096xf32, #tpu.memory_space<vmem>>, vector<16xf32>,
      %add3A_390 = arith.constant 112 : i32
      %add3A_391 = arith.addi %mul3A_348, %add3A_390 : i32
      %swap3A_392 = arith.constant 1 : i32
      %swap3A_393 = arith.index_cast %swap3A_392 : i32 to index
      %swap3A_394 = arith.index_cast %add3A_391 : i32 to index
      %swap3A_395 = tpu.vector_load %arg7[%swap3A_393, %swap3A_394] {strides = array<i32>} : memref<2x4096xf32, #tpu.memory_space<vmem>>, vector<16xf32>,
      tpu.vector_store %arg7[%swap3A_393, %swap3A_394], %gather3A_338 {strides = array<i32>} : memref<2x4096xf32, #tpu.memory_space<vmem>>, vector<16xf32>,
      %add3A_396 = arith.constant 128 : i32
      %add3A_397 = arith.addi %mul3A_348, %add3A_396 : i32
      %swap3A_398 = arith.constant 1 : i32
      %swap3A_399 = arith.index_cast %swap3A_398 : i32 to index
      %swap3A_400 = arith.index_cast %add3A_397 : i32 to index
      %swap3A_401 = tpu.vector_load %arg7[%swap3A_399, %swap3A_400] {strides = array<i32>} : memref<2x4096xf32, #tpu.memory_space<vmem>>, vector<16xf32>,
      tpu.vector_store %arg7[%swap3A_399, %swap3A_400], %gather3A_339 {strides = array<i32>} : memref<2x4096xf32, #tpu.memory_space<vmem>>, vector<16xf32>,
      %add3A_402 = arith.constant 144 : i32
      %add3A_403 = arith.addi %mul3A_348, %add3A_402 : i32
      %swap3A_404 = arith.constant 1 : i32
      %swap3A_405 = arith.index_cast %swap3A_404 : i32 to index
      %swap3A_406 = arith.index_cast %add3A_403 : i32 to index
      %swap3A_407 = tpu.vector_load %arg7[%swap3A_405, %swap3A_406] {strides = array<i32>} : memref<2x4096xf32, #tpu.memory_space<vmem>>, vector<16xf32>,
      tpu.vector_store %arg7[%swap3A_405, %swap3A_406], %gather3A_340 {strides = array<i32>} : memref<2x4096xf32, #tpu.memory_space<vmem>>, vector<16xf32>,
      %add3A_408 = arith.constant 160 : i32
      %add3A_409 = arith.addi %mul3A_348, %add3A_408 : i32
      %swap3A_410 = arith.constant 1 : i32
      %swap3A_411 = arith.index_cast %swap3A_410 : i32 to index
      %swap3A_412 = arith.index_cast %add3A_409 : i32 to index
      %swap3A_413 = tpu.vector_load %arg7[%swap3A_411, %swap3A_412] {strides = array<i32>} : memref<2x4096xf32, #tpu.memory_space<vmem>>, vector<16xf32>,
      tpu.vector_store %arg7[%swap3A_411, %swap3A_412], %gather3A_341 {strides = array<i32>} : memref<2x4096xf32, #tpu.memory_space<vmem>>, vector<16xf32>,
      %add3A_414 = arith.constant 176 : i32
      %add3A_415 = arith.addi %mul3A_348, %add3A_414 : i32
      %swap3A_416 = arith.constant 1 : i32
      %swap3A_417 = arith.index_cast %swap3A_416 : i32 to index
      %swap3A_418 = arith.index_cast %add3A_415 : i32 to index
      %swap3A_419 = tpu.vector_load %arg7[%swap3A_417, %swap3A_418] {strides = array<i32>} : memref<2x4096xf32, #tpu.memory_space<vmem>>, vector<16xf32>,
      tpu.vector_store %arg7[%swap3A_417, %swap3A_418], %gather3A_342 {strides = array<i32>} : memref<2x4096xf32, #tpu.memory_space<vmem>>, vector<16xf32>,
      %add3A_420 = arith.constant 192 : i32
      %add3A_421 = arith.addi %mul3A_348, %add3A_420 : i32
      %swap3A_422 = arith.constant 1 : i32
      %swap3A_423 = arith.index_cast %swap3A_422 : i32 to index
      %swap3A_424 = arith.index_cast %add3A_421 : i32 to index
      %swap3A_425 = tpu.vector_load %arg7[%swap3A_423, %swap3A_424] {strides = array<i32>} : memref<2x4096xf32, #tpu.memory_space<vmem>>, vector<16xf32>,
      tpu.vector_store %arg7[%swap3A_423, %swap3A_424], %gather3A_343 {strides = array<i32>} : memref<2x4096xf32, #tpu.memory_space<vmem>>, vector<16xf32>,
      %add3A_426 = arith.constant 208 : i32
      %add3A_427 = arith.addi %mul3A_348, %add3A_426 : i32
      %swap3A_428 = arith.constant 1 : i32
      %swap3A_429 = arith.index_cast %swap3A_428 : i32 to index
      %swap3A_430 = arith.index_cast %add3A_427 : i32 to index
      %swap3A_431 = tpu.vector_load %arg7[%swap3A_429, %swap3A_430] {strides = array<i32>} : memref<2x4096xf32, #tpu.memory_space<vmem>>, vector<16xf32>,
      tpu.vector_store %arg7[%swap3A_429, %swap3A_430], %gather3A_344 {strides = array<i32>} : memref<2x4096xf32, #tpu.memory_space<vmem>>, vector<16xf32>,
      %add3A_432 = arith.constant 224 : i32
      %add3A_433 = arith.addi %mul3A_348, %add3A_432 : i32
      %swap3A_434 = arith.constant 1 : i32
      %swap3A_435 = arith.index_cast %swap3A_434 : i32 to index
      %swap3A_436 = arith.index_cast %add3A_433 : i32 to index
      %swap3A_437 = tpu.vector_load %arg7[%swap3A_435, %swap3A_436] {strides = array<i32>} : memref<2x4096xf32, #tpu.memory_space<vmem>>, vector<16xf32>,
      tpu.vector_store %arg7[%swap3A_435, %swap3A_436], %gather3A_345 {strides = array<i32>} : memref<2x4096xf32, #tpu.memory_space<vmem>>, vector<16xf32>,
      %add3A_438 = arith.constant 240 : i32
      %add3A_439 = arith.addi %mul3A_348, %add3A_438 : i32
      %swap3A_440 = arith.constant 1 : i32
      %swap3A_441 = arith.index_cast %swap3A_440 : i32 to index
      %swap3A_442 = arith.index_cast %add3A_439 : i32 to index
      %swap3A_443 = tpu.vector_load %arg7[%swap3A_441, %swap3A_442] {strides = array<i32>} : memref<2x4096xf32, #tpu.memory_space<vmem>>, vector<16xf32>,
      tpu.vector_store %arg7[%swap3A_441, %swap3A_442], %gather3A_346 {strides = array<i32>} : memref<2x4096xf32, #tpu.memory_space<vmem>>, vector<16xf32>,
    }
    %scan3A_224 = arith.constant 16 : i32
    %dma_start3A_225 = arith.constant 1 : i32
    %dma_start3A_226 = arith.constant 0 : i32
    %dma_start3A_227 = tpu.memref_slice %arg7[%dma_start3A_225, %dma_start3A_226] : memref<2x4096xf32, #tpu.memory_space<vmem>> -> memref<1x4096xf32, #tpu.memory_space<vmem>>
    %dma_start3A_228 = tpu.memref_squeeze %dma_start3A_227 : memref<1x4096xf32, #tpu.memory_space<vmem>> -> memref<4096xf32, #tpu.memory_space<vmem>>
    %dma_start3A_229 = arith.constant 12288 : i32
    %dma_start3A_230 = tpu.memref_slice %arg4[%add3A_109, %dma_start3A_229] : memref<64x16384xf32, #tpu.memory_space<hbm>> -> memref<1x4096xf32, #tpu.memory_space<hbm>>
    %dma_start3A_231 = tpu.memref_squeeze %dma_start3A_230 : memref<1x4096xf32, #tpu.memory_space<hbm>> -> memref<4096xf32, #tpu.memory_space<hbm>>
    %dma_start3A_232 = arith.constant 12288 : i32
    %dma_start3A_233 = tpu.memref_slice %arg4[%add3A_109, %dma_start3A_232] : memref<64x16384xf32, #tpu.memory_space<hbm>> -> memref<1x4096xf32, #tpu.memory_space<hbm>>
    %dma_start3A_234 = tpu.memref_squeeze %dma_start3A_233 : memref<1x4096xf32, #tpu.memory_space<hbm>> -> memref<4096xf32, #tpu.memory_space<hbm>>
    %dma_start3A_235 = arith.constant 0 : i32
    %dma_start3A_236 = tpu.memref_slice %arg7[%dma_start3A_225, %dma_start3A_235] : memref<2x4096xf32, #tpu.memory_space<vmem>> -> memref<1x4096xf32, #tpu.memory_space<vmem>>
    %dma_start3A_237 = tpu.memref_squeeze %dma_start3A_236 : memref<1x4096xf32, #tpu.memory_space<vmem>> -> memref<4096xf32, #tpu.memory_space<vmem>>
    tpu.enqueue_dma source(%dma_start3A_237 : memref<4096xf32, #tpu.memory_space<vmem>>) target(%dma_start3A_234 : memref<4096xf32, #tpu.memory_space<hbm>>) target_semaphore(%arg10 : memref<!tpu.dma_semaphore, #tpu.memory_space<semaphore_mem>>)
    %dma_wait3A_238 = arith.constant 0 : i32
    %dma_wait3A_239 = arith.constant 0 : i32
    %dma_wait3A_240 = tpu.memref_slice %arg7[%dma_wait3A_238, %dma_wait3A_239] : memref<2x4096xf32, #tpu.memory_space<vmem>> -> memref<1x4096xf32, #tpu.memory_space<vmem>>
    %dma_wait3A_241 = tpu.memref_squeeze %dma_wait3A_240 : memref<1x4096xf32, #tpu.memory_space<vmem>> -> memref<4096xf32, #tpu.memory_space<vmem>>
    %dma_wait3A_242 = arith.constant 8192 : i32
    %dma_wait3A_243 = tpu.memref_slice %arg4[%add3A_109, %dma_wait3A_242] : memref<64x16384xf32, #tpu.memory_space<hbm>> -> memref<1x4096xf32, #tpu.memory_space<hbm>>
    %dma_wait3A_244 = tpu.memref_squeeze %dma_wait3A_243 : memref<1x4096xf32, #tpu.memory_space<hbm>> -> memref<4096xf32, #tpu.memory_space<hbm>>
    %dma_wait3A_245 = arith.constant 8192 : i32
    %dma_wait3A_246 = tpu.memref_slice %arg4[%add3A_109, %dma_wait3A_245] : memref<64x16384xf32, #tpu.memory_space<hbm>> -> memref<1x4096xf32, #tpu.memory_space<hbm>>
    %dma_wait3A_247 = tpu.memref_squeeze %dma_wait3A_246 : memref<1x4096xf32, #tpu.memory_space<hbm>> -> memref<4096xf32, #tpu.memory_space<hbm>>
    %dma_wait3A_248 = arith.constant 0 : i32
    %dma_wait3A_249 = tpu.memref_slice %arg7[%dma_wait3A_238, %dma_wait3A_248] : memref<2x4096xf32, #tpu.memory_space<vmem>> -> memref<1x4096xf32, #tpu.memory_space<vmem>>
    %dma_wait3A_250 = tpu.memref_squeeze %dma_wait3A_249 : memref<1x4096xf32, #tpu.memory_space<vmem>> -> memref<4096xf32, #tpu.memory_space<vmem>>
    tpu.wait_dma2 semaphore(%arg10 : memref<!tpu.dma_semaphore, #tpu.memory_space<semaphore_mem>>) src(%dma_wait3A_250 : memref<4096xf32, #tpu.memory_space<vmem>>) dst(%dma_wait3A_247 : memref<4096xf32, #tpu.memory_space<hbm>>)
    %dma_wait3A_251 = arith.constant 1 : i32
    %dma_wait3A_252 = arith.constant 0 : i32
    %dma_wait3A_253 = tpu.memref_slice %arg7[%dma_wait3A_251, %dma_wait3A_252] : memref<2x4096xf32, #tpu.memory_space<vmem>> -> memref<1x4096xf32, #tpu.memory_space<vmem>>
    %dma_wait3A_254 = tpu.memref_squeeze %dma_wait3A_253 : memref<1x4096xf32, #tpu.memory_space<vmem>> -> memref<4096xf32, #tpu.memory_space<vmem>>
    %dma_wait3A_255 = arith.constant 12288 : i32
    %dma_wait3A_256 = tpu.memref_slice %arg4[%add3A_109, %dma_wait3A_255] : memref<64x16384xf32, #tpu.memory_space<hbm>> -> memref<1x4096xf32, #tpu.memory_space<hbm>>
    %dma_wait3A_257 = tpu.memref_squeeze %dma_wait3A_256 : memref<1x4096xf32, #tpu.memory_space<hbm>> -> memref<4096xf32, #tpu.memory_space<hbm>>
    %dma_wait3A_258 = arith.constant 12288 : i32
    %dma_wait3A_259 = tpu.memref_slice %arg4[%add3A_109, %dma_wait3A_258] : memref<64x16384xf32, #tpu.memory_space<hbm>> -> memref<1x4096xf32, #tpu.memory_space<hbm>>
    %dma_wait3A_260 = tpu.memref_squeeze %dma_wait3A_259 : memref<1x4096xf32, #tpu.memory_space<hbm>> -> memref<4096xf32, #tpu.memory_space<hbm>>
    %dma_wait3A_261 = arith.constant 0 : i32
    %dma_wait3A_262 = tpu.memref_slice %arg7[%dma_wait3A_251, %dma_wait3A_261] : memref<2x4096xf32, #tpu.memory_space<vmem>> -> memref<1x4096xf32, #tpu.memory_space<vmem>>
    %dma_wait3A_263 = tpu.memref_squeeze %dma_wait3A_262 : memref<1x4096xf32, #tpu.memory_space<vmem>> -> memref<4096xf32, #tpu.memory_space<vmem>>
    tpu.wait_dma2 semaphore(%arg10 : memref<!tpu.dma_semaphore, #tpu.memory_space<semaphore_mem>>) src(%dma_wait3A_263 : memref<4096xf32, #tpu.memory_space<vmem>>) dst(%dma_wait3A_260 : memref<4096xf32, #tpu.memory_space<hbm>>)
    return
  }
}

</mosaic_0001>

<sc_bundles>
// kernel: kernel.3.cloned.1.call-start
scs
__scs_entry_jumppad:
0x0: {  	(pc) =	sbr.rel $0x88, $3  }
0x1: {  	(tag) =	ssettag $0x0;
	lr =	simm.s32 $0x1  }
0x2: {  	[smem:$0x3F9F] =	sst lr;
	_ =	strace $0xD0000000  }
0x3: {  	_ = 	snop  }
0x4: {  	_ = 	snop  }
0x5: {  	_ = 	snop  }
0x6: {  	_ = 	snop  }
0x7: {  	_ = 	snop  }
__scs_overlays_trampoline_lowered:
0x8: {  	[smem:$0x3FAE] =	sst s0  }
0x9: {  	[smem:$0x3FAF] =	sst s1  }
0xa: {  	[smem:$0x3FB0] =	sst s2  }
0xb: {  	[smem:$0x3FB1] =	sst s3  }
0xc: {  	[smem:$0x3FB2] =	sst s4  }
0xd: {  	[smem:$0x3FB3] =	sst s5  }
0xe: {  	[smem:$0x3FB4] =	sst s6  }
0xf: {  	[smem:$0x3FB5] =	sst s7  }
0x10: {  	[smem:$0x3FB6] =	sst s8  }
0x11: {  	[smem:$0x3FB7] =	sst s9;
	s0 =	simm.s32 @!p0 $0x0  }
0x12: {  	s1 =	sld [smem:$0x3F9D];
	s0 =	simm.s32 @p0 $0x1  }
0x13: {  	[smem:$0x3FB8] =	sst s0;
	s0 =	simm.s32 @!p1 $0x0  }
0x14: {  	s2 =	sld [smem:$0x3F9C];
	s0 =	simm.s32 @p1 $0x1  }
0x15: {  	[smem:$0x3FB9] =	sst s0;
	s0 =	simm.s32 @!p2 $0x0  }
0x16: {  	s3 =	sld [smem:$0x3FDB];
	s0 =	simm.s32 @p2 $0x1  }
0x17: {  	s4 =	simm.s32 $0x1BF5;
	[smem:$0x3FBB] =	sst s0  }
0x18: {  	s0 =	sld [smem:$0x3F9E];
	_ =	swait.ge [sflag:s4], $0x0  }
0x19: {  	s7 =	sld [smem:$0x3F9F]  }
0x1a: {  	s8 =	sadd.s32 $0xFFFFE003, lr  }
0x1b: {  	s9 =	sadd.s32 $0xFFFFFEF7, lr;
	s5 =	simm.s32 $0xFFFFFFFF;
	p2 =	slt.u32 s8, $0xFFFFF086  }
0x1c: {  	p1 =	slt.u32 s9, $0xF7A;
	s5 =	simm.s32 @!p2 $0x0  }
0x1d: {  	s5 =	simm.s32 @p1 $0x1;
	p0 =	seq.s32 s7, s2  }
0x1e: {  	s7 =	smul.u32 @!p0 $0xF7A, s2;
	p2 =	seq.s32 @!p0 s5, $0x0  }
0x1f: {  	s9 =	smul.u32 $0xF7A, s1;
	s8 =	simm.s32 @!p0 $0x1BF5;
	p2 =	por !p2, p0  }
0x20: {  	[sflag:s8] =	ssyncset.s32 @!p0 $0xFFFFF086;
	s6 =	sadd.s32 @!p0 s3, s7;
	s7 =	simm.s32 @!p0 $0x108  }
0x21: {  	s3 =	sadd.s32 s3, s9;
	s6 =	sadd.s32 @!p0 $0x88, s6;
	s7 =	simm.s32 @p2 $0x1082  }
0x22: {  	[simem:s7], [sflag:s8] =	dma.local @!p0 [hbm:s6], $0xF7A  }
0x23: {  	s9 =	sor.u32 $0xD0000000, s2;
	s6 =	simm.s32 $0x108;
	_ =	swait.ge @!p0 [sflag:s8], $0x0  }
0x24: {  	s3 =	sadd.s32 $0x88, s3;
	s6 =	simm.s32 @!p1 $0x1082;
	[sflag:s4] =	ssyncset.s32 $0xFFFFF086  }
0x25: {  	[simem:s6], [sflag:s4] =	dma.local [hbm:s3], $0xF7A  }
0x26: {  	[smem:$0x3F9F] =	sst s1;
	(tag) =	ssettag s2;
	_ =	strace s9  }
0x27: {  	s1 =	sld [smem:$0x3FAF]  }
0x28: {  	s2 =	sld [smem:$0x3FB0]  }
0x29: {  	s4 =	sld [smem:$0x3FB2]  }
0x2a: {  	p0 =	seq.s32 s5, $0x0;
	s5 =	sld [smem:$0x3FB3]  }
0x2b: {  	s6 =	sld [smem:$0x3FB4]  }
0x2c: {  	s7 =	sld [smem:$0x3FB5]  }
0x2d: {  	s3 =	simm.s32 $0x108;
	s8 =	sld [smem:$0x3FB6]  }
0x2e: {  	s3 =	simm.s32 @!p0 $0x1082;
	s9 =	sld [smem:$0x3FB7]  }
0x2f: {  	lr =	sadd.s32 s0, s3;
	s0 =	sld [smem:$0x3FAE]  }
0x30: {  	s3 =	sld [smem:$0x3FB1]  }
0x31: {  	[smem:$0x3FBA] =	sst s10  }
0x32: {  	s10 =	sld [smem:$0x3FB8];
	_ =	sdelay $0x3  }
0x33: {  	p0 =	seq.s32 s10, $0x1;
	s10 =	sld [smem:$0x3FBA];
	_ =	sdelay $0x3  }
0x34: {  	[smem:$0x3FBA] =	sst s10  }
0x35: {  	s10 =	sld [smem:$0x3FB9];
	_ =	sdelay $0x3  }
0x36: {  	p1 =	seq.s32 s10, $0x1;
	s10 =	sld [smem:$0x3FBA];
	_ =	sdelay $0x3  }
0x37: {  	[smem:$0x3FBA] =	sst s10  }
0x38: {  	s10 =	sld [smem:$0x3FBB]  }
0x39: {  	_ = 	snop;
	(pc) =	sbr.ind lr, $3  }
0x3a: {  	_ = 	snop  }
0x3b: {  	_ = 	snop  }
0x3c: {  	p2 =	seq.s32 s10, $0x1;
	s10 =	sld [smem:$0x3FBA]  }
0x3d: {  	_ =	shalt  }
0x3e: {  	_ =	shalt  }
0x3f: {  	_ =	shalt  }
0x40: {  	_ =	shalt  }
0x41: {  	_ =	shalt  }
0x42: {  	_ =	shalt  }
0x43: {  	_ =	shalt  }
0x44: {  	_ =	shalt  }
0x45: {  	_ =	shalt  }
0x46: {  	_ =	shalt  }
0x47: {  	_ =	shalt  }
0x48: {  	_ =	shalt  }
0x49: {  	_ =	shalt  }
0x4a: {  	_ =	shalt  }
0x4b: {  	_ =	shalt  }
0x4c: {  	_ =	shalt  }
0x4d: {  	_ =	shalt  }
0x4e: {  	_ =	shalt  }
0x4f: {  	_ =	shalt  }
0x50: {  	_ =	shalt  }
0x51: {  	_ =	shalt  }
0x52: {  	_ =	shalt  }
0x53: {  	_ =	shalt  }
0x54: {  	_ =	shalt  }
0x55: {  	_ =	shalt  }
0x56: {  	_ =	shalt  }
0x57: {  	_ =	shalt  }
0x58: {  	_ =	shalt  }
0x59: {  	_ =	shalt  }
0x5a: {  	_ =	shalt  }
0x5b: {  	_ =	shalt  }
0x5c: {  	_ =	shalt  }
0x5d: {  	_ =	shalt  }
0x5e: {  	_ =	shalt  }
0x5f: {  	_ =	shalt  }
0x60: {  	_ =	shalt  }
0x61: {  	_ =	shalt  }
0x62: {  	_ =	shalt  }
0x63: {  	_ =	shalt  }
0x64: {  	_ =	shalt  }
0x65: {  	_ =	shalt  }
0x66: {  	_ =	shalt  }
0x67: {  	_ =	shalt  }
0x68: {  	_ =	shalt  }
0x69: {  	_ =	shalt  }
0x6a: {  	_ =	shalt  }
0x6b: {  	_ =	shalt  }
0x6c: {  	_ =	shalt  }
0x6d: {  	_ =	shalt  }
0x6e: {  	_ =	shalt  }
0x6f: {  	_ =	shalt  }
0x70: {  	_ =	shalt  }
0x71: {  	_ =	shalt  }
0x72: {  	_ =	shalt  }
0x73: {  	_ =	shalt  }
0x74: {  	_ =	shalt  }
0x75: {  	_ =	shalt  }
0x76: {  	_ =	shalt  }
0x77: {  	_ =	shalt  }
0x78: {  	_ =	shalt  }
0x79: {  	_ =	shalt  }
0x7a: {  	_ =	shalt  }
0x7b: {  	_ =	shalt  }
0x7c: {  	_ =	shalt  }
0x7d: {  	_ =	shalt  }
0x7e: {  	_ =	shalt  }
0x7f: {  	_ =	shalt  }
0x80: {  	_ =	shalt  }
0x81: {  	_ =	shalt  }
0x82: {  	_ =	shalt  }
0x83: {  	_ =	shalt  }
0x84: {  	_ =	shalt  }
0x85: {  	_ =	shalt  }
0x86: {  	_ =	shalt  }
0x87: {  	_ =	shalt  }
.Lfunc_end0:
.L_simem_size_0:
called_computation_lowered:
.L_overlay_start_0:
0x88: {  	s2 =	sld [smem:$0x3FD9]  }
0x89: {  	s3 =	sld [smem:$0x3FFE];
	_ =	sdelay $0x1  }
0x8a: {  	s1 =	srdreg.scid  }
0x8b: {  	s0 =	sand.u32 $0x1, s1  }
0x8c: {  	s18 =	sshll.u32 s0, $0xA;
	s2 =	sadd.s32 s3, s2  }
0x8d: {  	s2 =	sadd.s32 s2, s18  }
0x8e: {  	[smem:$0x3FC6] =	sst s2  }
0x8f: {  	_ = 	snop  }
0x90: {  	s2 =	sld [smem:$0x3FC9]  }
0x91: {  	s19 =	sld [smem:$0x3FC8]  }
0x92: {  	s4 =	sld [smem:$0x3FD0];
	(tm) =	ssettm $0x1  }
0x93: {  	s5 =	sld [smem:$0x3FFB];
	_ =	sdelay $0x3  }
0x94: {  	_ =	strace s5  }
0x95: {  	s5 =	sld [smem:$0x3FFC];
	_ =	sdelay $0x3  }
0x96: {  	_ =	strace s5  }
0x97: {  	s5 =	sld [smem:$0x3FFD];
	_ =	sdelay $0x3  }
0x98: {  	_ =	strace s5  }
0x99: {  	_ =	strace $0x8FFFFFFF  }
0x9a: {  	s20 =	sld [smem:$0x3FDB];
	_ =	sdelay $0x1  }
0x9b: {  	s6 =	simm.s32 $_scs_section_size  }
0x9c: {  	s7 =	simm.s32 $_size__tile_overlayer_lowered;
	s8 =	simm.s32 $_tile_overlayer_lowered  }
0x9d: {  	s23 =	simm.s32 $0x1BFF;
	s22 =	sshll.u32 s8, $0x1;
	s5 =	sadd.s32 s6, s20  }
0x9e: {  	s9 =	simm.s32 $0x0;
	s21 =	sshll.u32 s7, $0x1;
	s7 =	sadd.s32 s22, s5  }
0x9f: {  	[timem:s9], [sflag:s23] =	dma.local [hbm:s7], s21  }
0xa0: {  	_ =	swait.ge [sflag:s23], s21  }
0xa1: {  	s6 =	ssub.s32 $0x0, s21;
	[sflag:s23] =	ssyncset.done $0x0  }
0xa2: {  	[sflag:s23] =	ssyncadd.s32 s6;
	_ =	sdelay $0x1  }
0xa3: {  	s24 =	simm.s32 $0x1B8B  }
0xa4: {  	_ =	swait.ge [sflag:s24], $0x1  }
0xa5: {  	[sflag:s24] =	ssyncset.done $0x0  }
0xa6: {  	s25 =	simm.s32 $0x1B8E;
	[sflag:s24] =	ssyncadd.s32 $0xFFFFFFFF  }
0xa7: {  	s26 =	simm.s32 $execute0_lowered;
	[smem:$0x3FD2] =	sst s25  }
0xa8: {  	s6 =	sshll.u32 s26, $0x1;
	_ =	strace $0x80000046;
	[dreg:$0x1] =	wrdreg $0xFFFFFFFF  }
0xa9: {  	s28 =	simm.s32 $_size_execute0_lowered;
	s5 =	sadd.s32 s5, s6;
	[dreg:$0x0] =	wrdreg $0x0  }
0xaa: {  	s6 =	sshll.u32 s28, $0x1;
	[dreg:$0x2] =	wrdreg s5  }
0xab: {  	[dreg:$0x3] =	wrdreg s6  }
0xac: {  	[dreg:$0x4] =	wrdreg $0xC0  }
0xad: {  	_ =	task [dreg:s9], $0x5FFFF  }
0xae: {  	[dreg:$0x1] =	wrdreg $0xFFFFFFFF  }
0xaf: {  	[dreg:$0x0] =	wrdreg $0x60  }
0xb0: {  	[dreg:$0x2] =	wrdreg s2  }
0xb1: {  	[dreg:$0x3] =	wrdreg s19  }
0xb2: {  	[dreg:$0x4] =	wrdreg s4  }
0xb3: {  	[dreg:$0x5] =	wrdreg $0x1E7000  }
0xb4: {  	[dreg:$0x6] =	wrdreg $0x9  }
0xb5: {  	_ =	task.clear_ibuf [dreg:s9], $0x7FFFF;
	_ =	strace $0x90000046  }
0xb6: {  	s29 =	simm.s32 $0x9;
	_ =	strace $0x80000048  }
0xb7: {  	_ =	swait.ge [sflag:s29], $0x1  }
0xb8: {  	[sflag:s29] =	ssyncadd.s32 $0xFFFFFFFF  }
0xb9: {  	_ =	strace $0x90000048  }
0xba: {  	_ =	sfence  }
0xbb: {  	s30 =	sld [smem:$0x0];
	_ =	sdelay $0x2  }
0xbc: {  	s31 =	sshll.u32 s1, $0xD;
	s1 =	sshrl.u32 s1, $0x2  }
0xbd: {  	s3 =	sand.u32 $0x4000, s31;
	s1 =	sadd.s32 s1, s30  }
0xbe: {  	s0 =	sor.u32 s3, s0;
	s1 =	sshll.u32 s1, $0x11  }
0xbf: {  	s0 =	sor.u32 s1, s0  }
0xc0: {  	s0 =	sadd.s32 $0x8F2B, s0  }
0xc1: {  	[sflag:s0] =	ssyncadd.remote.s32 $0x1  }
0xc2: {  	_ =	sfence.sel $0xFFFF  }
0xc3: {  	[dreg:$0x0] =	wrdreg $0xFFFFFFFF;
	(pc) =	sbr.abs _section_cstart, $3  }
0xc4: {  	[dreg:$0x1] =	wrdreg $0xFFFFFFFF  }
0xc5: {  	_ =	task.clear_ibuf [dreg:s9], $0x2FFFF;
	_ =	strace $0x9FFFFFFF  }
0xc6: {  	(tm) =	ssettm $0x7FFFFFFF  }
0xc7: {  	_ =	shalt  }
tec
execute0_lowered:
.L_overlay_start_1:
0x0: {  	(tag) =	ssettag $0x1  }
0x1: {  	s1 =	rddreg [dreg:$0x0]  }
0x2: {  	s9 =	rddreg [dreg:$0x1]  }
0x3: {  	s10 =	rddreg [dreg:$0x2]  }
0x4: {  	s2 =	rddreg [dreg:$0x3]  }
0x5: {  	s0 =	rddreg [dreg:$0x4]  }
0x6: {  	s3 =	simm.s32 $0x0;
	s4 =	srdreg.scid;
	s14 =	stileid.u32  }
0x7: {  	s20 =	simm.s32 $0x1;
	s21 =	simm.s32 $0x2;
	s22 =	simm.s32 $0x0  }
0x8: {  	[smem:$0x7FF] =	sst s3;
	s4 =	sand.u32 $0x1, s4;
	s5 =	sshll.u32 s14, $0x9  }
0x9: {  	s6 =	sshrl.u32 s14, $0x1;
	s16 =	sadd.s32 $0x1000, s10;
	s17 =	sadd.s32 $0x2000, s10  }
0xa: {  	s18 =	sadd.s32 $0x3000, s10;
	p0 =	sne.s32 s14, $0x0;
	s7 =	sshll.u32 s4, $0x8  }
0xb: {  	s5 =	sand.u32 $0x200, s5;
	s8 =	smul.u32 $0xC3800, s6;
	_ =	strace $0x80000047  }
0xc: {  	s4 =	ssub.s32 $0x2, s4;
	s12 =	sshll.u32 s6, $0x11;
	s11 =	sor.u32 s7, s5  }
0xd: {  	s29 =	sshrl.u32 s4, $0x1;
	s5 =	sor.u32 s8, s11;
	s7 =	sor.u32 s12, s11  }
0xe: {  	s15 =	ssub.s32 s4, s29;
	s11 =	sor.u32 $0x80, s11;
	s5 =	sshrl.u32 s5, $0x3  }
0xf: {  	s13 =	sshrl.u32 s7, $0x3;
	s19 =	sor.u32 s8, s11;
	s11 =	sor.u32 s12, s11  }
0x10: {  	s14 =	smax.u32 s15, $0x1;
	s15 =	sshrl.u32 @!p0 s2, $0x3;
	s4 =	sadd.s32 s9, s5  }
0x11: {  	s5 =	sadd.s32 s10, s13;
	s6 =	sadd.s32 s13, s16;
	s7 =	sadd.s32 s13, s17  }
0x12: {  	s8 =	sadd.s32 s13, s18;
	s30 =	sshrl.u32 s19, $0x3;
	s31 =	sshrl.u32 s11, $0x3  }
0x13: {  	s19 =	simm.s32 $0x18700;
	s9 =	sadd.s32 s9, s30;
	s10 =	sadd.s32 s10, s31  }
0x14: {  	s11 =	sadd.s32 s31, s16;
	s12 =	sadd.s32 s31, s17;
	s13 =	sadd.s32 s31, s18  }
0x15: {  	s16 =	simm.s32 $0x80;
	s17 =	simm.s32 $0x400;
	s18 =	simm.s32 $0x3  }
.LBB2_1:
0x16: {  	s23 =	simm.s32 @!p0 $0x1C03  }
0x17: {  	[spmem:s15], [sflag:s23] =	dma.local @!p0 [hbm:s1], $0x800  }
0x18: {  	s23 =	simm.s32 @!p0 $0x3  }
0x19: {  	_ =	swait.ge @!p0 [sflag:s23], $0x800  }
0x1a: {  	[sflag:s23] =	ssyncset.done @!p0 $0x0  }
0x1b: {  	[sflag:s23] =	ssyncadd.s32 @!p0 $0xFFFFF800  }
0x1c: {  	[tilespmem:s3], [sflag:$0x3] =	stream.strided.gather [hbm4b:s4+s16], $0x18700, s17, s16, $0x38;
	[tilespmem:$0x1EB00] =	vst v63  }
0x1d: {  	_ =	swait.ge [sflag:s18], $0x18700  }
0x1e: {  	[sflag:s18] =	ssyncset.done $0x0  }
0x1f: {  	[sflag:s18] =	ssyncadd.s32 $0xFFFE7900  }
0x20: {  	[bflag:$0x0] =	sbarrier.arrive $0xFFFF  }
0x21: {  	[tilespmem:s19], [sflag:$0x1] =	stream.linear.gather [spmem:s2], $0x4000, $0x38;
	[tilespmem:$0x1EB00] =	vst v63  }
0x22: {  	_ =	swait.ge [sflag:s20], $0x4000  }
0x23: {  	[sflag:s20] =	ssyncset.done $0x0  }
0x24: {  	s23 =	simm.s32 $0x18780;
	[sflag:s20] =	ssyncadd.s32 $0xFFFFC000  }
0x25: {  	v1 =	vld [tilespmem:s23+$0xFFFFFF80]  }
0x26: {  	v2 =	vld [tilespmem:s23+$0xFFFFFF90]  }
0x27: {  	v8 =	vld [tilespmem:s23+$0xFFFFFFA0]  }
0x28: {  	v9 =	vld [tilespmem:s23+$0xFFFFFFB0]  }
0x29: {  	v10 =	vld [tilespmem:s23+$0xFFFFFFC0]  }
0x2a: {  	v11 =	vld [tilespmem:s23+$0xFFFFFFD0]  }
0x2b: {  	v12 =	vld [tilespmem:s23+$0xFFFFFFE0]  }
0x2c: {  	v13 =	vld [tilespmem:s23+$0xFFFFFFF0]  }
0x2d: {  	v14 =	vld [tilespmem:s23+$0x0]  }
0x2e: {  	v3 =	vld [tilespmem:s23+$0x10]  }
0x2f: {  	v4 =	vld [tilespmem:s23+$0x20]  }
0x30: {  	v5 =	vld [tilespmem:s23+$0x30]  }
0x31: {  	v6 =	vld [tilespmem:s23+$0x40]  }
0x32: {  	v7 =	vld [tilespmem:s23+$0x50]  }
0x33: {  	v0 =	vld [tilespmem:s23+$0x60]  }
0x34: {  	v15 =	vld [tilespmem:s23+$0x70]  }
0x35: {  	v1 =	vld.idx.msk [tilespmem:v1+s3+$0x0], $0xffff  }
0x36: {  	s25 =	simm.s32 $0x800;
	s24 =	simm.s32 $0x0;
	v2 =	vld.idx.msk [tilespmem:v2+s3+$0x0], $0xffff  }
.LBB2_2:
0x37: {  	p1 =	sne.s32 s25, $0x7800;
	v8 =	vld.idx.msk [tilespmem:v8+s3+$0x0], $0xffff  }
0x38: {  	v9 =	vld.idx.msk [tilespmem:v9+s3+$0x0], $0xffff  }
0x39: {  	v10 =	vld.idx.msk [tilespmem:v10+s3+$0x0], $0xffff  }
0x3a: {  	v11 =	vld.idx.msk [tilespmem:v11+s3+$0x0], $0xffff  }
0x3b: {  	v12 =	vld.idx.msk [tilespmem:v12+s3+$0x0], $0xffff  }
0x3c: {  	v13 =	vld.idx.msk [tilespmem:v13+s3+$0x0], $0xffff  }
0x3d: {  	v14 =	vld.idx.msk [tilespmem:v14+s3+$0x0], $0xffff  }
0x3e: {  	v15 =	vld.idx.msk [tilespmem:v15+s3+$0x0], $0xffff  }
0x3f: {  	v3 =	vld.idx.msk [tilespmem:v3+s3+$0x0], $0xffff  }
0x40: {  	v4 =	vld.idx.msk [tilespmem:v4+s3+$0x0], $0xffff  }
0x41: {  	v5 =	vld.idx.msk [tilespmem:v5+s3+$0x0], $0xffff  }
0x42: {  	v6 =	vld.idx.msk [tilespmem:v6+s3+$0x0], $0xffff  }
0x43: {  	s26 =	sshra.s32 s24, $0x2;
	s24 =	smov.u32 s25;
	v7 =	vld.idx.msk [tilespmem:v7+s3+$0x0], $0xffff  }
0x44: {  	v0 =	vld.idx.msk [tilespmem:v0+s3+$0x0], $0xffff;
	[tilespmem:s26+$0x1C870] =	vst v15  }
0x45: {  	[tilespmem:s26+$0x1C700] =	vst v1  }
0x46: {  	[tilespmem:s26+$0x1C710] =	vst v2  }
0x47: {  	[tilespmem:s26+$0x1C720] =	vst v8  }
0x48: {  	[tilespmem:s26+$0x1C730] =	vst v9  }
0x49: {  	[tilespmem:s26+$0x1C740] =	vst v10  }
0x4a: {  	[tilespmem:s26+$0x1C750] =	vst v11  }
0x4b: {  	[tilespmem:s26+$0x1C760] =	vst v12  }
0x4c: {  	[tilespmem:s26+$0x1C770] =	vst v13  }
0x4d: {  	[tilespmem:s26+$0x1C800] =	vst v14  }
0x4e: {  	[tilespmem:s26+$0x1C810] =	vst v3  }
0x4f: {  	[tilespmem:s26+$0x1C820] =	vst v4  }
0x50: {  	[tilespmem:s26+$0x1C830] =	vst v5  }
0x51: {  	[tilespmem:s26+$0x1C840] =	vst v6  }
0x52: {  	[tilespmem:s26+$0x1C850] =	vst v7  }
0x53: {  	s23 =	sadd.s32 $0x100, s23;
	[tilespmem:s26+$0x1C860] =	vst v0  }
0x54: {  	v1 =	vld [tilespmem:s23+$0xFFFFFF80]  }
0x55: {  	v2 =	vld [tilespmem:s23+$0xFFFFFF90]  }
0x56: {  	v8 =	vld [tilespmem:s23+$0xFFFFFFA0]  }
0x57: {  	v9 =	vld [tilespmem:s23+$0xFFFFFFB0]  }
0x58: {  	v10 =	vld [tilespmem:s23+$0xFFFFFFC0]  }
0x59: {  	v11 =	vld [tilespmem:s23+$0xFFFFFFD0]  }
0x5a: {  	v12 =	vld [tilespmem:s23+$0xFFFFFFE0]  }
0x5b: {  	v13 =	vld [tilespmem:s23+$0xFFFFFFF0]  }
0x5c: {  	v14 =	vld [tilespmem:s23+$0x0]  }
0x5d: {  	v3 =	vld [tilespmem:s23+$0x10]  }
0x5e: {  	v4 =	vld [tilespmem:s23+$0x20]  }
0x5f: {  	v5 =	vld [tilespmem:s23+$0x30]  }
0x60: {  	v6 =	vld [tilespmem:s23+$0x40]  }
.Ltmp0:
0x61: {  	v7 =	vld [tilespmem:s23+$0x50];
	(pc) =	sbr.rel @p1 .LBB2_2-.Ltmp0, $4  }
0x62: {  	v0 =	vld [tilespmem:s23+$0x60]  }
0x63: {  	v15 =	vld [tilespmem:s23+$0x70]  }
0x64: {  	v1 =	vld.idx.msk [tilespmem:v1+s3+$0x0], $0xffff  }
0x65: {  	s25 =	sadd.s32 $0x800, s25;
	v2 =	vld.idx.msk [tilespmem:v2+s3+$0x0], $0xffff  }
0x66: {  	_ =	sdelay $0x3  }
0x67: {  	v8 =	vld.idx.msk [tilespmem:v8+s3+$0x0], $0xffff  }
0x68: {  	v9 =	vld.idx.msk [tilespmem:v9+s3+$0x0], $0xffff  }
0x69: {  	v10 =	vld.idx.msk [tilespmem:v10+s3+$0x0], $0xffff  }
0x6a: {  	v11 =	vld.idx.msk [tilespmem:v11+s3+$0x0], $0xffff  }
0x6b: {  	v12 =	vld.idx.msk [tilespmem:v12+s3+$0x0], $0xffff  }
0x6c: {  	v13 =	vld.idx.msk [tilespmem:v13+s3+$0x0], $0xffff  }
0x6d: {  	v14 =	vld.idx.msk [tilespmem:v14+s3+$0x0], $0xffff  }
0x6e: {  	v3 =	vld.idx.msk [tilespmem:v3+s3+$0x0], $0xffff  }
0x6f: {  	v4 =	vld.idx.msk [tilespmem:v4+s3+$0x0], $0xffff  }
0x70: {  	v5 =	vld.idx.msk [tilespmem:v5+s3+$0x0], $0xffff  }
0x71: {  	v6 =	vld.idx.msk [tilespmem:v6+s3+$0x0], $0xffff  }
0x72: {  	v7 =	vld.idx.msk [tilespmem:v7+s3+$0x0], $0xffff  }
0x73: {  	s23 =	sshra.s32 s24, $0x2;
	v0 =	vld.idx.msk [tilespmem:v0+s3+$0x0], $0xffff  }
0x74: {  	v15 =	vld.idx.msk [tilespmem:v15+s3+$0x0], $0xffff;
	[tilespmem:s23+$0x1C700] =	vst v1  }
0x75: {  	[tilespmem:s23+$0x1C710] =	vst v2  }
0x76: {  	[tilespmem:s23+$0x1C720] =	vst v8  }
0x77: {  	[tilespmem:s23+$0x1C730] =	vst v9  }
0x78: {  	[tilespmem:s23+$0x1C740] =	vst v10  }
0x79: {  	[tilespmem:s23+$0x1C750] =	vst v11  }
0x7a: {  	[tilespmem:s23+$0x1C760] =	vst v12  }
0x7b: {  	[tilespmem:s23+$0x1C770] =	vst v13  }
0x7c: {  	[tilespmem:s23+$0x1C800] =	vst v14  }
0x7d: {  	[tilespmem:s23+$0x1C810] =	vst v3  }
0x7e: {  	[tilespmem:s23+$0x1C820] =	vst v4  }
0x7f: {  	[tilespmem:s23+$0x1C830] =	vst v5  }
0x80: {  	[tilespmem:s23+$0x1C840] =	vst v6  }
0x81: {  	[tilespmem:s23+$0x1C850] =	vst v7  }
0x82: {  	[tilespmem:s23+$0x1C860] =	vst v0  }
0x83: {  	s24 =	simm.s32 $0x1C700;
	s25 =	simm.s32 $0x0;
	[tilespmem:s23+$0x1C870] =	vst v15;
	s23 =	simm.s32 $0x0  }
.LBB2_4:
0x84: {  	p1 =	sne.s32 s25, $0xF80  }
.Ltmp1:
0x85: {  	_ = 	snop;
	(pc) =	sbr.rel @p1 .LBB2_4-.Ltmp1, $4  }
0x86: {  	_ = 	snop  }
0x87: {  	s26 =	sadd.s32 s25, s5  }
0x88: {  	[hbm4b:s26+s23] =	stream.linear.scatter [tilespmem:s24], [sflag:$0x2], $0x80, $0x38;
	[tilespmem:$0x1EB00] =	vst v63  }
0x89: {  	s25 =	sadd.s32 $0x80, s25;
	s24 =	sadd.s32 $0x100, s24  }
0x8a: {  	s24 =	simm.s32 $0x197F0  }
0x8b: {  	v1 =	vld [tilespmem:s24+$0xFFFFFF10]  }
0x8c: {  	v2 =	vld [tilespmem:s24+$0xFFFFFF20]  }
0x8d: {  	v8 =	vld [tilespmem:s24+$0xFFFFFF30]  }
0x8e: {  	v9 =	vld [tilespmem:s24+$0xFFFFFF40]  }
0x8f: {  	v10 =	vld [tilespmem:s24+$0xFFFFFF50]  }
0x90: {  	v11 =	vld [tilespmem:s24+$0xFFFFFF60]  }
0x91: {  	v12 =	vld [tilespmem:s24+$0xFFFFFF70]  }
0x92: {  	v13 =	vld [tilespmem:s24+$0xFFFFFF80]  }
0x93: {  	v14 =	vld [tilespmem:s24+$0xFFFFFF90]  }
0x94: {  	v3 =	vld [tilespmem:s24+$0xFFFFFFA0]  }
0x95: {  	v4 =	vld [tilespmem:s24+$0xFFFFFFB0]  }
0x96: {  	v5 =	vld [tilespmem:s24+$0xFFFFFFC0]  }
0x97: {  	v6 =	vld [tilespmem:s24+$0xFFFFFFD0]  }
0x98: {  	v7 =	vld [tilespmem:s24+$0xFFFFFFE0]  }
0x99: {  	v0 =	vld [tilespmem:s24+$0xFFFFFFF0]  }
0x9a: {  	v15 =	vld [tilespmem:s24+$0x0]  }
0x9b: {  	v1 =	vld.idx.msk [tilespmem:v1+s3+$0x0], $0xffff  }
0x9c: {  	s25 =	simm.s32 $0x800;
	v2 =	vld.idx.msk [tilespmem:v2+s3+$0x0], $0xffff  }
.LBB2_6:
0x9d: {  	p1 =	sne.s32 s25, $0x7800;
	v8 =	vld.idx.msk [tilespmem:v8+s3+$0x0], $0xffff  }
0x9e: {  	v9 =	vld.idx.msk [tilespmem:v9+s3+$0x0], $0xffff  }
0x9f: {  	v10 =	vld.idx.msk [tilespmem:v10+s3+$0x0], $0xffff  }
0xa0: {  	v11 =	vld.idx.msk [tilespmem:v11+s3+$0x0], $0xffff  }
0xa1: {  	v12 =	vld.idx.msk [tilespmem:v12+s3+$0x0], $0xffff  }
0xa2: {  	v13 =	vld.idx.msk [tilespmem:v13+s3+$0x0], $0xffff  }
0xa3: {  	v14 =	vld.idx.msk [tilespmem:v14+s3+$0x0], $0xffff  }
0xa4: {  	v15 =	vld.idx.msk [tilespmem:v15+s3+$0x0], $0xffff  }
0xa5: {  	v3 =	vld.idx.msk [tilespmem:v3+s3+$0x0], $0xffff  }
0xa6: {  	v4 =	vld.idx.msk [tilespmem:v4+s3+$0x0], $0xffff  }
0xa7: {  	v5 =	vld.idx.msk [tilespmem:v5+s3+$0x0], $0xffff  }
0xa8: {  	v6 =	vld.idx.msk [tilespmem:v6+s3+$0x0], $0xffff  }
0xa9: {  	s26 =	sshra.s32 s23, $0x2;
	s23 =	smov.u32 s25;
	v7 =	vld.idx.msk [tilespmem:v7+s3+$0x0], $0xffff  }
0xaa: {  	v0 =	vld.idx.msk [tilespmem:v0+s3+$0x0], $0xffff;
	[tilespmem:s26+$0x1C8F0] =	vst v15  }
0xab: {  	[tilespmem:s26+$0x1C780] =	vst v1  }
0xac: {  	[tilespmem:s26+$0x1C790] =	vst v2  }
0xad: {  	[tilespmem:s26+$0x1C7A0] =	vst v8  }
0xae: {  	[tilespmem:s26+$0x1C7B0] =	vst v9  }
0xaf: {  	[tilespmem:s26+$0x1C7C0] =	vst v10  }
0xb0: {  	[tilespmem:s26+$0x1C7D0] =	vst v11  }
0xb1: {  	[tilespmem:s26+$0x1C7E0] =	vst v12  }
0xb2: {  	[tilespmem:s26+$0x1C7F0] =	vst v13  }
0xb3: {  	[tilespmem:s26+$0x1C880] =	vst v14  }
0xb4: {  	[tilespmem:s26+$0x1C890] =	vst v3  }
0xb5: {  	[tilespmem:s26+$0x1C8A0] =	vst v4  }
0xb6: {  	[tilespmem:s26+$0x1C8B0] =	vst v5  }
0xb7: {  	[tilespmem:s26+$0x1C8C0] =	vst v6  }
0xb8: {  	[tilespmem:s26+$0x1C8D0] =	vst v7  }
0xb9: {  	s24 =	sadd.s32 $0x100, s24;
	[tilespmem:s26+$0x1C8E0] =	vst v0  }
0xba: {  	v1 =	vld [tilespmem:s24+$0xFFFFFF10]  }
0xbb: {  	v2 =	vld [tilespmem:s24+$0xFFFFFF20]  }
0xbc: {  	v8 =	vld [tilespmem:s24+$0xFFFFFF30]  }
0xbd: {  	v9 =	vld [tilespmem:s24+$0xFFFFFF40]  }
0xbe: {  	v10 =	vld [tilespmem:s24+$0xFFFFFF50]  }
0xbf: {  	v11 =	vld [tilespmem:s24+$0xFFFFFF60]  }
0xc0: {  	v12 =	vld [tilespmem:s24+$0xFFFFFF70]  }
0xc1: {  	v13 =	vld [tilespmem:s24+$0xFFFFFF80]  }
0xc2: {  	v14 =	vld [tilespmem:s24+$0xFFFFFF90]  }
0xc3: {  	v3 =	vld [tilespmem:s24+$0xFFFFFFA0]  }
0xc4: {  	v4 =	vld [tilespmem:s24+$0xFFFFFFB0]  }
0xc5: {  	v5 =	vld [tilespmem:s24+$0xFFFFFFC0]  }
0xc6: {  	v6 =	vld [tilespmem:s24+$0xFFFFFFD0]  }
.Ltmp2:
0xc7: {  	v7 =	vld [tilespmem:s24+$0xFFFFFFE0];
	(pc) =	sbr.rel @p1 .LBB2_6-.Ltmp2, $4  }
0xc8: {  	v0 =	vld [tilespmem:s24+$0xFFFFFFF0]  }
0xc9: {  	v15 =	vld [tilespmem:s24+$0x0]  }
0xca: {  	v1 =	vld.idx.msk [tilespmem:v1+s3+$0x0], $0xffff  }
0xcb: {  	s25 =	sadd.s32 $0x800, s25;
	v2 =	vld.idx.msk [tilespmem:v2+s3+$0x0], $0xffff  }
0xcc: {  	_ =	sdelay $0x3  }
0xcd: {  	v8 =	vld.idx.msk [tilespmem:v8+s3+$0x0], $0xffff  }
0xce: {  	v9 =	vld.idx.msk [tilespmem:v9+s3+$0x0], $0xffff  }
0xcf: {  	v10 =	vld.idx.msk [tilespmem:v10+s3+$0x0], $0xffff  }
0xd0: {  	v11 =	vld.idx.msk [tilespmem:v11+s3+$0x0], $0xffff  }
0xd1: {  	v12 =	vld.idx.msk [tilespmem:v12+s3+$0x0], $0xffff  }
0xd2: {  	v13 =	vld.idx.msk [tilespmem:v13+s3+$0x0], $0xffff  }
0xd3: {  	v14 =	vld.idx.msk [tilespmem:v14+s3+$0x0], $0xffff  }
0xd4: {  	v3 =	vld.idx.msk [tilespmem:v3+s3+$0x0], $0xffff  }
0xd5: {  	v4 =	vld.idx.msk [tilespmem:v4+s3+$0x0], $0xffff  }
0xd6: {  	v5 =	vld.idx.msk [tilespmem:v5+s3+$0x0], $0xffff  }
0xd7: {  	v6 =	vld.idx.msk [tilespmem:v6+s3+$0x0], $0xffff  }
0xd8: {  	v7 =	vld.idx.msk [tilespmem:v7+s3+$0x0], $0xffff  }
0xd9: {  	s24 =	sshra.s32 s23, $0x2;
	v0 =	vld.idx.msk [tilespmem:v0+s3+$0x0], $0xffff  }
0xda: {  	v15 =	vld.idx.msk [tilespmem:v15+s3+$0x0], $0xffff;
	[tilespmem:s24+$0x1C780] =	vst v1  }
0xdb: {  	[tilespmem:s24+$0x1C790] =	vst v2  }
0xdc: {  	[tilespmem:s24+$0x1C7A0] =	vst v8  }
0xdd: {  	[tilespmem:s24+$0x1C7B0] =	vst v9  }
0xde: {  	[tilespmem:s24+$0x1C7C0] =	vst v10  }
0xdf: {  	[tilespmem:s24+$0x1C7D0] =	vst v11  }
0xe0: {  	[tilespmem:s24+$0x1C7E0] =	vst v12  }
0xe1: {  	[tilespmem:s24+$0x1C7F0] =	vst v13  }
0xe2: {  	[tilespmem:s24+$0x1C880] =	vst v14  }
0xe3: {  	[tilespmem:s24+$0x1C890] =	vst v3  }
0xe4: {  	[tilespmem:s24+$0x1C8A0] =	vst v4  }
0xe5: {  	[tilespmem:s24+$0x1C8B0] =	vst v5  }
0xe6: {  	[tilespmem:s24+$0x1C8C0] =	vst v6  }
0xe7: {  	[tilespmem:s24+$0x1C8D0] =	vst v7  }
0xe8: {  	s23 =	simm.s32 $0x1C780;
	[tilespmem:s24+$0x1C8E0] =	vst v0  }
0xe9: {  	s26 =	sadd.s32 $0x0, s6;
	s25 =	simm.s32 $0x1C880;
	[tilespmem:s24+$0x1C8F0] =	vst v15;
	s24 =	simm.s32 $0x80  }
.LBB2_8:
0xea: {  	[hbm4b:s26+s3] =	stream.linear.scatter [tilespmem:s23], [sflag:$0x2], $0x80, $0x38;
	[tilespmem:$0x1EB00] =	vst v63  }
0xeb: {  	s26 =	smov.u32 s24;
	s23 =	smov.u32 s25;
	p1 =	sne.s32 s24, $0xF80  }
.Ltmp3:
0xec: {  	s24 =	sadd.s32 $0x80, s24;
	(pc) =	sbr.rel @p1 .LBB2_8-.Ltmp3, $2  }
0xed: {  	_ =	sdelay $0x2  }
0xee: {  	s25 =	sadd.s32 $0x100, s25;
	s26 =	sadd.s32 s26, s6  }
0xef: {  	[hbm4b:s26+s3] =	stream.linear.scatter [tilespmem:s23], [sflag:$0x2], $0x80, $0x38;
	[tilespmem:$0x1EB00] =	vst v63  }
0xf0: {  	_ =	swait.ge [sflag:s21], $0x1000  }
0xf1: {  	[sflag:s21] =	ssyncset.done $0x0  }
0xf2: {  	s23 =	simm.s32 $0x1A7F0;
	[sflag:s21] =	ssyncadd.s32 $0xFFFFF000  }
0xf3: {  	v1 =	vld [tilespmem:s23+$0xFFFFFF10]  }
0xf4: {  	v2 =	vld [tilespmem:s23+$0xFFFFFF20]  }
0xf5: {  	v8 =	vld [tilespmem:s23+$0xFFFFFF30]  }
0xf6: {  	v9 =	vld [tilespmem:s23+$0xFFFFFF40]  }
0xf7: {  	v10 =	vld [tilespmem:s23+$0xFFFFFF50]  }
0xf8: {  	v11 =	vld [tilespmem:s23+$0xFFFFFF60]  }
0xf9: {  	v12 =	vld [tilespmem:s23+$0xFFFFFF70]  }
0xfa: {  	v13 =	vld [tilespmem:s23+$0xFFFFFF80]  }
0xfb: {  	v14 =	vld [tilespmem:s23+$0xFFFFFF90]  }
0xfc: {  	v3 =	vld [tilespmem:s23+$0xFFFFFFA0]  }
0xfd: {  	v4 =	vld [tilespmem:s23+$0xFFFFFFB0]  }
0xfe: {  	v5 =	vld [tilespmem:s23+$0xFFFFFFC0]  }
0xff: {  	v6 =	vld [tilespmem:s23+$0xFFFFFFD0]  }
0x100: {  	v7 =	vld [tilespmem:s23+$0xFFFFFFE0]  }
0x101: {  	v0 =	vld [tilespmem:s23+$0xFFFFFFF0]  }
0x102: {  	v15 =	vld [tilespmem:s23+$0x0]  }
0x103: {  	v1 =	vld.idx.msk [tilespmem:v1+s3+$0x0], $0xffff  }
0x104: {  	s24 =	simm.s32 $0x0;
	s25 =	simm.s32 $0x800;
	v2 =	vld.idx.msk [tilespmem:v2+s3+$0x0], $0xffff  }
.LBB2_10:
0x105: {  	p1 =	sne.s32 s25, $0x7800;
	v8 =	vld.idx.msk [tilespmem:v8+s3+$0x0], $0xffff  }
0x106: {  	v9 =	vld.idx.msk [tilespmem:v9+s3+$0x0], $0xffff  }
0x107: {  	v10 =	vld.idx.msk [tilespmem:v10+s3+$0x0], $0xffff  }
0x108: {  	v11 =	vld.idx.msk [tilespmem:v11+s3+$0x0], $0xffff  }
0x109: {  	v12 =	vld.idx.msk [tilespmem:v12+s3+$0x0], $0xffff  }
0x10a: {  	v13 =	vld.idx.msk [tilespmem:v13+s3+$0x0], $0xffff  }
0x10b: {  	v14 =	vld.idx.msk [tilespmem:v14+s3+$0x0], $0xffff  }
0x10c: {  	v15 =	vld.idx.msk [tilespmem:v15+s3+$0x0], $0xffff  }
0x10d: {  	v3 =	vld.idx.msk [tilespmem:v3+s3+$0x0], $0xffff  }
0x10e: {  	v4 =	vld.idx.msk [tilespmem:v4+s3+$0x0], $0xffff  }
0x10f: {  	v5 =	vld.idx.msk [tilespmem:v5+s3+$0x0], $0xffff  }
0x110: {  	v6 =	vld.idx.msk [tilespmem:v6+s3+$0x0], $0xffff  }
0x111: {  	s26 =	sshra.s32 s24, $0x2;
	s24 =	smov.u32 s25;
	v7 =	vld.idx.msk [tilespmem:v7+s3+$0x0], $0xffff  }
0x112: {  	v0 =	vld.idx.msk [tilespmem:v0+s3+$0x0], $0xffff;
	[tilespmem:s26+$0x1C870] =	vst v15  }
0x113: {  	[tilespmem:s26+$0x1C700] =	vst v1  }
0x114: {  	[tilespmem:s26+$0x1C710] =	vst v2  }
0x115: {  	[tilespmem:s26+$0x1C720] =	vst v8  }
0x116: {  	[tilespmem:s26+$0x1C730] =	vst v9  }
0x117: {  	[tilespmem:s26+$0x1C740] =	vst v10  }
0x118: {  	[tilespmem:s26+$0x1C750] =	vst v11  }
0x119: {  	[tilespmem:s26+$0x1C760] =	vst v12  }
0x11a: {  	[tilespmem:s26+$0x1C770] =	vst v13  }
0x11b: {  	[tilespmem:s26+$0x1C800] =	vst v14  }
0x11c: {  	[tilespmem:s26+$0x1C810] =	vst v3  }
0x11d: {  	[tilespmem:s26+$0x1C820] =	vst v4  }
0x11e: {  	[tilespmem:s26+$0x1C830] =	vst v5  }
0x11f: {  	[tilespmem:s26+$0x1C840] =	vst v6  }
0x120: {  	[tilespmem:s26+$0x1C850] =	vst v7  }
0x121: {  	s23 =	sadd.s32 $0x100, s23;
	[tilespmem:s26+$0x1C860] =	vst v0  }
0x122: {  	v1 =	vld [tilespmem:s23+$0xFFFFFF10]  }
0x123: {  	v2 =	vld [tilespmem:s23+$0xFFFFFF20]  }
0x124: {  	v8 =	vld [tilespmem:s23+$0xFFFFFF30]  }
0x125: {  	v9 =	vld [tilespmem:s23+$0xFFFFFF40]  }
0x126: {  	v10 =	vld [tilespmem:s23+$0xFFFFFF50]  }
0x127: {  	v11 =	vld [tilespmem:s23+$0xFFFFFF60]  }
0x128: {  	v12 =	vld [tilespmem:s23+$0xFFFFFF70]  }
0x129: {  	v13 =	vld [tilespmem:s23+$0xFFFFFF80]  }
0x12a: {  	v14 =	vld [tilespmem:s23+$0xFFFFFF90]  }
0x12b: {  	v3 =	vld [tilespmem:s23+$0xFFFFFFA0]  }
0x12c: {  	v4 =	vld [tilespmem:s23+$0xFFFFFFB0]  }
0x12d: {  	v5 =	vld [tilespmem:s23+$0xFFFFFFC0]  }
0x12e: {  	v6 =	vld [tilespmem:s23+$0xFFFFFFD0]  }
.Ltmp4:
0x12f: {  	v7 =	vld [tilespmem:s23+$0xFFFFFFE0];
	(pc) =	sbr.rel @p1 .LBB2_10-.Ltmp4, $4  }
0x130: {  	v0 =	vld [tilespmem:s23+$0xFFFFFFF0]  }
0x131: {  	v15 =	vld [tilespmem:s23+$0x0]  }
0x132: {  	v1 =	vld.idx.msk [tilespmem:v1+s3+$0x0], $0xffff  }
0x133: {  	s25 =	sadd.s32 $0x800, s25;
	v2 =	vld.idx.msk [tilespmem:v2+s3+$0x0], $0xffff  }
0x134: {  	_ =	sdelay $0x3  }
0x135: {  	v8 =	vld.idx.msk [tilespmem:v8+s3+$0x0], $0xffff  }
0x136: {  	v9 =	vld.idx.msk [tilespmem:v9+s3+$0x0], $0xffff  }
0x137: {  	v10 =	vld.idx.msk [tilespmem:v10+s3+$0x0], $0xffff  }
0x138: {  	v11 =	vld.idx.msk [tilespmem:v11+s3+$0x0], $0xffff  }
0x139: {  	v12 =	vld.idx.msk [tilespmem:v12+s3+$0x0], $0xffff  }
0x13a: {  	v13 =	vld.idx.msk [tilespmem:v13+s3+$0x0], $0xffff  }
0x13b: {  	v14 =	vld.idx.msk [tilespmem:v14+s3+$0x0], $0xffff  }
0x13c: {  	v3 =	vld.idx.msk [tilespmem:v3+s3+$0x0], $0xffff  }
0x13d: {  	v4 =	vld.idx.msk [tilespmem:v4+s3+$0x0], $0xffff  }
0x13e: {  	v5 =	vld.idx.msk [tilespmem:v5+s3+$0x0], $0xffff  }
0x13f: {  	v6 =	vld.idx.msk [tilespmem:v6+s3+$0x0], $0xffff  }
0x140: {  	v7 =	vld.idx.msk [tilespmem:v7+s3+$0x0], $0xffff  }
0x141: {  	s24 =	sshra.s32 s24, $0x2;
	v0 =	vld.idx.msk [tilespmem:v0+s3+$0x0], $0xffff  }
0x142: {  	v15 =	vld.idx.msk [tilespmem:v15+s3+$0x0], $0xffff;
	[tilespmem:s24+$0x1C700] =	vst v1  }
0x143: {  	[tilespmem:s24+$0x1C710] =	vst v2  }
0x144: {  	[tilespmem:s24+$0x1C720] =	vst v8  }
0x145: {  	[tilespmem:s24+$0x1C730] =	vst v9  }
0x146: {  	[tilespmem:s24+$0x1C740] =	vst v10  }
0x147: {  	[tilespmem:s24+$0x1C750] =	vst v11  }
0x148: {  	[tilespmem:s24+$0x1C760] =	vst v12  }
0x149: {  	[tilespmem:s24+$0x1C770] =	vst v13  }
0x14a: {  	[tilespmem:s24+$0x1C800] =	vst v14  }
0x14b: {  	[tilespmem:s24+$0x1C810] =	vst v3  }
0x14c: {  	[tilespmem:s24+$0x1C820] =	vst v4  }
0x14d: {  	[tilespmem:s24+$0x1C830] =	vst v5  }
0x14e: {  	[tilespmem:s24+$0x1C840] =	vst v6  }
0x14f: {  	[tilespmem:s24+$0x1C850] =	vst v7  }
0x150: {  	s23 =	simm.s32 $0x1C700;
	[tilespmem:s24+$0x1C860] =	vst v0  }
0x151: {  	s26 =	sadd.s32 $0x0, s7;
	s25 =	simm.s32 $0x1C800;
	[tilespmem:s24+$0x1C870] =	vst v15;
	s24 =	simm.s32 $0x80  }
.LBB2_12:
0x152: {  	[hbm4b:s26+s3] =	stream.linear.scatter [tilespmem:s23], [sflag:$0x2], $0x80, $0x38;
	[tilespmem:$0x1EB00] =	vst v63  }
0x153: {  	s26 =	smov.u32 s24;
	s23 =	smov.u32 s25;
	p1 =	sne.s32 s24, $0xF80  }
.Ltmp5:
0x154: {  	s24 =	sadd.s32 $0x80, s24;
	(pc) =	sbr.rel @p1 .LBB2_12-.Ltmp5, $2  }
0x155: {  	_ =	sdelay $0x2  }
0x156: {  	s25 =	sadd.s32 $0x100, s25;
	s26 =	sadd.s32 s26, s7  }
0x157: {  	[hbm4b:s26+s3] =	stream.linear.scatter [tilespmem:s23], [sflag:$0x2], $0x80, $0x38;
	[tilespmem:$0x1EB00] =	vst v63  }
0x158: {  	_ =	swait.ge [sflag:s21], $0x1000  }
0x159: {  	[sflag:s21] =	ssyncset.done $0x0  }
0x15a: {  	s23 =	simm.s32 $0x1B7F0;
	[sflag:s21] =	ssyncadd.s32 $0xFFFFF000  }
0x15b: {  	v1 =	vld [tilespmem:s23+$0xFFFFFF10]  }
0x15c: {  	v2 =	vld [tilespmem:s23+$0xFFFFFF20]  }
0x15d: {  	v8 =	vld [tilespmem:s23+$0xFFFFFF30]  }
0x15e: {  	v9 =	vld [tilespmem:s23+$0xFFFFFF40]  }
0x15f: {  	v10 =	vld [tilespmem:s23+$0xFFFFFF50]  }
0x160: {  	v11 =	vld [tilespmem:s23+$0xFFFFFF60]  }
0x161: {  	v12 =	vld [tilespmem:s23+$0xFFFFFF70]  }
0x162: {  	v13 =	vld [tilespmem:s23+$0xFFFFFF80]  }
0x163: {  	v14 =	vld [tilespmem:s23+$0xFFFFFF90]  }
0x164: {  	v3 =	vld [tilespmem:s23+$0xFFFFFFA0]  }
0x165: {  	v4 =	vld [tilespmem:s23+$0xFFFFFFB0]  }
0x166: {  	v5 =	vld [tilespmem:s23+$0xFFFFFFC0]  }
0x167: {  	v6 =	vld [tilespmem:s23+$0xFFFFFFD0]  }
0x168: {  	v7 =	vld [tilespmem:s23+$0xFFFFFFE0]  }
0x169: {  	v0 =	vld [tilespmem:s23+$0xFFFFFFF0]  }
0x16a: {  	v15 =	vld [tilespmem:s23+$0x0]  }
0x16b: {  	v1 =	vld.idx.msk [tilespmem:v1+s3+$0x0], $0xffff  }
0x16c: {  	s24 =	simm.s32 $0x0;
	s25 =	simm.s32 $0x800;
	v2 =	vld.idx.msk [tilespmem:v2+s3+$0x0], $0xffff  }
.LBB2_14:
0x16d: {  	p1 =	sne.s32 s25, $0x7800;
	v8 =	vld.idx.msk [tilespmem:v8+s3+$0x0], $0xffff  }
0x16e: {  	v9 =	vld.idx.msk [tilespmem:v9+s3+$0x0], $0xffff  }
0x16f: {  	v10 =	vld.idx.msk [tilespmem:v10+s3+$0x0], $0xffff  }
0x170: {  	v11 =	vld.idx.msk [tilespmem:v11+s3+$0x0], $0xffff  }
0x171: {  	v12 =	vld.idx.msk [tilespmem:v12+s3+$0x0], $0xffff  }
0x172: {  	v13 =	vld.idx.msk [tilespmem:v13+s3+$0x0], $0xffff  }
0x173: {  	v14 =	vld.idx.msk [tilespmem:v14+s3+$0x0], $0xffff  }
0x174: {  	v15 =	vld.idx.msk [tilespmem:v15+s3+$0x0], $0xffff  }
0x175: {  	v3 =	vld.idx.msk [tilespmem:v3+s3+$0x0], $0xffff  }
0x176: {  	v4 =	vld.idx.msk [tilespmem:v4+s3+$0x0], $0xffff  }
0x177: {  	v5 =	vld.idx.msk [tilespmem:v5+s3+$0x0], $0xffff  }
0x178: {  	v6 =	vld.idx.msk [tilespmem:v6+s3+$0x0], $0xffff  }
0x179: {  	s26 =	sshra.s32 s24, $0x2;
	s24 =	smov.u32 s25;
	v7 =	vld.idx.msk [tilespmem:v7+s3+$0x0], $0xffff  }
0x17a: {  	v0 =	vld.idx.msk [tilespmem:v0+s3+$0x0], $0xffff;
	[tilespmem:s26+$0x1C8F0] =	vst v15  }
0x17b: {  	[tilespmem:s26+$0x1C780] =	vst v1  }
0x17c: {  	[tilespmem:s26+$0x1C790] =	vst v2  }
0x17d: {  	[tilespmem:s26+$0x1C7A0] =	vst v8  }
0x17e: {  	[tilespmem:s26+$0x1C7B0] =	vst v9  }
0x17f: {  	[tilespmem:s26+$0x1C7C0] =	vst v10  }
0x180: {  	[tilespmem:s26+$0x1C7D0] =	vst v11  }
0x181: {  	[tilespmem:s26+$0x1C7E0] =	vst v12  }
0x182: {  	[tilespmem:s26+$0x1C7F0] =	vst v13  }
0x183: {  	[tilespmem:s26+$0x1C880] =	vst v14  }
0x184: {  	[tilespmem:s26+$0x1C890] =	vst v3  }
0x185: {  	[tilespmem:s26+$0x1C8A0] =	vst v4  }
0x186: {  	[tilespmem:s26+$0x1C8B0] =	vst v5  }
0x187: {  	[tilespmem:s26+$0x1C8C0] =	vst v6  }
0x188: {  	[tilespmem:s26+$0x1C8D0] =	vst v7  }
0x189: {  	s23 =	sadd.s32 $0x100, s23;
	[tilespmem:s26+$0x1C8E0] =	vst v0  }
0x18a: {  	v1 =	vld [tilespmem:s23+$0xFFFFFF10]  }
0x18b: {  	v2 =	vld [tilespmem:s23+$0xFFFFFF20]  }
0x18c: {  	v8 =	vld [tilespmem:s23+$0xFFFFFF30]  }
0x18d: {  	v9 =	vld [tilespmem:s23+$0xFFFFFF40]  }
0x18e: {  	v10 =	vld [tilespmem:s23+$0xFFFFFF50]  }
0x18f: {  	v11 =	vld [tilespmem:s23+$0xFFFFFF60]  }
0x190: {  	v12 =	vld [tilespmem:s23+$0xFFFFFF70]  }
0x191: {  	v13 =	vld [tilespmem:s23+$0xFFFFFF80]  }
0x192: {  	v14 =	vld [tilespmem:s23+$0xFFFFFF90]  }
0x193: {  	v3 =	vld [tilespmem:s23+$0xFFFFFFA0]  }
0x194: {  	v4 =	vld [tilespmem:s23+$0xFFFFFFB0]  }
0x195: {  	v5 =	vld [tilespmem:s23+$0xFFFFFFC0]  }
0x196: {  	v6 =	vld [tilespmem:s23+$0xFFFFFFD0]  }
.Ltmp6:
0x197: {  	v7 =	vld [tilespmem:s23+$0xFFFFFFE0];
	(pc) =	sbr.rel @p1 .LBB2_14-.Ltmp6, $4  }
0x198: {  	v0 =	vld [tilespmem:s23+$0xFFFFFFF0]  }
0x199: {  	v15 =	vld [tilespmem:s23+$0x0]  }
0x19a: {  	v1 =	vld.idx.msk [tilespmem:v1+s3+$0x0], $0xffff  }
0x19b: {  	s25 =	sadd.s32 $0x800, s25;
	v2 =	vld.idx.msk [tilespmem:v2+s3+$0x0], $0xffff  }
0x19c: {  	_ =	sdelay $0x3  }
0x19d: {  	v8 =	vld.idx.msk [tilespmem:v8+s3+$0x0], $0xffff  }
0x19e: {  	v9 =	vld.idx.msk [tilespmem:v9+s3+$0x0], $0xffff  }
0x19f: {  	v10 =	vld.idx.msk [tilespmem:v10+s3+$0x0], $0xffff  }
0x1a0: {  	v11 =	vld.idx.msk [tilespmem:v11+s3+$0x0], $0xffff  }
0x1a1: {  	v12 =	vld.idx.msk [tilespmem:v12+s3+$0x0], $0xffff  }
0x1a2: {  	v13 =	vld.idx.msk [tilespmem:v13+s3+$0x0], $0xffff  }
0x1a3: {  	v14 =	vld.idx.msk [tilespmem:v14+s3+$0x0], $0xffff  }
0x1a4: {  	v3 =	vld.idx.msk [tilespmem:v3+s3+$0x0], $0xffff  }
0x1a5: {  	v4 =	vld.idx.msk [tilespmem:v4+s3+$0x0], $0xffff  }
0x1a6: {  	v5 =	vld.idx.msk [tilespmem:v5+s3+$0x0], $0xffff  }
0x1a7: {  	v6 =	vld.idx.msk [tilespmem:v6+s3+$0x0], $0xffff  }
0x1a8: {  	v7 =	vld.idx.msk [tilespmem:v7+s3+$0x0], $0xffff  }
0x1a9: {  	s24 =	sshra.s32 s24, $0x2;
	v0 =	vld.idx.msk [tilespmem:v0+s3+$0x0], $0xffff  }
0x1aa: {  	v15 =	vld.idx.msk [tilespmem:v15+s3+$0x0], $0xffff;
	[tilespmem:s24+$0x1C780] =	vst v1  }
0x1ab: {  	[tilespmem:s24+$0x1C790] =	vst v2  }
0x1ac: {  	[tilespmem:s24+$0x1C7A0] =	vst v8  }
0x1ad: {  	[tilespmem:s24+$0x1C7B0] =	vst v9  }
0x1ae: {  	[tilespmem:s24+$0x1C7C0] =	vst v10  }
0x1af: {  	[tilespmem:s24+$0x1C7D0] =	vst v11  }
0x1b0: {  	[tilespmem:s24+$0x1C7E0] =	vst v12  }
0x1b1: {  	[tilespmem:s24+$0x1C7F0] =	vst v13  }
0x1b2: {  	[tilespmem:s24+$0x1C880] =	vst v14  }
0x1b3: {  	[tilespmem:s24+$0x1C890] =	vst v3  }
0x1b4: {  	[tilespmem:s24+$0x1C8A0] =	vst v4  }
0x1b5: {  	[tilespmem:s24+$0x1C8B0] =	vst v5  }
0x1b6: {  	[tilespmem:s24+$0x1C8C0] =	vst v6  }
0x1b7: {  	[tilespmem:s24+$0x1C8D0] =	vst v7  }
0x1b8: {  	s23 =	simm.s32 $0x1C780;
	[tilespmem:s24+$0x1C8E0] =	vst v0  }
0x1b9: {  	s26 =	sadd.s32 $0x0, s8;
	s25 =	simm.s32 $0x1C880;
	[tilespmem:s24+$0x1C8F0] =	vst v15;
	s24 =	simm.s32 $0x80  }
.LBB2_16:
0x1ba: {  	[hbm4b:s26+s3] =	stream.linear.scatter [tilespmem:s23], [sflag:$0x2], $0x80, $0x38;
	[tilespmem:$0x1EB00] =	vst v63  }
0x1bb: {  	s26 =	smov.u32 s24;
	s23 =	smov.u32 s25;
	p1 =	sne.s32 s24, $0xF80  }
.Ltmp7:
0x1bc: {  	s24 =	sadd.s32 $0x80, s24;
	(pc) =	sbr.rel @p1 .LBB2_16-.Ltmp7, $2  }
0x1bd: {  	_ =	sdelay $0x2  }
0x1be: {  	s25 =	sadd.s32 $0x100, s25;
	s26 =	sadd.s32 s26, s8  }
0x1bf: {  	[hbm4b:s26+s3] =	stream.linear.scatter [tilespmem:s23], [sflag:$0x2], $0x80, $0x38;
	[tilespmem:$0x1EB00] =	vst v63  }
0x1c0: {  	s23 =	simm.s32 $0x0  }
0x1c1: {  	[tilespmem:s23], [sflag:$0x3] =	stream.strided.gather [hbm4b:s9+s16], $0x18700, s17, s16, $0x38;
	[tilespmem:$0x1EB00] =	vst v63  }
0x1c2: {  	_ =	swait.ge [sflag:s18], $0x18700  }
0x1c3: {  	[sflag:s18] =	ssyncset.done $0x0  }
0x1c4: {  	[sflag:s18] =	ssyncadd.s32 $0xFFFE7900  }
0x1c5: {  	_ =	swait.ge [sflag:s21], $0x1000  }
0x1c6: {  	[sflag:s21] =	ssyncset.done $0x0  }
0x1c7: {  	s24 =	simm.s32 $0x18780;
	[sflag:s21] =	ssyncadd.s32 $0xFFFFF000  }
0x1c8: {  	v1 =	vld [tilespmem:s24+$0xFFFFFF80]  }
0x1c9: {  	v2 =	vld [tilespmem:s24+$0xFFFFFF90]  }
0x1ca: {  	v8 =	vld [tilespmem:s24+$0xFFFFFFA0]  }
0x1cb: {  	v9 =	vld [tilespmem:s24+$0xFFFFFFB0]  }
0x1cc: {  	v10 =	vld [tilespmem:s24+$0xFFFFFFC0]  }
0x1cd: {  	v11 =	vld [tilespmem:s24+$0xFFFFFFD0]  }
0x1ce: {  	v12 =	vld [tilespmem:s24+$0xFFFFFFE0]  }
0x1cf: {  	v13 =	vld [tilespmem:s24+$0xFFFFFFF0]  }
0x1d0: {  	v14 =	vld [tilespmem:s24+$0x0]  }
0x1d1: {  	v3 =	vld [tilespmem:s24+$0x10]  }
0x1d2: {  	v4 =	vld [tilespmem:s24+$0x20]  }
0x1d3: {  	v5 =	vld [tilespmem:s24+$0x30]  }
0x1d4: {  	v6 =	vld [tilespmem:s24+$0x40]  }
0x1d5: {  	v7 =	vld [tilespmem:s24+$0x50]  }
0x1d6: {  	v0 =	vld [tilespmem:s24+$0x60]  }
0x1d7: {  	v15 =	vld [tilespmem:s24+$0x70]  }
0x1d8: {  	v1 =	vld.idx.msk [tilespmem:v1+s3+$0x0], $0xffff  }
0x1d9: {  	s25 =	simm.s32 $0x800;
	v2 =	vld.idx.msk [tilespmem:v2+s3+$0x0], $0xffff  }
.LBB2_18:
0x1da: {  	p1 =	sne.s32 s25, $0x7800;
	v8 =	vld.idx.msk [tilespmem:v8+s3+$0x0], $0xffff  }
0x1db: {  	v9 =	vld.idx.msk [tilespmem:v9+s3+$0x0], $0xffff  }
0x1dc: {  	v10 =	vld.idx.msk [tilespmem:v10+s3+$0x0], $0xffff  }
0x1dd: {  	v11 =	vld.idx.msk [tilespmem:v11+s3+$0x0], $0xffff  }
0x1de: {  	v12 =	vld.idx.msk [tilespmem:v12+s3+$0x0], $0xffff  }
0x1df: {  	v13 =	vld.idx.msk [tilespmem:v13+s3+$0x0], $0xffff  }
0x1e0: {  	v14 =	vld.idx.msk [tilespmem:v14+s3+$0x0], $0xffff  }
0x1e1: {  	v15 =	vld.idx.msk [tilespmem:v15+s3+$0x0], $0xffff  }
0x1e2: {  	v3 =	vld.idx.msk [tilespmem:v3+s3+$0x0], $0xffff  }
0x1e3: {  	v4 =	vld.idx.msk [tilespmem:v4+s3+$0x0], $0xffff  }
0x1e4: {  	v5 =	vld.idx.msk [tilespmem:v5+s3+$0x0], $0xffff  }
0x1e5: {  	v6 =	vld.idx.msk [tilespmem:v6+s3+$0x0], $0xffff  }
0x1e6: {  	s26 =	sshra.s32 s23, $0x2;
	s23 =	smov.u32 s25;
	v7 =	vld.idx.msk [tilespmem:v7+s3+$0x0], $0xffff  }
0x1e7: {  	v0 =	vld.idx.msk [tilespmem:v0+s3+$0x0], $0xffff;
	[tilespmem:s26+$0x1C870] =	vst v15  }
0x1e8: {  	[tilespmem:s26+$0x1C700] =	vst v1  }
0x1e9: {  	[tilespmem:s26+$0x1C710] =	vst v2  }
0x1ea: {  	[tilespmem:s26+$0x1C720] =	vst v8  }
0x1eb: {  	[tilespmem:s26+$0x1C730] =	vst v9  }
0x1ec: {  	[tilespmem:s26+$0x1C740] =	vst v10  }
0x1ed: {  	[tilespmem:s26+$0x1C750] =	vst v11  }
0x1ee: {  	[tilespmem:s26+$0x1C760] =	vst v12  }
0x1ef: {  	[tilespmem:s26+$0x1C770] =	vst v13  }
0x1f0: {  	[tilespmem:s26+$0x1C800] =	vst v14  }
0x1f1: {  	[tilespmem:s26+$0x1C810] =	vst v3  }
0x1f2: {  	[tilespmem:s26+$0x1C820] =	vst v4  }
0x1f3: {  	[tilespmem:s26+$0x1C830] =	vst v5  }
0x1f4: {  	[tilespmem:s26+$0x1C840] =	vst v6  }
0x1f5: {  	[tilespmem:s26+$0x1C850] =	vst v7  }
0x1f6: {  	s24 =	sadd.s32 $0x100, s24;
	[tilespmem:s26+$0x1C860] =	vst v0  }
0x1f7: {  	v1 =	vld [tilespmem:s24+$0xFFFFFF80]  }
0x1f8: {  	v2 =	vld [tilespmem:s24+$0xFFFFFF90]  }
0x1f9: {  	v8 =	vld [tilespmem:s24+$0xFFFFFFA0]  }
0x1fa: {  	v9 =	vld [tilespmem:s24+$0xFFFFFFB0]  }
0x1fb: {  	v10 =	vld [tilespmem:s24+$0xFFFFFFC0]  }
0x1fc: {  	v11 =	vld [tilespmem:s24+$0xFFFFFFD0]  }
0x1fd: {  	v12 =	vld [tilespmem:s24+$0xFFFFFFE0]  }
0x1fe: {  	v13 =	vld [tilespmem:s24+$0xFFFFFFF0]  }
0x1ff: {  	v14 =	vld [tilespmem:s24+$0x0]  }
0x200: {  	v3 =	vld [tilespmem:s24+$0x10]  }
0x201: {  	v4 =	vld [tilespmem:s24+$0x20]  }
0x202: {  	v5 =	vld [tilespmem:s24+$0x30]  }
0x203: {  	v6 =	vld [tilespmem:s24+$0x40]  }
.Ltmp8:
0x204: {  	v7 =	vld [tilespmem:s24+$0x50];
	(pc) =	sbr.rel @p1 .LBB2_18-.Ltmp8, $4  }
0x205: {  	v0 =	vld [tilespmem:s24+$0x60]  }
0x206: {  	v15 =	vld [tilespmem:s24+$0x70]  }
0x207: {  	v1 =	vld.idx.msk [tilespmem:v1+s3+$0x0], $0xffff  }
0x208: {  	s25 =	sadd.s32 $0x800, s25;
	v2 =	vld.idx.msk [tilespmem:v2+s3+$0x0], $0xffff  }
0x209: {  	_ =	sdelay $0x3  }
0x20a: {  	v8 =	vld.idx.msk [tilespmem:v8+s3+$0x0], $0xffff  }
0x20b: {  	v9 =	vld.idx.msk [tilespmem:v9+s3+$0x0], $0xffff  }
0x20c: {  	v10 =	vld.idx.msk [tilespmem:v10+s3+$0x0], $0xffff  }
0x20d: {  	v11 =	vld.idx.msk [tilespmem:v11+s3+$0x0], $0xffff  }
0x20e: {  	v12 =	vld.idx.msk [tilespmem:v12+s3+$0x0], $0xffff  }
0x20f: {  	v13 =	vld.idx.msk [tilespmem:v13+s3+$0x0], $0xffff  }
0x210: {  	v14 =	vld.idx.msk [tilespmem:v14+s3+$0x0], $0xffff  }
0x211: {  	v3 =	vld.idx.msk [tilespmem:v3+s3+$0x0], $0xffff  }
0x212: {  	v4 =	vld.idx.msk [tilespmem:v4+s3+$0x0], $0xffff  }
0x213: {  	v5 =	vld.idx.msk [tilespmem:v5+s3+$0x0], $0xffff  }
0x214: {  	v6 =	vld.idx.msk [tilespmem:v6+s3+$0x0], $0xffff  }
0x215: {  	v7 =	vld.idx.msk [tilespmem:v7+s3+$0x0], $0xffff  }
0x216: {  	s24 =	sshra.s32 s23, $0x2;
	v0 =	vld.idx.msk [tilespmem:v0+s3+$0x0], $0xffff  }
0x217: {  	v15 =	vld.idx.msk [tilespmem:v15+s3+$0x0], $0xffff;
	[tilespmem:s24+$0x1C700] =	vst v1  }
0x218: {  	[tilespmem:s24+$0x1C710] =	vst v2  }
0x219: {  	[tilespmem:s24+$0x1C720] =	vst v8  }
0x21a: {  	[tilespmem:s24+$0x1C730] =	vst v9  }
0x21b: {  	[tilespmem:s24+$0x1C740] =	vst v10  }
0x21c: {  	[tilespmem:s24+$0x1C750] =	vst v11  }
0x21d: {  	[tilespmem:s24+$0x1C760] =	vst v12  }
0x21e: {  	[tilespmem:s24+$0x1C770] =	vst v13  }
0x21f: {  	[tilespmem:s24+$0x1C800] =	vst v14  }
0x220: {  	[tilespmem:s24+$0x1C810] =	vst v3  }
0x221: {  	[tilespmem:s24+$0x1C820] =	vst v4  }
0x222: {  	[tilespmem:s24+$0x1C830] =	vst v5  }
0x223: {  	[tilespmem:s24+$0x1C840] =	vst v6  }
0x224: {  	[tilespmem:s24+$0x1C850] =	vst v7  }
0x225: {  	s23 =	simm.s32 $0x1C700;
	[tilespmem:s24+$0x1C860] =	vst v0  }
0x226: {  	s26 =	sadd.s32 $0x0, s10;
	s25 =	simm.s32 $0x1C800;
	[tilespmem:s24+$0x1C870] =	vst v15;
	s24 =	simm.s32 $0x80  }
.LBB2_20:
0x227: {  	[hbm4b:s26+s3] =	stream.linear.scatter [tilespmem:s23], [sflag:$0x2], $0x80, $0x38;
	[tilespmem:$0x1EB00] =	vst v63  }
0x228: {  	s26 =	smov.u32 s24;
	s23 =	smov.u32 s25;
	p1 =	sne.s32 s24, $0xF80  }
.Ltmp9:
0x229: {  	s24 =	sadd.s32 $0x80, s24;
	(pc) =	sbr.rel @p1 .LBB2_20-.Ltmp9, $2  }
0x22a: {  	_ =	sdelay $0x2  }
0x22b: {  	s25 =	sadd.s32 $0x100, s25;
	s26 =	sadd.s32 s26, s10  }
0x22c: {  	[hbm4b:s26+s3] =	stream.linear.scatter [tilespmem:s23], [sflag:$0x2], $0x80, $0x38;
	[tilespmem:$0x1EB00] =	vst v63  }
0x22d: {  	_ =	swait.ge [sflag:s21], $0x1000  }
0x22e: {  	[sflag:s21] =	ssyncset.done $0x0  }
0x22f: {  	s23 =	simm.s32 $0x197F0;
	[sflag:s21] =	ssyncadd.s32 $0xFFFFF000  }
0x230: {  	v1 =	vld [tilespmem:s23+$0xFFFFFF10]  }
0x231: {  	v2 =	vld [tilespmem:s23+$0xFFFFFF20]  }
0x232: {  	v8 =	vld [tilespmem:s23+$0xFFFFFF30]  }
0x233: {  	v9 =	vld [tilespmem:s23+$0xFFFFFF40]  }
0x234: {  	v10 =	vld [tilespmem:s23+$0xFFFFFF50]  }
0x235: {  	v11 =	vld [tilespmem:s23+$0xFFFFFF60]  }
0x236: {  	v12 =	vld [tilespmem:s23+$0xFFFFFF70]  }
0x237: {  	v13 =	vld [tilespmem:s23+$0xFFFFFF80]  }
0x238: {  	v14 =	vld [tilespmem:s23+$0xFFFFFF90]  }
0x239: {  	v3 =	vld [tilespmem:s23+$0xFFFFFFA0]  }
0x23a: {  	v4 =	vld [tilespmem:s23+$0xFFFFFFB0]  }
0x23b: {  	v5 =	vld [tilespmem:s23+$0xFFFFFFC0]  }
0x23c: {  	v6 =	vld [tilespmem:s23+$0xFFFFFFD0]  }
0x23d: {  	v7 =	vld [tilespmem:s23+$0xFFFFFFE0]  }
0x23e: {  	v0 =	vld [tilespmem:s23+$0xFFFFFFF0]  }
0x23f: {  	v15 =	vld [tilespmem:s23+$0x0]  }
0x240: {  	v1 =	vld.idx.msk [tilespmem:v1+s3+$0x0], $0xffff  }
0x241: {  	s24 =	simm.s32 $0x0;
	s25 =	simm.s32 $0x800;
	v2 =	vld.idx.msk [tilespmem:v2+s3+$0x0], $0xffff  }
.LBB2_22:
0x242: {  	p1 =	sne.s32 s25, $0x7800;
	v8 =	vld.idx.msk [tilespmem:v8+s3+$0x0], $0xffff  }
0x243: {  	v9 =	vld.idx.msk [tilespmem:v9+s3+$0x0], $0xffff  }
0x244: {  	v10 =	vld.idx.msk [tilespmem:v10+s3+$0x0], $0xffff  }
0x245: {  	v11 =	vld.idx.msk [tilespmem:v11+s3+$0x0], $0xffff  }
0x246: {  	v12 =	vld.idx.msk [tilespmem:v12+s3+$0x0], $0xffff  }
0x247: {  	v13 =	vld.idx.msk [tilespmem:v13+s3+$0x0], $0xffff  }
0x248: {  	v14 =	vld.idx.msk [tilespmem:v14+s3+$0x0], $0xffff  }
0x249: {  	v15 =	vld.idx.msk [tilespmem:v15+s3+$0x0], $0xffff  }
0x24a: {  	v3 =	vld.idx.msk [tilespmem:v3+s3+$0x0], $0xffff  }
0x24b: {  	v4 =	vld.idx.msk [tilespmem:v4+s3+$0x0], $0xffff  }
0x24c: {  	v5 =	vld.idx.msk [tilespmem:v5+s3+$0x0], $0xffff  }
0x24d: {  	v6 =	vld.idx.msk [tilespmem:v6+s3+$0x0], $0xffff  }
0x24e: {  	s26 =	sshra.s32 s24, $0x2;
	s24 =	smov.u32 s25;
	v7 =	vld.idx.msk [tilespmem:v7+s3+$0x0], $0xffff  }
0x24f: {  	v0 =	vld.idx.msk [tilespmem:v0+s3+$0x0], $0xffff;
	[tilespmem:s26+$0x1C8F0] =	vst v15  }
0x250: {  	[tilespmem:s26+$0x1C780] =	vst v1  }
0x251: {  	[tilespmem:s26+$0x1C790] =	vst v2  }
0x252: {  	[tilespmem:s26+$0x1C7A0] =	vst v8  }
0x253: {  	[tilespmem:s26+$0x1C7B0] =	vst v9  }
0x254: {  	[tilespmem:s26+$0x1C7C0] =	vst v10  }
0x255: {  	[tilespmem:s26+$0x1C7D0] =	vst v11  }
0x256: {  	[tilespmem:s26+$0x1C7E0] =	vst v12  }
0x257: {  	[tilespmem:s26+$0x1C7F0] =	vst v13  }
0x258: {  	[tilespmem:s26+$0x1C880] =	vst v14  }
0x259: {  	[tilespmem:s26+$0x1C890] =	vst v3  }
0x25a: {  	[tilespmem:s26+$0x1C8A0] =	vst v4  }
0x25b: {  	[tilespmem:s26+$0x1C8B0] =	vst v5  }
0x25c: {  	[tilespmem:s26+$0x1C8C0] =	vst v6  }
0x25d: {  	[tilespmem:s26+$0x1C8D0] =	vst v7  }
0x25e: {  	s23 =	sadd.s32 $0x100, s23;
	[tilespmem:s26+$0x1C8E0] =	vst v0  }
0x25f: {  	v1 =	vld [tilespmem:s23+$0xFFFFFF10]  }
0x260: {  	v2 =	vld [tilespmem:s23+$0xFFFFFF20]  }
0x261: {  	v8 =	vld [tilespmem:s23+$0xFFFFFF30]  }
0x262: {  	v9 =	vld [tilespmem:s23+$0xFFFFFF40]  }
0x263: {  	v10 =	vld [tilespmem:s23+$0xFFFFFF50]  }
0x264: {  	v11 =	vld [tilespmem:s23+$0xFFFFFF60]  }
0x265: {  	v12 =	vld [tilespmem:s23+$0xFFFFFF70]  }
0x266: {  	v13 =	vld [tilespmem:s23+$0xFFFFFF80]  }
0x267: {  	v14 =	vld [tilespmem:s23+$0xFFFFFF90]  }
0x268: {  	v3 =	vld [tilespmem:s23+$0xFFFFFFA0]  }
0x269: {  	v4 =	vld [tilespmem:s23+$0xFFFFFFB0]  }
0x26a: {  	v5 =	vld [tilespmem:s23+$0xFFFFFFC0]  }
0x26b: {  	v6 =	vld [tilespmem:s23+$0xFFFFFFD0]  }
.Ltmp10:
0x26c: {  	v7 =	vld [tilespmem:s23+$0xFFFFFFE0];
	(pc) =	sbr.rel @p1 .LBB2_22-.Ltmp10, $4  }
0x26d: {  	v0 =	vld [tilespmem:s23+$0xFFFFFFF0]  }
0x26e: {  	v15 =	vld [tilespmem:s23+$0x0]  }
0x26f: {  	v1 =	vld.idx.msk [tilespmem:v1+s3+$0x0], $0xffff  }
0x270: {  	s25 =	sadd.s32 $0x800, s25;
	v2 =	vld.idx.msk [tilespmem:v2+s3+$0x0], $0xffff  }
0x271: {  	_ =	sdelay $0x3  }
0x272: {  	v8 =	vld.idx.msk [tilespmem:v8+s3+$0x0], $0xffff  }
0x273: {  	v9 =	vld.idx.msk [tilespmem:v9+s3+$0x0], $0xffff  }
0x274: {  	v10 =	vld.idx.msk [tilespmem:v10+s3+$0x0], $0xffff  }
0x275: {  	v11 =	vld.idx.msk [tilespmem:v11+s3+$0x0], $0xffff  }
0x276: {  	v12 =	vld.idx.msk [tilespmem:v12+s3+$0x0], $0xffff  }
0x277: {  	v13 =	vld.idx.msk [tilespmem:v13+s3+$0x0], $0xffff  }
0x278: {  	v14 =	vld.idx.msk [tilespmem:v14+s3+$0x0], $0xffff  }
0x279: {  	v3 =	vld.idx.msk [tilespmem:v3+s3+$0x0], $0xffff  }
0x27a: {  	v4 =	vld.idx.msk [tilespmem:v4+s3+$0x0], $0xffff  }
0x27b: {  	v5 =	vld.idx.msk [tilespmem:v5+s3+$0x0], $0xffff  }
0x27c: {  	v6 =	vld.idx.msk [tilespmem:v6+s3+$0x0], $0xffff  }
0x27d: {  	v7 =	vld.idx.msk [tilespmem:v7+s3+$0x0], $0xffff  }
0x27e: {  	s24 =	sshra.s32 s24, $0x2;
	v0 =	vld.idx.msk [tilespmem:v0+s3+$0x0], $0xffff  }
0x27f: {  	v15 =	vld.idx.msk [tilespmem:v15+s3+$0x0], $0xffff;
	[tilespmem:s24+$0x1C780] =	vst v1  }
0x280: {  	[tilespmem:s24+$0x1C790] =	vst v2  }
0x281: {  	[tilespmem:s24+$0x1C7A0] =	vst v8  }
0x282: {  	[tilespmem:s24+$0x1C7B0] =	vst v9  }
0x283: {  	[tilespmem:s24+$0x1C7C0] =	vst v10  }
0x284: {  	[tilespmem:s24+$0x1C7D0] =	vst v11  }
0x285: {  	[tilespmem:s24+$0x1C7E0] =	vst v12  }
0x286: {  	[tilespmem:s24+$0x1C7F0] =	vst v13  }
0x287: {  	[tilespmem:s24+$0x1C880] =	vst v14  }
0x288: {  	[tilespmem:s24+$0x1C890] =	vst v3  }
0x289: {  	[tilespmem:s24+$0x1C8A0] =	vst v4  }
0x28a: {  	[tilespmem:s24+$0x1C8B0] =	vst v5  }
0x28b: {  	[tilespmem:s24+$0x1C8C0] =	vst v6  }
0x28c: {  	[tilespmem:s24+$0x1C8D0] =	vst v7  }
0x28d: {  	s23 =	simm.s32 $0x1C780;
	[tilespmem:s24+$0x1C8E0] =	vst v0  }
0x28e: {  	s26 =	sadd.s32 $0x0, s11;
	s25 =	simm.s32 $0x1C880;
	[tilespmem:s24+$0x1C8F0] =	vst v15;
	s24 =	simm.s32 $0x80  }
.LBB2_24:
0x28f: {  	[hbm4b:s26+s3] =	stream.linear.scatter [tilespmem:s23], [sflag:$0x2], $0x80, $0x38;
	[tilespmem:$0x1EB00] =	vst v63  }
0x290: {  	s26 =	smov.u32 s24;
	s23 =	smov.u32 s25;
	p1 =	sne.s32 s24, $0xF80  }
.Ltmp11:
0x291: {  	s24 =	sadd.s32 $0x80, s24;
	(pc) =	sbr.rel @p1 .LBB2_24-.Ltmp11, $2  }
0x292: {  	_ =	sdelay $0x2  }
0x293: {  	s25 =	sadd.s32 $0x100, s25;
	s26 =	sadd.s32 s26, s11  }
0x294: {  	[hbm4b:s26+s3] =	stream.linear.scatter [tilespmem:s23], [sflag:$0x2], $0x80, $0x38;
	[tilespmem:$0x1EB00] =	vst v63  }
0x295: {  	_ =	swait.ge [sflag:s21], $0x1000  }
0x296: {  	[sflag:s21] =	ssyncset.done $0x0  }
0x297: {  	s23 =	simm.s32 $0x1A7F0;
	[sflag:s21] =	ssyncadd.s32 $0xFFFFF000  }
0x298: {  	v1 =	vld [tilespmem:s23+$0xFFFFFF10]  }
0x299: {  	v2 =	vld [tilespmem:s23+$0xFFFFFF20]  }
0x29a: {  	v8 =	vld [tilespmem:s23+$0xFFFFFF30]  }
0x29b: {  	v9 =	vld [tilespmem:s23+$0xFFFFFF40]  }
0x29c: {  	v10 =	vld [tilespmem:s23+$0xFFFFFF50]  }
0x29d: {  	v11 =	vld [tilespmem:s23+$0xFFFFFF60]  }
0x29e: {  	v12 =	vld [tilespmem:s23+$0xFFFFFF70]  }
0x29f: {  	v13 =	vld [tilespmem:s23+$0xFFFFFF80]  }
0x2a0: {  	v14 =	vld [tilespmem:s23+$0xFFFFFF90]  }
0x2a1: {  	v3 =	vld [tilespmem:s23+$0xFFFFFFA0]  }
0x2a2: {  	v4 =	vld [tilespmem:s23+$0xFFFFFFB0]  }
0x2a3: {  	v5 =	vld [tilespmem:s23+$0xFFFFFFC0]  }
0x2a4: {  	v6 =	vld [tilespmem:s23+$0xFFFFFFD0]  }
0x2a5: {  	v7 =	vld [tilespmem:s23+$0xFFFFFFE0]  }
0x2a6: {  	v0 =	vld [tilespmem:s23+$0xFFFFFFF0]  }
0x2a7: {  	v15 =	vld [tilespmem:s23+$0x0]  }
0x2a8: {  	v1 =	vld.idx.msk [tilespmem:v1+s3+$0x0], $0xffff  }
0x2a9: {  	s24 =	simm.s32 $0x0;
	s25 =	simm.s32 $0x800;
	v2 =	vld.idx.msk [tilespmem:v2+s3+$0x0], $0xffff  }
.LBB2_26:
0x2aa: {  	p1 =	sne.s32 s25, $0x7800;
	v8 =	vld.idx.msk [tilespmem:v8+s3+$0x0], $0xffff  }
0x2ab: {  	v9 =	vld.idx.msk [tilespmem:v9+s3+$0x0], $0xffff  }
0x2ac: {  	v10 =	vld.idx.msk [tilespmem:v10+s3+$0x0], $0xffff  }
0x2ad: {  	v11 =	vld.idx.msk [tilespmem:v11+s3+$0x0], $0xffff  }
0x2ae: {  	v12 =	vld.idx.msk [tilespmem:v12+s3+$0x0], $0xffff  }
0x2af: {  	v13 =	vld.idx.msk [tilespmem:v13+s3+$0x0], $0xffff  }
0x2b0: {  	v14 =	vld.idx.msk [tilespmem:v14+s3+$0x0], $0xffff  }
0x2b1: {  	v15 =	vld.idx.msk [tilespmem:v15+s3+$0x0], $0xffff  }
0x2b2: {  	v3 =	vld.idx.msk [tilespmem:v3+s3+$0x0], $0xffff  }
0x2b3: {  	v4 =	vld.idx.msk [tilespmem:v4+s3+$0x0], $0xffff  }
0x2b4: {  	v5 =	vld.idx.msk [tilespmem:v5+s3+$0x0], $0xffff  }
0x2b5: {  	v6 =	vld.idx.msk [tilespmem:v6+s3+$0x0], $0xffff  }
0x2b6: {  	s26 =	sshra.s32 s24, $0x2;
	s24 =	smov.u32 s25;
	v7 =	vld.idx.msk [tilespmem:v7+s3+$0x0], $0xffff  }
0x2b7: {  	v0 =	vld.idx.msk [tilespmem:v0+s3+$0x0], $0xffff;
	[tilespmem:s26+$0x1C870] =	vst v15  }
0x2b8: {  	[tilespmem:s26+$0x1C700] =	vst v1  }
0x2b9: {  	[tilespmem:s26+$0x1C710] =	vst v2  }
0x2ba: {  	[tilespmem:s26+$0x1C720] =	vst v8  }
0x2bb: {  	[tilespmem:s26+$0x1C730] =	vst v9  }
0x2bc: {  	[tilespmem:s26+$0x1C740] =	vst v10  }
0x2bd: {  	[tilespmem:s26+$0x1C750] =	vst v11  }
0x2be: {  	[tilespmem:s26+$0x1C760] =	vst v12  }
0x2bf: {  	[tilespmem:s26+$0x1C770] =	vst v13  }
0x2c0: {  	[tilespmem:s26+$0x1C800] =	vst v14  }
0x2c1: {  	[tilespmem:s26+$0x1C810] =	vst v3  }
0x2c2: {  	[tilespmem:s26+$0x1C820] =	vst v4  }
0x2c3: {  	[tilespmem:s26+$0x1C830] =	vst v5  }
0x2c4: {  	[tilespmem:s26+$0x1C840] =	vst v6  }
0x2c5: {  	[tilespmem:s26+$0x1C850] =	vst v7  }
0x2c6: {  	s23 =	sadd.s32 $0x100, s23;
	[tilespmem:s26+$0x1C860] =	vst v0  }
0x2c7: {  	v1 =	vld [tilespmem:s23+$0xFFFFFF10]  }
0x2c8: {  	v2 =	vld [tilespmem:s23+$0xFFFFFF20]  }
0x2c9: {  	v8 =	vld [tilespmem:s23+$0xFFFFFF30]  }
0x2ca: {  	v9 =	vld [tilespmem:s23+$0xFFFFFF40]  }
0x2cb: {  	v10 =	vld [tilespmem:s23+$0xFFFFFF50]  }
0x2cc: {  	v11 =	vld [tilespmem:s23+$0xFFFFFF60]  }
0x2cd: {  	v12 =	vld [tilespmem:s23+$0xFFFFFF70]  }
0x2ce: {  	v13 =	vld [tilespmem:s23+$0xFFFFFF80]  }
0x2cf: {  	v14 =	vld [tilespmem:s23+$0xFFFFFF90]  }
0x2d0: {  	v3 =	vld [tilespmem:s23+$0xFFFFFFA0]  }
0x2d1: {  	v4 =	vld [tilespmem:s23+$0xFFFFFFB0]  }
0x2d2: {  	v5 =	vld [tilespmem:s23+$0xFFFFFFC0]  }
0x2d3: {  	v6 =	vld [tilespmem:s23+$0xFFFFFFD0]  }
.Ltmp12:
0x2d4: {  	v7 =	vld [tilespmem:s23+$0xFFFFFFE0];
	(pc) =	sbr.rel @p1 .LBB2_26-.Ltmp12, $4  }
0x2d5: {  	v0 =	vld [tilespmem:s23+$0xFFFFFFF0]  }
0x2d6: {  	v15 =	vld [tilespmem:s23+$0x0]  }
0x2d7: {  	v1 =	vld.idx.msk [tilespmem:v1+s3+$0x0], $0xffff  }
0x2d8: {  	s25 =	sadd.s32 $0x800, s25;
	v2 =	vld.idx.msk [tilespmem:v2+s3+$0x0], $0xffff  }
0x2d9: {  	_ =	sdelay $0x3  }
0x2da: {  	v8 =	vld.idx.msk [tilespmem:v8+s3+$0x0], $0xffff  }
0x2db: {  	v9 =	vld.idx.msk [tilespmem:v9+s3+$0x0], $0xffff  }
0x2dc: {  	v10 =	vld.idx.msk [tilespmem:v10+s3+$0x0], $0xffff  }
0x2dd: {  	v11 =	vld.idx.msk [tilespmem:v11+s3+$0x0], $0xffff  }
0x2de: {  	v12 =	vld.idx.msk [tilespmem:v12+s3+$0x0], $0xffff  }
0x2df: {  	v13 =	vld.idx.msk [tilespmem:v13+s3+$0x0], $0xffff  }
0x2e0: {  	v14 =	vld.idx.msk [tilespmem:v14+s3+$0x0], $0xffff  }
0x2e1: {  	v3 =	vld.idx.msk [tilespmem:v3+s3+$0x0], $0xffff  }
0x2e2: {  	v4 =	vld.idx.msk [tilespmem:v4+s3+$0x0], $0xffff  }
0x2e3: {  	v5 =	vld.idx.msk [tilespmem:v5+s3+$0x0], $0xffff  }
0x2e4: {  	v6 =	vld.idx.msk [tilespmem:v6+s3+$0x0], $0xffff  }
0x2e5: {  	v7 =	vld.idx.msk [tilespmem:v7+s3+$0x0], $0xffff  }
0x2e6: {  	s24 =	sshra.s32 s24, $0x2;
	v0 =	vld.idx.msk [tilespmem:v0+s3+$0x0], $0xffff  }
0x2e7: {  	v15 =	vld.idx.msk [tilespmem:v15+s3+$0x0], $0xffff;
	[tilespmem:s24+$0x1C700] =	vst v1  }
0x2e8: {  	[tilespmem:s24+$0x1C710] =	vst v2  }
0x2e9: {  	[tilespmem:s24+$0x1C720] =	vst v8  }
0x2ea: {  	[tilespmem:s24+$0x1C730] =	vst v9  }
0x2eb: {  	[tilespmem:s24+$0x1C740] =	vst v10  }
0x2ec: {  	[tilespmem:s24+$0x1C750] =	vst v11  }
0x2ed: {  	[tilespmem:s24+$0x1C760] =	vst v12  }
0x2ee: {  	[tilespmem:s24+$0x1C770] =	vst v13  }
0x2ef: {  	[tilespmem:s24+$0x1C800] =	vst v14  }
0x2f0: {  	[tilespmem:s24+$0x1C810] =	vst v3  }
0x2f1: {  	[tilespmem:s24+$0x1C820] =	vst v4  }
0x2f2: {  	[tilespmem:s24+$0x1C830] =	vst v5  }
0x2f3: {  	[tilespmem:s24+$0x1C840] =	vst v6  }
0x2f4: {  	[tilespmem:s24+$0x1C850] =	vst v7  }
0x2f5: {  	s23 =	simm.s32 $0x1C700;
	[tilespmem:s24+$0x1C860] =	vst v0  }
0x2f6: {  	s26 =	sadd.s32 $0x0, s12;
	s25 =	simm.s32 $0x1C800;
	[tilespmem:s24+$0x1C870] =	vst v15;
	s24 =	simm.s32 $0x80  }
.LBB2_28:
0x2f7: {  	[hbm4b:s26+s3] =	stream.linear.scatter [tilespmem:s23], [sflag:$0x2], $0x80, $0x38;
	[tilespmem:$0x1EB00] =	vst v63  }
0x2f8: {  	s26 =	smov.u32 s24;
	s23 =	smov.u32 s25;
	p1 =	sne.s32 s24, $0xF80  }
.Ltmp13:
0x2f9: {  	s24 =	sadd.s32 $0x80, s24;
	(pc) =	sbr.rel @p1 .LBB2_28-.Ltmp13, $2  }
0x2fa: {  	_ =	sdelay $0x2  }
0x2fb: {  	s25 =	sadd.s32 $0x100, s25;
	s26 =	sadd.s32 s26, s12  }
0x2fc: {  	[hbm4b:s26+s3] =	stream.linear.scatter [tilespmem:s23], [sflag:$0x2], $0x80, $0x38;
	[tilespmem:$0x1EB00] =	vst v63  }
0x2fd: {  	_ =	swait.ge [sflag:s21], $0x1000  }
0x2fe: {  	[sflag:s21] =	ssyncset.done $0x0  }
0x2ff: {  	s23 =	simm.s32 $0x1B7F0;
	[sflag:s21] =	ssyncadd.s32 $0xFFFFF000  }
0x300: {  	v1 =	vld [tilespmem:s23+$0xFFFFFF10]  }
0x301: {  	v2 =	vld [tilespmem:s23+$0xFFFFFF20]  }
0x302: {  	v8 =	vld [tilespmem:s23+$0xFFFFFF30]  }
0x303: {  	v9 =	vld [tilespmem:s23+$0xFFFFFF40]  }
0x304: {  	v10 =	vld [tilespmem:s23+$0xFFFFFF50]  }
0x305: {  	v11 =	vld [tilespmem:s23+$0xFFFFFF60]  }
0x306: {  	v12 =	vld [tilespmem:s23+$0xFFFFFF70]  }
0x307: {  	v13 =	vld [tilespmem:s23+$0xFFFFFF80]  }
0x308: {  	v14 =	vld [tilespmem:s23+$0xFFFFFF90]  }
0x309: {  	v3 =	vld [tilespmem:s23+$0xFFFFFFA0]  }
0x30a: {  	v4 =	vld [tilespmem:s23+$0xFFFFFFB0]  }
0x30b: {  	v5 =	vld [tilespmem:s23+$0xFFFFFFC0]  }
0x30c: {  	v6 =	vld [tilespmem:s23+$0xFFFFFFD0]  }
0x30d: {  	v7 =	vld [tilespmem:s23+$0xFFFFFFE0]  }
0x30e: {  	v0 =	vld [tilespmem:s23+$0xFFFFFFF0]  }
0x30f: {  	v15 =	vld [tilespmem:s23+$0x0]  }
0x310: {  	v1 =	vld.idx.msk [tilespmem:v1+s3+$0x0], $0xffff  }
0x311: {  	s24 =	simm.s32 $0x0;
	s25 =	simm.s32 $0x800;
	v2 =	vld.idx.msk [tilespmem:v2+s3+$0x0], $0xffff  }
.LBB2_30:
0x312: {  	p1 =	sne.s32 s25, $0x7800;
	v8 =	vld.idx.msk [tilespmem:v8+s3+$0x0], $0xffff  }
0x313: {  	v9 =	vld.idx.msk [tilespmem:v9+s3+$0x0], $0xffff  }
0x314: {  	v10 =	vld.idx.msk [tilespmem:v10+s3+$0x0], $0xffff  }
0x315: {  	v11 =	vld.idx.msk [tilespmem:v11+s3+$0x0], $0xffff  }
0x316: {  	v12 =	vld.idx.msk [tilespmem:v12+s3+$0x0], $0xffff  }
0x317: {  	v13 =	vld.idx.msk [tilespmem:v13+s3+$0x0], $0xffff  }
0x318: {  	v14 =	vld.idx.msk [tilespmem:v14+s3+$0x0], $0xffff  }
0x319: {  	v15 =	vld.idx.msk [tilespmem:v15+s3+$0x0], $0xffff  }
0x31a: {  	v3 =	vld.idx.msk [tilespmem:v3+s3+$0x0], $0xffff  }
0x31b: {  	v4 =	vld.idx.msk [tilespmem:v4+s3+$0x0], $0xffff  }
0x31c: {  	v5 =	vld.idx.msk [tilespmem:v5+s3+$0x0], $0xffff  }
0x31d: {  	v6 =	vld.idx.msk [tilespmem:v6+s3+$0x0], $0xffff  }
0x31e: {  	s26 =	sshra.s32 s24, $0x2;
	s24 =	smov.u32 s25;
	v7 =	vld.idx.msk [tilespmem:v7+s3+$0x0], $0xffff  }
0x31f: {  	v0 =	vld.idx.msk [tilespmem:v0+s3+$0x0], $0xffff;
	[tilespmem:s26+$0x1C8F0] =	vst v15  }
0x320: {  	[tilespmem:s26+$0x1C780] =	vst v1  }
0x321: {  	[tilespmem:s26+$0x1C790] =	vst v2  }
0x322: {  	[tilespmem:s26+$0x1C7A0] =	vst v8  }
0x323: {  	[tilespmem:s26+$0x1C7B0] =	vst v9  }
0x324: {  	[tilespmem:s26+$0x1C7C0] =	vst v10  }
0x325: {  	[tilespmem:s26+$0x1C7D0] =	vst v11  }
0x326: {  	[tilespmem:s26+$0x1C7E0] =	vst v12  }
0x327: {  	[tilespmem:s26+$0x1C7F0] =	vst v13  }
0x328: {  	[tilespmem:s26+$0x1C880] =	vst v14  }
0x329: {  	[tilespmem:s26+$0x1C890] =	vst v3  }
0x32a: {  	[tilespmem:s26+$0x1C8A0] =	vst v4  }
0x32b: {  	[tilespmem:s26+$0x1C8B0] =	vst v5  }
0x32c: {  	[tilespmem:s26+$0x1C8C0] =	vst v6  }
0x32d: {  	[tilespmem:s26+$0x1C8D0] =	vst v7  }
0x32e: {  	s23 =	sadd.s32 $0x100, s23;
	[tilespmem:s26+$0x1C8E0] =	vst v0  }
0x32f: {  	v1 =	vld [tilespmem:s23+$0xFFFFFF10]  }
0x330: {  	v2 =	vld [tilespmem:s23+$0xFFFFFF20]  }
0x331: {  	v8 =	vld [tilespmem:s23+$0xFFFFFF30]  }
0x332: {  	v9 =	vld [tilespmem:s23+$0xFFFFFF40]  }
0x333: {  	v10 =	vld [tilespmem:s23+$0xFFFFFF50]  }
0x334: {  	v11 =	vld [tilespmem:s23+$0xFFFFFF60]  }
0x335: {  	v12 =	vld [tilespmem:s23+$0xFFFFFF70]  }
0x336: {  	v13 =	vld [tilespmem:s23+$0xFFFFFF80]  }
0x337: {  	v14 =	vld [tilespmem:s23+$0xFFFFFF90]  }
0x338: {  	v3 =	vld [tilespmem:s23+$0xFFFFFFA0]  }
0x339: {  	v4 =	vld [tilespmem:s23+$0xFFFFFFB0]  }
0x33a: {  	v5 =	vld [tilespmem:s23+$0xFFFFFFC0]  }
0x33b: {  	v6 =	vld [tilespmem:s23+$0xFFFFFFD0]  }
.Ltmp14:
0x33c: {  	v7 =	vld [tilespmem:s23+$0xFFFFFFE0];
	(pc) =	sbr.rel @p1 .LBB2_30-.Ltmp14, $4  }
0x33d: {  	v0 =	vld [tilespmem:s23+$0xFFFFFFF0]  }
0x33e: {  	v15 =	vld [tilespmem:s23+$0x0]  }
0x33f: {  	v1 =	vld.idx.msk [tilespmem:v1+s3+$0x0], $0xffff  }
0x340: {  	s25 =	sadd.s32 $0x800, s25;
	v2 =	vld.idx.msk [tilespmem:v2+s3+$0x0], $0xffff  }
0x341: {  	_ =	sdelay $0x3  }
0x342: {  	v8 =	vld.idx.msk [tilespmem:v8+s3+$0x0], $0xffff  }
0x343: {  	v9 =	vld.idx.msk [tilespmem:v9+s3+$0x0], $0xffff  }
0x344: {  	v10 =	vld.idx.msk [tilespmem:v10+s3+$0x0], $0xffff  }
0x345: {  	v11 =	vld.idx.msk [tilespmem:v11+s3+$0x0], $0xffff  }
0x346: {  	v12 =	vld.idx.msk [tilespmem:v12+s3+$0x0], $0xffff  }
0x347: {  	v13 =	vld.idx.msk [tilespmem:v13+s3+$0x0], $0xffff  }
0x348: {  	v14 =	vld.idx.msk [tilespmem:v14+s3+$0x0], $0xffff  }
0x349: {  	v3 =	vld.idx.msk [tilespmem:v3+s3+$0x0], $0xffff  }
0x34a: {  	v4 =	vld.idx.msk [tilespmem:v4+s3+$0x0], $0xffff  }
0x34b: {  	v5 =	vld.idx.msk [tilespmem:v5+s3+$0x0], $0xffff  }
0x34c: {  	v6 =	vld.idx.msk [tilespmem:v6+s3+$0x0], $0xffff  }
0x34d: {  	v7 =	vld.idx.msk [tilespmem:v7+s3+$0x0], $0xffff  }
0x34e: {  	s24 =	sshra.s32 s24, $0x2;
	v0 =	vld.idx.msk [tilespmem:v0+s3+$0x0], $0xffff  }
0x34f: {  	v15 =	vld.idx.msk [tilespmem:v15+s3+$0x0], $0xffff;
	[tilespmem:s24+$0x1C780] =	vst v1  }
0x350: {  	[tilespmem:s24+$0x1C790] =	vst v2  }
0x351: {  	[tilespmem:s24+$0x1C7A0] =	vst v8  }
0x352: {  	[tilespmem:s24+$0x1C7B0] =	vst v9  }
0x353: {  	[tilespmem:s24+$0x1C7C0] =	vst v10  }
0x354: {  	[tilespmem:s24+$0x1C7D0] =	vst v11  }
0x355: {  	[tilespmem:s24+$0x1C7E0] =	vst v12  }
0x356: {  	[tilespmem:s24+$0x1C7F0] =	vst v13  }
0x357: {  	[tilespmem:s24+$0x1C880] =	vst v14  }
0x358: {  	[tilespmem:s24+$0x1C890] =	vst v3  }
0x359: {  	[tilespmem:s24+$0x1C8A0] =	vst v4  }
0x35a: {  	[tilespmem:s24+$0x1C8B0] =	vst v5  }
0x35b: {  	[tilespmem:s24+$0x1C8C0] =	vst v6  }
0x35c: {  	[tilespmem:s24+$0x1C8D0] =	vst v7  }
0x35d: {  	s23 =	simm.s32 $0x1C780;
	[tilespmem:s24+$0x1C8E0] =	vst v0  }
0x35e: {  	s26 =	sadd.s32 $0x0, s13;
	s25 =	simm.s32 $0x1C880;
	[tilespmem:s24+$0x1C8F0] =	vst v15;
	s24 =	simm.s32 $0x80  }
.LBB2_32:
0x35f: {  	[hbm4b:s26+s3] =	stream.linear.scatter [tilespmem:s23], [sflag:$0x2], $0x80, $0x38;
	[tilespmem:$0x1EB00] =	vst v63  }
0x360: {  	s26 =	smov.u32 s24;
	s23 =	smov.u32 s25;
	p1 =	sne.s32 s24, $0xF80  }
.Ltmp15:
0x361: {  	s24 =	sadd.s32 $0x80, s24;
	(pc) =	sbr.rel @p1 .LBB2_32-.Ltmp15, $2  }
0x362: {  	_ =	sdelay $0x2  }
0x363: {  	s25 =	sadd.s32 $0x100, s25;
	s26 =	sadd.s32 s26, s13  }
0x364: {  	[hbm4b:s26+s3] =	stream.linear.scatter [tilespmem:s23], [sflag:$0x2], $0x80, $0x38;
	[tilespmem:$0x1EB00] =	vst v63  }
0x365: {  	s22 =	sadd.s32 $0x1, s22  }
0x366: {  	_ =	swait.ge [sflag:s21], $0x1000;
	p1 =	sne.s32 s22, s14  }
.Ltmp16:
0x367: {  	[sflag:s21] =	ssyncset.done $0x0;
	(pc) =	sbr.rel @p1 .LBB2_1-.Ltmp16, $4  }
0x368: {  	[sflag:s21] =	ssyncadd.s32 $0xFFFFF000  }
0x369: {  	_ =	swait.ge [sflag:s21], $0x1000  }
0x36a: {  	[sflag:s21] =	ssyncset.done $0x0  }
0x36b: {  	[sflag:s21] =	ssyncadd.s32 $0xFFFFF000  }
0x36c: {  	_ =	sfence.sel $0x180000  }
0x36d: {  	[bflag:$0x0] =	sbarrier.arrive $0xFFFF  }
0x36e: {  	_ =	strace $0x90000047  }
0x36f: {  	s0 =	sadd.s32 @!p0 $0x100000, s0;
	[bflag:$0x2] =	sbarrier.arrive $0xFFFF  }
0x370: {  	[sflag:s0] =	ssyncadd.tile.s32 @!p0 $0x1;
	_ =	shalt  }
.Lfunc_end2:
_tile_overlayer_lowered:
.L_overlay_start_2:
0x371: {  	(tag) =	ssettag $0x2  }
0x372: {  	s0 =	rddreg [dreg:$0x0];
	s2 =	stileid.u32  }
0x373: {  	s1 =	rddreg [dreg:$0x1];
	p0 =	sne.s32 s2, $0x0  }
0x374: {  	s3 =	rddreg [dreg:$0x2];
	[bflag:$0x3] =	sbarrier.arrive $0xFFFF;
	s2 =	simm.s32 @!p0 $0x1C03  }
0x375: {  	[timem:s3], [sflag:s2] =	dma.local @!p0 [hbm:s0], s1  }
0x376: {  	s0 =	simm.s32 @!p0 $0x3  }
0x377: {  	_ =	swait.ge @!p0 [sflag:s0], s1  }
0x378: {  	s1 =	ssub.s32 @!p0 $0x0, s1;
	[sflag:s0] =	ssyncset.done @!p0 $0x0  }
0x379: {  	[sflag:s0] =	ssyncadd.s32 @!p0 s1  }
0x37a: {  	[bflag:$0x3] =	sbarrier.arrive $0xFFFF  }
0x37b: {  	_ =	shalt  }

</sc_bundles>
